<compile_context>
chip_gen: v7x
topology: tpu7x:2x2x1
jax: 0.10.2.dev20260603
libtpu: 0.0.44.dev20260713+nightly
codegen_flags: <defaults>
</compile_context>

<pallas_src>
import dataclasses

import jax
import jax.numpy as jnp
from jax import lax
from jax.experimental import pallas as pl
from jax.experimental.pallas import tpu as pltpu
from jax.experimental.pallas import tpu_sc as plsc

N = 10000
E = 320000
D = 128
H = 4
C = 32
NPAD = 10240
ROWB = 1280
CHUNK = 48
SUPER = 2
NSUPERS = 108
NCHUNKS = SUPER * NSUPERS
PER_TILE = NCHUNKS * CHUNK
EPAD = PER_TILE * 32
ROWS_PER_TILE = NPAD // 16
DROWS = NPAD // 8
DROWS_PER_TILE = DROWS // 16


def _lin_body(x_ref, wl_ref, bl_ref, wr_ref, br_ref, xl_ref, xr_ref):
    xb = x_ref[...]
    xl_ref[...] = jnp.dot(xb, wl_ref[...],
                          preferred_element_type=jnp.float32) + bl_ref[...]
    xr_ref[...] = jnp.dot(xb, wr_ref[...],
                          preferred_element_type=jnp.float32) + br_ref[...]


def _linear(x_pad, W_l, b_l, W_r, b_r):
    grid = NPAD // ROWB
    return pl.pallas_call(
        _lin_body,
        grid=(grid,),
        in_specs=[
            pl.BlockSpec((ROWB, D), lambda i: (i, 0)),
            pl.BlockSpec((D, D), lambda i: (0, 0)),
            pl.BlockSpec((1, D), lambda i: (0, 0)),
            pl.BlockSpec((D, D), lambda i: (0, 0)),
            pl.BlockSpec((1, D), lambda i: (0, 0)),
        ],
        out_specs=[
            pl.BlockSpec((ROWB, D), lambda i: (i, 0)),
            pl.BlockSpec((ROWB, D), lambda i: (i, 0)),
        ],
        out_shape=[
            jax.ShapeDtypeStruct((NPAD, D), jnp.float32),
            jax.ShapeDtypeStruct((NPAD, D), jnp.float32),
        ],
    )(x_pad, W_l, b_l.reshape(1, D), W_r, b_r.reshape(1, D))


def _edge_kernel(xl_hbm, xr_hbm, src_hbm, dst_hbm, att_hbm,
                 out_msg_hbm, out_den_hbm,
                 srcb0, srcb1, dstb0, dstb1, d8b0, d8b1,
                 rows_l0, rows_l1, rows_r0, rows_r1, att_v,
                 acc, acc_den,
                 sem_i0, sem_i1, sem_l0, sem_l1, sem_r0, sem_r1,
                 sem_sl0, sem_sl1, sem_sr0, sem_sr1):
    c_ax = lax.axis_index("c")
    s = lax.axis_index("s")
    wid = c_ax * 16 + s
    tile_row0 = wid * NCHUNKS

    srcb = (srcb0, srcb1)
    dstb = (dstb0, dstb1)
    d8b = (d8b0, d8b1)
    rows_l = (rows_l0, rows_l1)
    rows_r = (rows_r0, rows_r1)
    sem_i = (sem_i0, sem_i1)
    sem_l = (sem_l0, sem_l1)
    sem_r = (sem_r0, sem_r1)
    sem_sl = (sem_sl0, sem_sl1)
    sem_sr = (sem_sr0, sem_sr1)

    pltpu.sync_copy(att_hbm, att_v)

    zeros16 = jnp.zeros((16,), jnp.float32)

    @pl.loop(0, CHUNK)
    def _(i):
        for k in range(D // 16):
            rows_l0[i, pl.ds(k * 16, 16)] = zeros16

    @pl.loop(0, ROWS_PER_TILE // CHUNK)
    def _(t):
        pltpu.sync_copy(rows_l0,
                        acc.at[pl.ds(s * ROWS_PER_TILE + t * CHUNK, CHUNK)])
    _rem = ROWS_PER_TILE % CHUNK
    if _rem:
        pltpu.sync_copy(
            rows_l0.at[pl.ds(0, _rem)],
            acc.at[pl.ds(s * ROWS_PER_TILE + ROWS_PER_TILE - _rem, _rem)])
    pltpu.sync_copy(rows_l0, acc_den.at[pl.ds(s * DROWS_PER_TILE, CHUNK)])
    pltpu.sync_copy(rows_l0.at[pl.ds(0, DROWS_PER_TILE - CHUNK)],
                    acc_den.at[pl.ds(s * DROWS_PER_TILE + CHUNK,
                                     DROWS_PER_TILE - CHUNK)])

    plsc.subcore_barrier()

    lane = lax.iota(jnp.int32, 16)
    onehots = [jnp.where(lane == h, 1.0, 0.0).astype(jnp.float32)
               for h in range(H)]

    def issue_idx(sup, b):
        row = tile_row0 + sup * SUPER
        pltpu.async_copy(src_hbm.at[pl.ds(row, SUPER)], srcb[b], sem_i[b])
        pltpu.async_copy(dst_hbm.at[pl.ds(row, SUPER)], dstb[b], sem_i[b])

    def wait_idx(b):
        pltpu.make_async_copy(src_hbm.at[pl.ds(0, SUPER)], srcb[b],
                              sem_i[b]).wait()
        pltpu.make_async_copy(dst_hbm.at[pl.ds(0, SUPER)], dstb[b],
                              sem_i[b]).wait()

    def fill_d8(b):
        for cc in range(SUPER):
            for k in range(CHUNK // 16):
                d8b[b][cc, pl.ds(k * 16, 16)] = lax.shift_right_logical(
                    dstb[b][cc, pl.ds(k * 16, 16)], 3)

    def issue_gather(ib, cc, rb):
        pltpu.async_copy(xl_hbm.at[srcb[ib].at[cc]], rows_l[rb], sem_l[rb])
        pltpu.async_copy(xr_hbm.at[dstb[ib].at[cc]], rows_r[rb], sem_r[rb])

    def wait_gather(rb):
        pltpu.make_async_copy(xl_hbm.at[srcb[0].at[0]], rows_l[rb],
                              sem_l[rb]).wait()
        pltpu.make_async_copy(xr_hbm.at[dstb[0].at[0]], rows_r[rb],
                              sem_r[rb]).wait()

    def compute_chunk(ib, cc, rb):
        rl = rows_l[rb]
        rr = rows_r[rb]

        @pl.loop(0, CHUNK)
        def _(i):
            lchunks = []
            tsum = []
            for k in range(8):
                zl = rl[i, pl.ds(k * 16, 16)]
                zr = rr[i, pl.ds(k * 16, 16)]
                z = zl + zr
                z = jnp.maximum(z, 0.2 * z)
                lchunks.append(zl)
                tsum.append(z * att_v[pl.ds(k * 16, 16)])
            exvs = []
            for h in range(H):
                lh = jnp.sum(tsum[2 * h] + tsum[2 * h + 1])
                exvs.append(jnp.exp(jnp.full((16,), lh, jnp.float32)))
            for k in range(8):
                rl[i, pl.ds(k * 16, 16)] = lchunks[k] * exvs[k // 2]
            den = (exvs[0] * onehots[0] + exvs[1] * onehots[1]
                   + exvs[2] * onehots[2] + exvs[3] * onehots[3])
            dsplat = plsc.load_gather(
                dstb[ib], [jnp.full((16,), cc, jnp.int32),
                           jnp.full((16,), i, jnp.int32)])
            dm8 = jnp.bitwise_and(dsplat, 7)
            for j in range(8):
                rr[i, pl.ds(j * 16, 16)] = jnp.where(dm8 == j, den, zeros16)

    def scatter_chunk(ib, cc, rb):
        pltpu.async_copy(rows_l[rb], acc.at[dstb[ib].at[cc]], sem_sl[rb],
                         add=True)
        pltpu.async_copy(rows_r[rb], acc_den.at[d8b[ib].at[cc]], sem_sr[rb],
                         add=True)

    def wait_scatter(rb):
        pltpu.make_async_copy(rows_l[rb], acc.at[dstb[0].at[0]],
                              sem_sl[rb]).wait()
        pltpu.make_async_copy(rows_r[rb], acc_den.at[d8b[0].at[0]],
                              sem_sr[rb]).wait()

    issue_idx(0, 0)
    issue_idx(1, 1)
    wait_idx(0)
    fill_d8(0)
    issue_gather(0, 0, 0)

    @pl.loop(0, NSUPERS // 2)
    def _(spair):
        for sb in range(2):
            sup = 2 * spair + sb
            for cc in range(SUPER):
                rb = cc % 2
                wait_gather(rb)
                if cc < SUPER - 1:
                    if cc == 0 and sb == 0:
                        @pl.when(spair > 0)
                        def _():
                            wait_scatter(1 - rb)
                    elif cc == 0:
                        wait_scatter(1 - rb)
                    else:
                        wait_scatter(1 - rb)
                    issue_gather(sb, cc + 1, 1 - rb)
                elif sb == 0:
                    wait_idx(1)
                    fill_d8(1)
                    wait_scatter(1 - rb)
                    issue_gather(1, 0, 1 - rb)
                else:
                    @pl.when(spair < NSUPERS // 2 - 1)
                    def _():
                        wait_idx(0)
                        fill_d8(0)
                        wait_scatter(1 - rb)
                        issue_gather(0, 0, 1 - rb)
                compute_chunk(sb, cc, rb)
                scatter_chunk(sb, cc, rb)
            @pl.when(spair < NSUPERS // 2 - 1)
            def _():
                issue_idx(sup + 2, sb)

    wait_scatter(0)
    wait_scatter(1)

    plsc.subcore_barrier()

    pltpu.sync_copy(acc.at[pl.ds(s * ROWS_PER_TILE, ROWS_PER_TILE)],
                    out_msg_hbm.at[c_ax,
                                   pl.ds(s * ROWS_PER_TILE, ROWS_PER_TILE)])
    pltpu.sync_copy(
        acc_den.at[pl.ds(s * DROWS_PER_TILE, DROWS_PER_TILE)],
        out_den_hbm.at[c_ax, pl.ds(s * DROWS_PER_TILE, DROWS_PER_TILE)])


def _edge_pass(xl_pad, xr_pad, src_all, dst_all, att_flat):
    mesh = plsc.VectorSubcoreMesh(core_axis_name="c", subcore_axis_name="s")
    cp = pltpu.CompilerParams()
    if "needs_layout_passes" in pltpu.CompilerParams.__dataclass_fields__:
        cp = dataclasses.replace(cp, needs_layout_passes=False)
    run = pl.kernel(
        _edge_kernel,
        mesh=mesh,
        compiler_params=cp,
        out_type=[
            jax.ShapeDtypeStruct((2, NPAD, D), jnp.float32),
            jax.ShapeDtypeStruct((2, DROWS, D), jnp.float32),
        ],
        scratch_types=[
            pltpu.VMEM((SUPER, CHUNK), jnp.int32),
            pltpu.VMEM((SUPER, CHUNK), jnp.int32),
            pltpu.VMEM((SUPER, CHUNK), jnp.int32),
            pltpu.VMEM((SUPER, CHUNK), jnp.int32),
            pltpu.VMEM((SUPER, CHUNK), jnp.int32),
            pltpu.VMEM((SUPER, CHUNK), jnp.int32),
            pltpu.VMEM((CHUNK, D), jnp.float32),
            pltpu.VMEM((CHUNK, D), jnp.float32),
            pltpu.VMEM((CHUNK, D), jnp.float32),
            pltpu.VMEM((CHUNK, D), jnp.float32),
            pltpu.VMEM((D,), jnp.float32),
            pltpu.VMEM_SHARED((NPAD, D), jnp.float32),
            pltpu.VMEM_SHARED((DROWS, D), jnp.float32),
            pltpu.SemaphoreType.DMA,
            pltpu.SemaphoreType.DMA,
            pltpu.SemaphoreType.DMA,
            pltpu.SemaphoreType.DMA,
            pltpu.SemaphoreType.DMA,
            pltpu.SemaphoreType.DMA,
            pltpu.SemaphoreType.DMA,
            pltpu.SemaphoreType.DMA,
            pltpu.SemaphoreType.DMA,
            pltpu.SemaphoreType.DMA,
        ],
    )
    return run(xl_pad, xr_pad, src_all, dst_all, att_flat)


def _epi_body(num_ref, den_ref, x_ref, bias_ref, gamma_ref, beta_ref, o_ref):
    nv = num_ref[...]
    num = nv[0] + nv[1]
    dv = den_ref[...]
    den = dv[0] + dv[1]
    row = lax.broadcasted_iota(jnp.int32, (16, D), 0)
    col = lax.broadcasted_iota(jnp.int32, (16, D), 1)
    sel = jnp.where(col // C == row, 1.0, 0.0).astype(jnp.float32)
    denf = jax.lax.dot_general(den, sel, (((1,), (0,)), ((), ())),
                               preferred_element_type=jnp.float32)
    y = num / (denf + 1e-16) + bias_ref[...] + x_ref[...]
    mu = jnp.mean(y, axis=1, keepdims=True)
    d = y - mu
    var = jnp.mean(d * d, axis=1, keepdims=True)
    o_ref[...] = d * lax.rsqrt(var + 1e-5) * gamma_ref[...] + beta_ref[...]


def _epilogue(numer, den, x_pad, bias, gamma, beta):
    grid = NPAD // ROWB
    return pl.pallas_call(
        _epi_body,
        grid=(grid,),
        in_specs=[
            pl.BlockSpec((2, ROWB, D), lambda i: (0, i, 0)),
            pl.BlockSpec((2, ROWB, 16), lambda i: (0, i, 0)),
            pl.BlockSpec((ROWB, D), lambda i: (i, 0)),
            pl.BlockSpec((1, D), lambda i: (0, 0)),
            pl.BlockSpec((1, D), lambda i: (0, 0)),
            pl.BlockSpec((1, D), lambda i: (0, 0)),
        ],
        out_specs=pl.BlockSpec((ROWB, D), lambda i: (i, 0)),
        out_shape=jax.ShapeDtypeStruct((NPAD, D), jnp.float32),
    )(numer, den, x_pad, bias.reshape(1, D), gamma.reshape(1, D),
      beta.reshape(1, D))


def kernel(x, edge_index, W_l, b_l, W_r, b_r, att, bias, gamma, beta):
    x_pad = jnp.pad(x, ((0, NPAD - N), (0, 0)))
    loop = jnp.arange(N, dtype=jnp.int32)
    pad_idx = jnp.full((EPAD - E - N,), N, dtype=jnp.int32)
    src_all = jnp.concatenate([edge_index[0], loop, pad_idx])
    dst_all = jnp.concatenate([edge_index[1], loop, pad_idx])
    src_2d = src_all.reshape(EPAD // CHUNK, CHUNK)
    dst_2d = dst_all.reshape(EPAD // CHUNK, CHUNK)
    att_flat = att.reshape(H * C)

    xl_pad, xr_pad = _linear(x_pad, W_l, b_l, W_r, b_r)
    numer, den_parts = _edge_pass(xl_pad, xr_pad, src_2d, dst_2d, att_flat)
    den = den_parts.reshape(2, NPAD, 16)
    out = _epilogue(numer, den, x_pad, bias, gamma, beta)
    return out[:N]

# --- scband reference (transcript-rebuilt; emitter-appended) ---
"""Pipeline reference for scband-hierarchical-gatlayer-46677704573243 (READ-ONLY COPY).

The authoritative reference and input builder live on the scoring server;
editing this copy changes nothing except your own understanding.
"""

import jax, jax.numpy as jnp
import numpy as np

N = 10000
E = 320000
D = 128
H = 4
C = 32  # out_dim // num_heads


def setup_inputs(seed: int = 0) -> dict:
    key = jax.random.key(seed)
    ks = jax.random.split(key, 8)
    x = jax.random.normal(ks[0], (N, D), dtype=jnp.float32)
    edge_index = jax.random.randint(ks[1], (2, E), 0, N, dtype=jnp.int32)
    # GATv2Conv params (share_weights=False, bias=True): lin_l, lin_r, att, out bias
    W_l = jax.random.normal(ks[2], (D, H * C), dtype=jnp.float32) * 0.08
    b_l = jnp.zeros((H * C,), dtype=jnp.float32)
    W_r = jax.random.normal(ks[3], (D, H * C), dtype=jnp.float32) * 0.08
    b_r = jnp.zeros((H * C,), dtype=jnp.float32)
    att = jax.random.normal(ks[4], (H, C), dtype=jnp.float32) * 0.1
    bias = jnp.zeros((H * C,), dtype=jnp.float32)
    # LayerNorm params
    gamma = jnp.ones((D,), dtype=jnp.float32)
    beta = jnp.zeros((D,), dtype=jnp.float32)
    return {"x": x, "edge_index": edge_index, "W_l": W_l, "b_l": b_l,
            "W_r": W_r, "b_r": b_r, "att": att, "bias": bias,
            "gamma": gamma, "beta": beta}


def reference(x, edge_index, W_l, b_l, W_r, b_r, att, bias, gamma, beta):
    n = x.shape[0]
    # PyG GATv2Conv default: add_self_loops=True
    loop = jnp.arange(n, dtype=edge_index.dtype)
    src = jnp.concatenate([edge_index[0], loop])
    dst = jnp.concatenate([edge_index[1], loop])
    xl = (x @ W_l + b_l).reshape(n, H, C)  # source transform
    xr = (x @ W_r + b_r).reshape(n, H, C)  # target transform
    # GATv2 attention: a^T LeakyReLU(xl_j + xr_i)
    e = xl[src] + xr[dst]                   # [Etot, H, C]
    e = jnp.where(e > 0, e, 0.2 * e)        # leaky_relu, negative_slope=0.2
    logits = (e * att[None, :, :]).sum(-1)  # [Etot, H]
    # softmax over incoming edges per dst node
    m = jax.ops.segment_max(logits, dst, num_segments=n)
    m = jnp.where(jnp.isfinite(m), m, 0.0)
    m = jax.lax.stop_gradient(m)
    ex = jnp.exp(logits - m[dst])
    den = jax.ops.segment_sum(ex, dst, num_segments=n)
    alpha = ex / (den[dst] + 1e-16)         # [Etot, H]
    # message = alpha * xl_j ; aggregate by dst
    msg = xl[src] * alpha[:, :, None]
    out = jax.ops.segment_sum(msg, dst, num_segments=n).reshape(n, H * C)
    out = out + bias
    # residual (in_dim == out_dim)
    out = out + x
    # LayerNorm
    mu = out.mean(-1, keepdims=True)
    var = out.var(-1, keepdims=True)
    out = (out - mu) / jnp.sqrt(var + 1e-5) * gamma + beta
    return out

if __name__ == "__main__":
    import jax
    _d = setup_inputs()
    print(jax.jit(kernel)(*tuple(_d.values())))

</pallas_src>

<mosaic_0001>
#map = affine_map<(d0, d1) -> (0, 0)>
#map1 = affine_map<(d0, d1) -> (0)>
#map2 = affine_map<(d0, d1) -> (0, 0, 0)>
module attributes {stable_mosaic.version = 14 : i64} {
  func.func @_edge_kernel(%arg0: i32, %arg1: i32, %arg2: memref<10240x128xf32, #tpu.memory_space<hbm>>, %arg3: memref<10240x128xf32, #tpu.memory_space<hbm>>, %arg4: memref<6912x48xi32, #tpu.memory_space<hbm>>, %arg5: memref<6912x48xi32, #tpu.memory_space<hbm>>, %arg6: memref<128xf32, #tpu.memory_space<hbm>>, %arg7: memref<2x10240x128xf32, #tpu.memory_space<hbm>>, %arg8: memref<2x1280x128xf32, #tpu.memory_space<hbm>>, %arg9: memref<2x48xi32, #tpu.memory_space<vmem>>, %arg10: memref<2x48xi32, #tpu.memory_space<vmem>>, %arg11: memref<2x48xi32, #tpu.memory_space<vmem>>, %arg12: memref<2x48xi32, #tpu.memory_space<vmem>>, %arg13: memref<2x48xi32, #tpu.memory_space<vmem>>, %arg14: memref<2x48xi32, #tpu.memory_space<vmem>>, %arg15: memref<48x128xf32, #tpu.memory_space<vmem>>, %arg16: memref<48x128xf32, #tpu.memory_space<vmem>>, %arg17: memref<48x128xf32, #tpu.memory_space<vmem>>, %arg18: memref<48x128xf32, #tpu.memory_space<vmem>>, %arg19: memref<128xf32, #tpu.memory_space<vmem>>, %arg20: memref<10240x128xf32, #tpu.memory_space<vmem_shared>>, %arg21: memref<1280x128xf32, #tpu.memory_space<vmem_shared>>, %arg22: memref<!tpu.dma_semaphore, #tpu.memory_space<semaphore_mem>>, %arg23: memref<!tpu.dma_semaphore, #tpu.memory_space<semaphore_mem>>, %arg24: memref<!tpu.dma_semaphore, #tpu.memory_space<semaphore_mem>>, %arg25: memref<!tpu.dma_semaphore, #tpu.memory_space<semaphore_mem>>, %arg26: memref<!tpu.dma_semaphore, #tpu.memory_space<semaphore_mem>>, %arg27: memref<!tpu.dma_semaphore, #tpu.memory_space<semaphore_mem>>, %arg28: memref<!tpu.dma_semaphore, #tpu.memory_space<semaphore_mem>>, %arg29: memref<!tpu.dma_semaphore, #tpu.memory_space<semaphore_mem>>, %arg30: memref<!tpu.dma_semaphore, #tpu.memory_space<semaphore_mem>>, %arg31: memref<!tpu.dma_semaphore, #tpu.memory_space<semaphore_mem>>) attributes {dimension_semantics = [#tpu.dimension_semantics<core_parallel>, #tpu.dimension_semantics<subcore_parallel>], iteration_bounds = array<i64: 2, 16>, scalar_prefetch = 0 : i64, scratch_operands = 23 : i64, tpu.core_type = #tpu.core_type<sc_vector_subcore>, window_params = [{transform_indices = #map}, {transform_indices = #map}, {transform_indices = #map}, {transform_indices = #map}, {transform_indices = #map1}, {transform_indices = #map2}, {transform_indices = #map2}]} {
    %mul3A = arith.constant 16 : i32
    %mul3A_0 = arith.muli %arg0, %mul3A : i32
    %add3A = arith.addi %mul3A_0, %arg1 : i32
    %mul3A_1 = arith.constant 216 : i32
    %mul3A_2 = arith.muli %add3A, %mul3A_1 : i32
    "tpu.region"() ({
      %run_scoped3A = tpu.sem_alloc : memref<!tpu.dma_semaphore, #tpu.memory_space<semaphore_mem>>
      tpu.enqueue_dma source(%arg6 : memref<128xf32, #tpu.memory_space<hbm>>) target(%arg19 : memref<128xf32, #tpu.memory_space<vmem>>) target_semaphore(%run_scoped3A : memref<!tpu.dma_semaphore, #tpu.memory_space<semaphore_mem>>)
      tpu.wait_dma2 semaphore(%run_scoped3A : memref<!tpu.dma_semaphore, #tpu.memory_space<semaphore_mem>>) src(%arg6 : memref<128xf32, #tpu.memory_space<hbm>>) dst(%arg19 : memref<128xf32, #tpu.memory_space<vmem>>)
      tpu.yield
    }) : () -> ()
    %broadcast_in_dim3A = arith.constant 0.000000e+00 : f32
    %broadcast_in_dim3A_3 = vector.broadcast %broadcast_in_dim3A : f32 to vector<16xf32>
    %scan3A = arith.constant 0 : i32
    %scan3A_4 = arith.constant 48 : i32
    %scan3A_5 = arith.addi %scan3A, %scan3A_4 : i32
    %scan3A_6 = arith.constant 1 : i32
    scf.for %scan3A_202 = %scan3A to %scan3A_5 step %scan3A_6  : i32 {
      %mul3A_203 = arith.constant 1 : i32
      %mul3A_204 = arith.muli %scan3A_202, %mul3A_203 : i32
      %add3A_205 = arith.constant 0 : i32
      %add3A_206 = arith.addi %add3A_205, %mul3A_204 : i32
      %swap3A_207 = arith.index_cast %add3A_206 : i32 to index
      %swap3A_208 = arith.constant 0 : index
      %swap3A_209 = tpu.vector_load %arg15[%swap3A_207, %swap3A_208] {strides = array<i32>} : memref<48x128xf32, #tpu.memory_space<vmem>>, vector<16xf32>,
      tpu.vector_store %arg15[%swap3A_207, %swap3A_208], %broadcast_in_dim3A_3 {strides = array<i32>} : memref<48x128xf32, #tpu.memory_space<vmem>>, vector<16xf32>,
      %swap3A_210 = arith.index_cast %add3A_206 : i32 to index
      %swap3A_211 = arith.constant 16 : index
      %swap3A_212 = tpu.vector_load %arg15[%swap3A_210, %swap3A_211] {strides = array<i32>} : memref<48x128xf32, #tpu.memory_space<vmem>>, vector<16xf32>,
      tpu.vector_store %arg15[%swap3A_210, %swap3A_211], %broadcast_in_dim3A_3 {strides = array<i32>} : memref<48x128xf32, #tpu.memory_space<vmem>>, vector<16xf32>,
      %swap3A_213 = arith.index_cast %add3A_206 : i32 to index
      %swap3A_214 = arith.constant 32 : index
      %swap3A_215 = tpu.vector_load %arg15[%swap3A_213, %swap3A_214] {strides = array<i32>} : memref<48x128xf32, #tpu.memory_space<vmem>>, vector<16xf32>,
      tpu.vector_store %arg15[%swap3A_213, %swap3A_214], %broadcast_in_dim3A_3 {strides = array<i32>} : memref<48x128xf32, #tpu.memory_space<vmem>>, vector<16xf32>,
      %swap3A_216 = arith.index_cast %add3A_206 : i32 to index
      %swap3A_217 = arith.constant 48 : index
      %swap3A_218 = tpu.vector_load %arg15[%swap3A_216, %swap3A_217] {strides = array<i32>} : memref<48x128xf32, #tpu.memory_space<vmem>>, vector<16xf32>,
      tpu.vector_store %arg15[%swap3A_216, %swap3A_217], %broadcast_in_dim3A_3 {strides = array<i32>} : memref<48x128xf32, #tpu.memory_space<vmem>>, vector<16xf32>,
      %swap3A_219 = arith.index_cast %add3A_206 : i32 to index
      %swap3A_220 = arith.constant 64 : index
      %swap3A_221 = tpu.vector_load %arg15[%swap3A_219, %swap3A_220] {strides = array<i32>} : memref<48x128xf32, #tpu.memory_space<vmem>>, vector<16xf32>,
      tpu.vector_store %arg15[%swap3A_219, %swap3A_220], %broadcast_in_dim3A_3 {strides = array<i32>} : memref<48x128xf32, #tpu.memory_space<vmem>>, vector<16xf32>,
      %swap3A_222 = arith.index_cast %add3A_206 : i32 to index
      %swap3A_223 = arith.constant 80 : index
      %swap3A_224 = tpu.vector_load %arg15[%swap3A_222, %swap3A_223] {strides = array<i32>} : memref<48x128xf32, #tpu.memory_space<vmem>>, vector<16xf32>,
      tpu.vector_store %arg15[%swap3A_222, %swap3A_223], %broadcast_in_dim3A_3 {strides = array<i32>} : memref<48x128xf32, #tpu.memory_space<vmem>>, vector<16xf32>,
      %swap3A_225 = arith.index_cast %add3A_206 : i32 to index
      %swap3A_226 = arith.constant 96 : index
      %swap3A_227 = tpu.vector_load %arg15[%swap3A_225, %swap3A_226] {strides = array<i32>} : memref<48x128xf32, #tpu.memory_space<vmem>>, vector<16xf32>,
      tpu.vector_store %arg15[%swap3A_225, %swap3A_226], %broadcast_in_dim3A_3 {strides = array<i32>} : memref<48x128xf32, #tpu.memory_space<vmem>>, vector<16xf32>,
      %swap3A_228 = arith.index_cast %add3A_206 : i32 to index
      %swap3A_229 = arith.constant 112 : index
      %swap3A_230 = tpu.vector_load %arg15[%swap3A_228, %swap3A_229] {strides = array<i32>} : memref<48x128xf32, #tpu.memory_space<vmem>>, vector<16xf32>,
      tpu.vector_store %arg15[%swap3A_228, %swap3A_229], %broadcast_in_dim3A_3 {strides = array<i32>} : memref<48x128xf32, #tpu.memory_space<vmem>>, vector<16xf32>,
    }
    %scan3A_7 = arith.constant 48 : i32
    %scan3A_8 = arith.constant 0 : i32
    %scan3A_9 = arith.constant 13 : i32
    %scan3A_10 = arith.addi %scan3A_8, %scan3A_9 : i32
    %scan3A_11 = arith.constant 1 : i32
    scf.for %scan3A_202 = %scan3A_8 to %scan3A_10 step %scan3A_11  : i32 {
      %mul3A_203 = arith.constant 1 : i32
      %mul3A_204 = arith.muli %scan3A_202, %mul3A_203 : i32
      %add3A_205 = arith.constant 0 : i32
      %add3A_206 = arith.addi %add3A_205, %mul3A_204 : i32
      %mul3A_207 = arith.constant 640 : i32
      %mul3A_208 = arith.muli %arg1, %mul3A_207 : i32
      %mul3A_209 = arith.constant 48 : i32
      %mul3A_210 = arith.muli %add3A_206, %mul3A_209 : i32
      %add3A_211 = arith.addi %mul3A_208, %mul3A_210 : i32
      "tpu.region"() ({
        %run_scoped3A = tpu.sem_alloc : memref<!tpu.dma_semaphore, #tpu.memory_space<semaphore_mem>>
        %dma_start3A_212 = arith.constant 0 : i32
        %dma_start3A_213 = tpu.memref_slice %arg20[%add3A_211, %dma_start3A_212] : memref<10240x128xf32, #tpu.memory_space<vmem_shared>> -> memref<48x128xf32, #tpu.memory_space<vmem_shared>>
        %dma_start3A_214 = arith.constant 0 : i32
        %dma_start3A_215 = tpu.memref_slice %arg20[%add3A_211, %dma_start3A_214] : memref<10240x128xf32, #tpu.memory_space<vmem_shared>> -> memref<48x128xf32, #tpu.memory_space<vmem_shared>>
        tpu.enqueue_dma source(%arg15 : memref<48x128xf32, #tpu.memory_space<vmem>>) target(%dma_start3A_215 : memref<48x128xf32, #tpu.memory_space<vmem_shared>>) target_semaphore(%run_scoped3A : memref<!tpu.dma_semaphore, #tpu.memory_space<semaphore_mem>>)
        %dma_wait3A_216 = arith.constant 0 : i32
        %dma_wait3A_217 = tpu.memref_slice %arg20[%add3A_211, %dma_wait3A_216] : memref<10240x128xf32, #tpu.memory_space<vmem_shared>> -> memref<48x128xf32, #tpu.memory_space<vmem_shared>>
        %dma_wait3A_218 = arith.constant 0 : i32
        %dma_wait3A_219 = tpu.memref_slice %arg20[%add3A_211, %dma_wait3A_218] : memref<10240x128xf32, #tpu.memory_space<vmem_shared>> -> memref<48x128xf32, #tpu.memory_space<vmem_shared>>
        tpu.wait_dma2 semaphore(%run_scoped3A : memref<!tpu.dma_semaphore, #tpu.memory_space<semaphore_mem>>) src(%arg15 : memref<48x128xf32, #tpu.memory_space<vmem>>) dst(%dma_wait3A_219 : memref<48x128xf32, #tpu.memory_space<vmem_shared>>)
        tpu.yield
      }) : () -> ()
    }
    %scan3A_12 = arith.constant 13 : i32
    %mul3A_13 = arith.constant 640 : i32
    %mul3A_14 = arith.muli %arg1, %mul3A_13 : i32
    %add3A_15 = arith.constant 640 : i32
    %add3A_16 = arith.addi %mul3A_14, %add3A_15 : i32
    %sub3A = arith.constant 16 : i32
    %sub3A_17 = arith.subi %add3A_16, %sub3A : i32
    "tpu.region"() ({
      %run_scoped3A = tpu.sem_alloc : memref<!tpu.dma_semaphore, #tpu.memory_space<semaphore_mem>>
      %dma_start3A_202 = arith.constant 0 : i32
      %dma_start3A_203 = arith.constant 0 : i32
      %dma_start3A_204 = tpu.memref_slice %arg15[%dma_start3A_202, %dma_start3A_203] : memref<48x128xf32, #tpu.memory_space<vmem>> -> memref<16x128xf32, #tpu.memory_space<vmem>>
      %dma_start3A_205 = arith.constant 0 : i32
      %dma_start3A_206 = tpu.memref_slice %arg20[%sub3A_17, %dma_start3A_205] : memref<10240x128xf32, #tpu.memory_space<vmem_shared>> -> memref<16x128xf32, #tpu.memory_space<vmem_shared>>
      %dma_start3A_207 = arith.constant 0 : i32
      %dma_start3A_208 = tpu.memref_slice %arg20[%sub3A_17, %dma_start3A_207] : memref<10240x128xf32, #tpu.memory_space<vmem_shared>> -> memref<16x128xf32, #tpu.memory_space<vmem_shared>>
      %dma_start3A_209 = arith.constant 0 : i32
      %dma_start3A_210 = arith.constant 0 : i32
      %dma_start3A_211 = tpu.memref_slice %arg15[%dma_start3A_209, %dma_start3A_210] : memref<48x128xf32, #tpu.memory_space<vmem>> -> memref<16x128xf32, #tpu.memory_space<vmem>>
      tpu.enqueue_dma source(%dma_start3A_211 : memref<16x128xf32, #tpu.memory_space<vmem>>) target(%dma_start3A_208 : memref<16x128xf32, #tpu.memory_space<vmem_shared>>) target_semaphore(%run_scoped3A : memref<!tpu.dma_semaphore, #tpu.memory_space<semaphore_mem>>)
      %dma_wait3A_212 = arith.constant 0 : i32
      %dma_wait3A_213 = arith.constant 0 : i32
      %dma_wait3A_214 = tpu.memref_slice %arg15[%dma_wait3A_212, %dma_wait3A_213] : memref<48x128xf32, #tpu.memory_space<vmem>> -> memref<16x128xf32, #tpu.memory_space<vmem>>
      %dma_wait3A_215 = arith.constant 0 : i32
      %dma_wait3A_216 = tpu.memref_slice %arg20[%sub3A_17, %dma_wait3A_215] : memref<10240x128xf32, #tpu.memory_space<vmem_shared>> -> memref<16x128xf32, #tpu.memory_space<vmem_shared>>
      %dma_wait3A_217 = arith.constant 0 : i32
      %dma_wait3A_218 = tpu.memref_slice %arg20[%sub3A_17, %dma_wait3A_217] : memref<10240x128xf32, #tpu.memory_space<vmem_shared>> -> memref<16x128xf32, #tpu.memory_space<vmem_shared>>
      %dma_wait3A_219 = arith.constant 0 : i32
      %dma_wait3A_220 = arith.constant 0 : i32
      %dma_wait3A_221 = tpu.memref_slice %arg15[%dma_wait3A_219, %dma_wait3A_220] : memref<48x128xf32, #tpu.memory_space<vmem>> -> memref<16x128xf32, #tpu.memory_space<vmem>>
      tpu.wait_dma2 semaphore(%run_scoped3A : memref<!tpu.dma_semaphore, #tpu.memory_space<semaphore_mem>>) src(%dma_wait3A_221 : memref<16x128xf32, #tpu.memory_space<vmem>>) dst(%dma_wait3A_218 : memref<16x128xf32, #tpu.memory_space<vmem_shared>>)
      tpu.yield
    }) : () -> ()
    %mul3A_18 = arith.constant 80 : i32
    %mul3A_19 = arith.muli %arg1, %mul3A_18 : i32
    "tpu.region"() ({
      %run_scoped3A = tpu.sem_alloc : memref<!tpu.dma_semaphore, #tpu.memory_space<semaphore_mem>>
      %dma_start3A_202 = arith.constant 0 : i32
      %dma_start3A_203 = tpu.memref_slice %arg21[%mul3A_19, %dma_start3A_202] : memref<1280x128xf32, #tpu.memory_space<vmem_shared>> -> memref<48x128xf32, #tpu.memory_space<vmem_shared>>
      %dma_start3A_204 = arith.constant 0 : i32
      %dma_start3A_205 = tpu.memref_slice %arg21[%mul3A_19, %dma_start3A_204] : memref<1280x128xf32, #tpu.memory_space<vmem_shared>> -> memref<48x128xf32, #tpu.memory_space<vmem_shared>>
      tpu.enqueue_dma source(%arg15 : memref<48x128xf32, #tpu.memory_space<vmem>>) target(%dma_start3A_205 : memref<48x128xf32, #tpu.memory_space<vmem_shared>>) target_semaphore(%run_scoped3A : memref<!tpu.dma_semaphore, #tpu.memory_space<semaphore_mem>>)
      %dma_wait3A_206 = arith.constant 0 : i32
      %dma_wait3A_207 = tpu.memref_slice %arg21[%mul3A_19, %dma_wait3A_206] : memref<1280x128xf32, #tpu.memory_space<vmem_shared>> -> memref<48x128xf32, #tpu.memory_space<vmem_shared>>
      %dma_wait3A_208 = arith.constant 0 : i32
      %dma_wait3A_209 = tpu.memref_slice %arg21[%mul3A_19, %dma_wait3A_208] : memref<1280x128xf32, #tpu.memory_space<vmem_shared>> -> memref<48x128xf32, #tpu.memory_space<vmem_shared>>
      tpu.wait_dma2 semaphore(%run_scoped3A : memref<!tpu.dma_semaphore, #tpu.memory_space<semaphore_mem>>) src(%arg15 : memref<48x128xf32, #tpu.memory_space<vmem>>) dst(%dma_wait3A_209 : memref<48x128xf32, #tpu.memory_space<vmem_shared>>)
      tpu.yield
    }) : () -> ()
    %mul3A_20 = arith.constant 80 : i32
    %mul3A_21 = arith.muli %arg1, %mul3A_20 : i32
    %add3A_22 = arith.constant 48 : i32
    %add3A_23 = arith.addi %mul3A_21, %add3A_22 : i32
    "tpu.region"() ({
      %run_scoped3A = tpu.sem_alloc : memref<!tpu.dma_semaphore, #tpu.memory_space<semaphore_mem>>
      %dma_start3A_202 = arith.constant 0 : i32
      %dma_start3A_203 = arith.constant 0 : i32
      %dma_start3A_204 = tpu.memref_slice %arg15[%dma_start3A_202, %dma_start3A_203] : memref<48x128xf32, #tpu.memory_space<vmem>> -> memref<32x128xf32, #tpu.memory_space<vmem>>
      %dma_start3A_205 = arith.constant 0 : i32
      %dma_start3A_206 = tpu.memref_slice %arg21[%add3A_23, %dma_start3A_205] : memref<1280x128xf32, #tpu.memory_space<vmem_shared>> -> memref<32x128xf32, #tpu.memory_space<vmem_shared>>
      %dma_start3A_207 = arith.constant 0 : i32
      %dma_start3A_208 = tpu.memref_slice %arg21[%add3A_23, %dma_start3A_207] : memref<1280x128xf32, #tpu.memory_space<vmem_shared>> -> memref<32x128xf32, #tpu.memory_space<vmem_shared>>
      %dma_start3A_209 = arith.constant 0 : i32
      %dma_start3A_210 = arith.constant 0 : i32
      %dma_start3A_211 = tpu.memref_slice %arg15[%dma_start3A_209, %dma_start3A_210] : memref<48x128xf32, #tpu.memory_space<vmem>> -> memref<32x128xf32, #tpu.memory_space<vmem>>
      tpu.enqueue_dma source(%dma_start3A_211 : memref<32x128xf32, #tpu.memory_space<vmem>>) target(%dma_start3A_208 : memref<32x128xf32, #tpu.memory_space<vmem_shared>>) target_semaphore(%run_scoped3A : memref<!tpu.dma_semaphore, #tpu.memory_space<semaphore_mem>>)
      %dma_wait3A_212 = arith.constant 0 : i32
      %dma_wait3A_213 = arith.constant 0 : i32
      %dma_wait3A_214 = tpu.memref_slice %arg15[%dma_wait3A_212, %dma_wait3A_213] : memref<48x128xf32, #tpu.memory_space<vmem>> -> memref<32x128xf32, #tpu.memory_space<vmem>>
      %dma_wait3A_215 = arith.constant 0 : i32
      %dma_wait3A_216 = tpu.memref_slice %arg21[%add3A_23, %dma_wait3A_215] : memref<1280x128xf32, #tpu.memory_space<vmem_shared>> -> memref<32x128xf32, #tpu.memory_space<vmem_shared>>
      %dma_wait3A_217 = arith.constant 0 : i32
      %dma_wait3A_218 = tpu.memref_slice %arg21[%add3A_23, %dma_wait3A_217] : memref<1280x128xf32, #tpu.memory_space<vmem_shared>> -> memref<32x128xf32, #tpu.memory_space<vmem_shared>>
      %dma_wait3A_219 = arith.constant 0 : i32
      %dma_wait3A_220 = arith.constant 0 : i32
      %dma_wait3A_221 = tpu.memref_slice %arg15[%dma_wait3A_219, %dma_wait3A_220] : memref<48x128xf32, #tpu.memory_space<vmem>> -> memref<32x128xf32, #tpu.memory_space<vmem>>
      tpu.wait_dma2 semaphore(%run_scoped3A : memref<!tpu.dma_semaphore, #tpu.memory_space<semaphore_mem>>) src(%dma_wait3A_221 : memref<32x128xf32, #tpu.memory_space<vmem>>) dst(%dma_wait3A_218 : memref<32x128xf32, #tpu.memory_space<vmem_shared>>)
      tpu.yield
    }) : () -> ()
    %barrier3A = arith.constant 0 : index
    tpu.barrier barrier_id(%barrier3A)
    %iota3A = tpu.iota {dimensions = array<i32: 0>} : vector<16xi32>
    %eq3A = arith.constant 0 : i32
    %eq3A_24 = vector.broadcast %eq3A : i32 to vector<16xi32>
    %eq3A_25 = arith.cmpi eq, %iota3A, %eq3A_24 : vector<16xi32>
    %jit3A = arith.constant 1.000000e+00 : f32
    %jit3A_26 = arith.constant 0.000000e+00 : f32
    %broadcast_in_dim3A_27 = vector.broadcast %jit3A : f32 to vector<16xf32>
    %broadcast_in_dim3A_28 = vector.broadcast %jit3A_26 : f32 to vector<16xf32>
    %select_n3A = arith.select %eq3A_25, %broadcast_in_dim3A_27, %broadcast_in_dim3A_28 : vector<16xi1>, vector<16xf32>
    %eq3A_29 = arith.constant 1 : i32
    %eq3A_30 = vector.broadcast %eq3A_29 : i32 to vector<16xi32>
    %eq3A_31 = arith.cmpi eq, %iota3A, %eq3A_30 : vector<16xi32>
    %jit3A_32 = arith.constant 1.000000e+00 : f32
    %jit3A_33 = arith.constant 0.000000e+00 : f32
    %broadcast_in_dim3A_34 = vector.broadcast %jit3A_32 : f32 to vector<16xf32>
    %broadcast_in_dim3A_35 = vector.broadcast %jit3A_33 : f32 to vector<16xf32>
    %select_n3A_36 = arith.select %eq3A_31, %broadcast_in_dim3A_34, %broadcast_in_dim3A_35 : vector<16xi1>, vector<16xf32>
    %eq3A_37 = arith.constant 2 : i32
    %eq3A_38 = vector.broadcast %eq3A_37 : i32 to vector<16xi32>
    %eq3A_39 = arith.cmpi eq, %iota3A, %eq3A_38 : vector<16xi32>
    %jit3A_40 = arith.constant 1.000000e+00 : f32
    %jit3A_41 = arith.constant 0.000000e+00 : f32
    %broadcast_in_dim3A_42 = vector.broadcast %jit3A_40 : f32 to vector<16xf32>
    %broadcast_in_dim3A_43 = vector.broadcast %jit3A_41 : f32 to vector<16xf32>
    %select_n3A_44 = arith.select %eq3A_39, %broadcast_in_dim3A_42, %broadcast_in_dim3A_43 : vector<16xi1>, vector<16xf32>
    %eq3A_45 = arith.constant 3 : i32
    %eq3A_46 = vector.broadcast %eq3A_45 : i32 to vector<16xi32>
    %eq3A_47 = arith.cmpi eq, %iota3A, %eq3A_46 : vector<16xi32>
    %jit3A_48 = arith.constant 1.000000e+00 : f32
    %jit3A_49 = arith.constant 0.000000e+00 : f32
    %broadcast_in_dim3A_50 = vector.broadcast %jit3A_48 : f32 to vector<16xf32>
    %broadcast_in_dim3A_51 = vector.broadcast %jit3A_49 : f32 to vector<16xf32>
    %select_n3A_52 = arith.select %eq3A_47, %broadcast_in_dim3A_50, %broadcast_in_dim3A_51 : vector<16xi1>, vector<16xf32>
    %add3A_53 = arith.constant 0 : i32
    %add3A_54 = arith.addi %mul3A_2, %add3A_53 : i32
    %dma_start3A = arith.constant 0 : i32
    %dma_start3A_55 = tpu.memref_slice %arg4[%add3A_54, %dma_start3A] : memref<6912x48xi32, #tpu.memory_space<hbm>> -> memref<2x48xi32, #tpu.memory_space<hbm>>
    %dma_start3A_56 = arith.constant 0 : i32
    %dma_start3A_57 = tpu.memref_slice %arg4[%add3A_54, %dma_start3A_56] : memref<6912x48xi32, #tpu.memory_space<hbm>> -> memref<2x48xi32, #tpu.memory_space<hbm>>
    tpu.enqueue_dma source(%dma_start3A_57 : memref<2x48xi32, #tpu.memory_space<hbm>>) target(%arg9 : memref<2x48xi32, #tpu.memory_space<vmem>>) target_semaphore(%arg22 : memref<!tpu.dma_semaphore, #tpu.memory_space<semaphore_mem>>)
    %dma_start3A_58 = arith.constant 0 : i32
    %dma_start3A_59 = tpu.memref_slice %arg5[%add3A_54, %dma_start3A_58] : memref<6912x48xi32, #tpu.memory_space<hbm>> -> memref<2x48xi32, #tpu.memory_space<hbm>>
    %dma_start3A_60 = arith.constant 0 : i32
    %dma_start3A_61 = tpu.memref_slice %arg5[%add3A_54, %dma_start3A_60] : memref<6912x48xi32, #tpu.memory_space<hbm>> -> memref<2x48xi32, #tpu.memory_space<hbm>>
    tpu.enqueue_dma source(%dma_start3A_61 : memref<2x48xi32, #tpu.memory_space<hbm>>) target(%arg11 : memref<2x48xi32, #tpu.memory_space<vmem>>) target_semaphore(%arg22 : memref<!tpu.dma_semaphore, #tpu.memory_space<semaphore_mem>>)
    %add3A_62 = arith.constant 2 : i32
    %add3A_63 = arith.addi %mul3A_2, %add3A_62 : i32
    %dma_start3A_64 = arith.constant 0 : i32
    %dma_start3A_65 = tpu.memref_slice %arg4[%add3A_63, %dma_start3A_64] : memref<6912x48xi32, #tpu.memory_space<hbm>> -> memref<2x48xi32, #tpu.memory_space<hbm>>
    %dma_start3A_66 = arith.constant 0 : i32
    %dma_start3A_67 = tpu.memref_slice %arg4[%add3A_63, %dma_start3A_66] : memref<6912x48xi32, #tpu.memory_space<hbm>> -> memref<2x48xi32, #tpu.memory_space<hbm>>
    tpu.enqueue_dma source(%dma_start3A_67 : memref<2x48xi32, #tpu.memory_space<hbm>>) target(%arg10 : memref<2x48xi32, #tpu.memory_space<vmem>>) target_semaphore(%arg23 : memref<!tpu.dma_semaphore, #tpu.memory_space<semaphore_mem>>)
    %dma_start3A_68 = arith.constant 0 : i32
    %dma_start3A_69 = tpu.memref_slice %arg5[%add3A_63, %dma_start3A_68] : memref<6912x48xi32, #tpu.memory_space<hbm>> -> memref<2x48xi32, #tpu.memory_space<hbm>>
    %dma_start3A_70 = arith.constant 0 : i32
    %dma_start3A_71 = tpu.memref_slice %arg5[%add3A_63, %dma_start3A_70] : memref<6912x48xi32, #tpu.memory_space<hbm>> -> memref<2x48xi32, #tpu.memory_space<hbm>>
    tpu.enqueue_dma source(%dma_start3A_71 : memref<2x48xi32, #tpu.memory_space<hbm>>) target(%arg12 : memref<2x48xi32, #tpu.memory_space<vmem>>) target_semaphore(%arg23 : memref<!tpu.dma_semaphore, #tpu.memory_space<semaphore_mem>>)
    %dma_wait3A = arith.constant 0 : i32
    %dma_wait3A_72 = arith.constant 0 : i32
    %dma_wait3A_73 = tpu.memref_slice %arg4[%dma_wait3A, %dma_wait3A_72] : memref<6912x48xi32, #tpu.memory_space<hbm>> -> memref<2x48xi32, #tpu.memory_space<hbm>>
    %dma_wait3A_74 = arith.constant 0 : i32
    %dma_wait3A_75 = arith.constant 0 : i32
    %dma_wait3A_76 = tpu.memref_slice %arg4[%dma_wait3A_74, %dma_wait3A_75] : memref<6912x48xi32, #tpu.memory_space<hbm>> -> memref<2x48xi32, #tpu.memory_space<hbm>>
    tpu.wait_dma2 semaphore(%arg22 : memref<!tpu.dma_semaphore, #tpu.memory_space<semaphore_mem>>) src(%dma_wait3A_76 : memref<2x48xi32, #tpu.memory_space<hbm>>) dst(%arg9 : memref<2x48xi32, #tpu.memory_space<vmem>>)
    %dma_wait3A_77 = arith.constant 0 : i32
    %dma_wait3A_78 = arith.constant 0 : i32
    %dma_wait3A_79 = tpu.memref_slice %arg5[%dma_wait3A_77, %dma_wait3A_78] : memref<6912x48xi32, #tpu.memory_space<hbm>> -> memref<2x48xi32, #tpu.memory_space<hbm>>
    %dma_wait3A_80 = arith.constant 0 : i32
    %dma_wait3A_81 = arith.constant 0 : i32
    %dma_wait3A_82 = tpu.memref_slice %arg5[%dma_wait3A_80, %dma_wait3A_81] : memref<6912x48xi32, #tpu.memory_space<hbm>> -> memref<2x48xi32, #tpu.memory_space<hbm>>
    tpu.wait_dma2 semaphore(%arg22 : memref<!tpu.dma_semaphore, #tpu.memory_space<semaphore_mem>>) src(%dma_wait3A_82 : memref<2x48xi32, #tpu.memory_space<hbm>>) dst(%arg11 : memref<2x48xi32, #tpu.memory_space<vmem>>)
    %get3A = arith.constant 0 : i32
    %get3A_83 = arith.index_cast %get3A : i32 to index
    %get3A_84 = arith.constant 0 : index
    %get3A_85 = tpu.vector_load %arg11[%get3A_83, %get3A_84] {strides = array<i32>} : memref<2x48xi32, #tpu.memory_space<vmem>>, vector<16xi32>,
    %shift_right_logical3A = arith.constant 3 : i32
    %shift_right_logical3A_86 = vector.broadcast %shift_right_logical3A : i32 to vector<16xi32>
    %shift_right_logical3A_87 = arith.shrui %get3A_85, %shift_right_logical3A_86 : vector<16xi32>
    %swap3A = arith.constant 0 : i32
    %swap3A_88 = arith.index_cast %swap3A : i32 to index
    %swap3A_89 = arith.constant 0 : index
    %swap3A_90 = tpu.vector_load %arg13[%swap3A_88, %swap3A_89] {strides = array<i32>} : memref<2x48xi32, #tpu.memory_space<vmem>>, vector<16xi32>,
    tpu.vector_store %arg13[%swap3A_88, %swap3A_89], %shift_right_logical3A_87 {strides = array<i32>} : memref<2x48xi32, #tpu.memory_space<vmem>>, vector<16xi32>,
    %get3A_91 = arith.constant 0 : i32
    %get3A_92 = arith.index_cast %get3A_91 : i32 to index
    %get3A_93 = arith.constant 16 : index
    %get3A_94 = tpu.vector_load %arg11[%get3A_92, %get3A_93] {strides = array<i32>} : memref<2x48xi32, #tpu.memory_space<vmem>>, vector<16xi32>,
    %shift_right_logical3A_95 = arith.constant 3 : i32
    %shift_right_logical3A_96 = vector.broadcast %shift_right_logical3A_95 : i32 to vector<16xi32>
    %shift_right_logical3A_97 = arith.shrui %get3A_94, %shift_right_logical3A_96 : vector<16xi32>
    %swap3A_98 = arith.constant 0 : i32
    %swap3A_99 = arith.index_cast %swap3A_98 : i32 to index
    %swap3A_100 = arith.constant 16 : index
    %swap3A_101 = tpu.vector_load %arg13[%swap3A_99, %swap3A_100] {strides = array<i32>} : memref<2x48xi32, #tpu.memory_space<vmem>>, vector<16xi32>,
    tpu.vector_store %arg13[%swap3A_99, %swap3A_100], %shift_right_logical3A_97 {strides = array<i32>} : memref<2x48xi32, #tpu.memory_space<vmem>>, vector<16xi32>,
    %get3A_102 = arith.constant 0 : i32
    %get3A_103 = arith.index_cast %get3A_102 : i32 to index
    %get3A_104 = arith.constant 32 : index
    %get3A_105 = tpu.vector_load %arg11[%get3A_103, %get3A_104] {strides = array<i32>} : memref<2x48xi32, #tpu.memory_space<vmem>>, vector<16xi32>,
    %shift_right_logical3A_106 = arith.constant 3 : i32
    %shift_right_logical3A_107 = vector.broadcast %shift_right_logical3A_106 : i32 to vector<16xi32>
    %shift_right_logical3A_108 = arith.shrui %get3A_105, %shift_right_logical3A_107 : vector<16xi32>
    %swap3A_109 = arith.constant 0 : i32
    %swap3A_110 = arith.index_cast %swap3A_109 : i32 to index
    %swap3A_111 = arith.constant 32 : index
    %swap3A_112 = tpu.vector_load %arg13[%swap3A_110, %swap3A_111] {strides = array<i32>} : memref<2x48xi32, #tpu.memory_space<vmem>>, vector<16xi32>,
    tpu.vector_store %arg13[%swap3A_110, %swap3A_111], %shift_right_logical3A_108 {strides = array<i32>} : memref<2x48xi32, #tpu.memory_space<vmem>>, vector<16xi32>,
    %get3A_113 = arith.constant 1 : i32
    %get3A_114 = arith.index_cast %get3A_113 : i32 to index
    %get3A_115 = arith.constant 0 : index
    %get3A_116 = tpu.vector_load %arg11[%get3A_114, %get3A_115] {strides = array<i32>} : memref<2x48xi32, #tpu.memory_space<vmem>>, vector<16xi32>,
    %shift_right_logical3A_117 = arith.constant 3 : i32
    %shift_right_logical3A_118 = vector.broadcast %shift_right_logical3A_117 : i32 to vector<16xi32>
    %shift_right_logical3A_119 = arith.shrui %get3A_116, %shift_right_logical3A_118 : vector<16xi32>
    %swap3A_120 = arith.constant 1 : i32
    %swap3A_121 = arith.index_cast %swap3A_120 : i32 to index
    %swap3A_122 = arith.constant 0 : index
    %swap3A_123 = tpu.vector_load %arg13[%swap3A_121, %swap3A_122] {strides = array<i32>} : memref<2x48xi32, #tpu.memory_space<vmem>>, vector<16xi32>,
    tpu.vector_store %arg13[%swap3A_121, %swap3A_122], %shift_right_logical3A_119 {strides = array<i32>} : memref<2x48xi32, #tpu.memory_space<vmem>>, vector<16xi32>,
    %get3A_124 = arith.constant 1 : i32
    %get3A_125 = arith.index_cast %get3A_124 : i32 to index
    %get3A_126 = arith.constant 16 : index
    %get3A_127 = tpu.vector_load %arg11[%get3A_125, %get3A_126] {strides = array<i32>} : memref<2x48xi32, #tpu.memory_space<vmem>>, vector<16xi32>,
    %shift_right_logical3A_128 = arith.constant 3 : i32
    %shift_right_logical3A_129 = vector.broadcast %shift_right_logical3A_128 : i32 to vector<16xi32>
    %shift_right_logical3A_130 = arith.shrui %get3A_127, %shift_right_logical3A_129 : vector<16xi32>
    %swap3A_131 = arith.constant 1 : i32
    %swap3A_132 = arith.index_cast %swap3A_131 : i32 to index
    %swap3A_133 = arith.constant 16 : index
    %swap3A_134 = tpu.vector_load %arg13[%swap3A_132, %swap3A_133] {strides = array<i32>} : memref<2x48xi32, #tpu.memory_space<vmem>>, vector<16xi32>,
    tpu.vector_store %arg13[%swap3A_132, %swap3A_133], %shift_right_logical3A_130 {strides = array<i32>} : memref<2x48xi32, #tpu.memory_space<vmem>>, vector<16xi32>,
    %get3A_135 = arith.constant 1 : i32
    %get3A_136 = arith.index_cast %get3A_135 : i32 to index
    %get3A_137 = arith.constant 32 : index
    %get3A_138 = tpu.vector_load %arg11[%get3A_136, %get3A_137] {strides = array<i32>} : memref<2x48xi32, #tpu.memory_space<vmem>>, vector<16xi32>,
    %shift_right_logical3A_139 = arith.constant 3 : i32
    %shift_right_logical3A_140 = vector.broadcast %shift_right_logical3A_139 : i32 to vector<16xi32>
    %shift_right_logical3A_141 = arith.shrui %get3A_138, %shift_right_logical3A_140 : vector<16xi32>
    %swap3A_142 = arith.constant 1 : i32
    %swap3A_143 = arith.index_cast %swap3A_142 : i32 to index
    %swap3A_144 = arith.constant 32 : index
    %swap3A_145 = tpu.vector_load %arg13[%swap3A_143, %swap3A_144] {strides = array<i32>} : memref<2x48xi32, #tpu.memory_space<vmem>>, vector<16xi32>,
    tpu.vector_store %arg13[%swap3A_143, %swap3A_144], %shift_right_logical3A_141 {strides = array<i32>} : memref<2x48xi32, #tpu.memory_space<vmem>>, vector<16xi32>,
    %dma_start3A_146 = arith.constant 0 : i32
    %dma_start3A_147 = arith.constant 0 : i32
    %dma_start3A_148 = tpu.memref_slice %arg9[%dma_start3A_146, %dma_start3A_147] : memref<2x48xi32, #tpu.memory_space<vmem>> -> memref<1x48xi32, #tpu.memory_space<vmem>>
    %dma_start3A_149 = tpu.memref_squeeze %dma_start3A_148 : memref<1x48xi32, #tpu.memory_space<vmem>> -> memref<48xi32, #tpu.memory_space<vmem>>
    %dma_start3A_150 = arith.constant 0 : i32
    %dma_start3A_151 = arith.constant 0 : i32
    %dma_start3A_152 = tpu.memref_slice %arg2[%dma_start3A_150, %dma_start3A_151] : memref<10240x128xf32, #tpu.memory_space<hbm>> -> memref<10240x128xf32, #tpu.memory_space<hbm>>
    tpu.enqueue_indirect_dma source(%dma_start3A_152 : memref<10240x128xf32, #tpu.memory_space<hbm>>) target(%arg15 : memref<48x128xf32, #tpu.memory_space<vmem>>) offsets(%dma_start3A_149 : memref<48xi32, #tpu.memory_space<vmem>>) semaphore(%arg24 : memref<!tpu.dma_semaphore, #tpu.memory_space<semaphore_mem>>)
    %dma_start3A_153 = arith.constant 0 : i32
    %dma_start3A_154 = arith.constant 0 : i32
    %dma_start3A_155 = tpu.memref_slice %arg11[%dma_start3A_153, %dma_start3A_154] : memref<2x48xi32, #tpu.memory_space<vmem>> -> memref<1x48xi32, #tpu.memory_space<vmem>>
    %dma_start3A_156 = tpu.memref_squeeze %dma_start3A_155 : memref<1x48xi32, #tpu.memory_space<vmem>> -> memref<48xi32, #tpu.memory_space<vmem>>
    %dma_start3A_157 = arith.constant 0 : i32
    %dma_start3A_158 = arith.constant 0 : i32
    %dma_start3A_159 = tpu.memref_slice %arg3[%dma_start3A_157, %dma_start3A_158] : memref<10240x128xf32, #tpu.memory_space<hbm>> -> memref<10240x128xf32, #tpu.memory_space<hbm>>
    tpu.enqueue_indirect_dma source(%dma_start3A_159 : memref<10240x128xf32, #tpu.memory_space<hbm>>) target(%arg17 : memref<48x128xf32, #tpu.memory_space<vmem>>) offsets(%dma_start3A_156 : memref<48xi32, #tpu.memory_space<vmem>>) semaphore(%arg26 : memref<!tpu.dma_semaphore, #tpu.memory_space<semaphore_mem>>)
    %scan3A_160 = arith.constant 0 : i32
    %scan3A_161 = arith.constant 54 : i32
    %scan3A_162 = arith.addi %scan3A_160, %scan3A_161 : i32
    %scan3A_163 = arith.constant 1 : i32
    scf.for %scan3A_202 = %scan3A_160 to %scan3A_162 step %scan3A_163  : i32 {
      %mul3A_203 = arith.constant 1 : i32
      %mul3A_204 = arith.muli %scan3A_202, %mul3A_203 : i32
      %add3A_205 = arith.constant 0 : i32
      %add3A_206 = arith.addi %add3A_205, %mul3A_204 : i32
      %mul3A_207 = arith.constant 2 : i32
      %mul3A_208 = arith.muli %mul3A_207, %add3A_206 : i32
      %add3A_209 = arith.constant 0 : i32
      %add3A_210 = arith.addi %mul3A_208, %add3A_209 : i32
      %dma_wait3A_211 = arith.constant 0 : i32
      %dma_wait3A_212 = arith.constant 0 : i32
      %dma_wait3A_213 = tpu.memref_slice %arg9[%dma_wait3A_211, %dma_wait3A_212] : memref<2x48xi32, #tpu.memory_space<vmem>> -> memref<1x48xi32, #tpu.memory_space<vmem>>
      %dma_wait3A_214 = tpu.memref_squeeze %dma_wait3A_213 : memref<1x48xi32, #tpu.memory_space<vmem>> -> memref<48xi32, #tpu.memory_space<vmem>>
      %dma_wait3A_215 = arith.constant 0 : i32
      %dma_wait3A_216 = arith.constant 0 : i32
      %dma_wait3A_217 = tpu.memref_slice %arg2[%dma_wait3A_215, %dma_wait3A_216] : memref<10240x128xf32, #tpu.memory_space<hbm>> -> memref<10240x128xf32, #tpu.memory_space<hbm>>
      tpu.wait_indirect_dma semaphore(%arg24 : memref<!tpu.dma_semaphore, #tpu.memory_space<semaphore_mem>>) src(%dma_wait3A_217 : memref<10240x128xf32, #tpu.memory_space<hbm>>) dst(%arg15 : memref<48x128xf32, #tpu.memory_space<vmem>>)
      %dma_wait3A_218 = arith.constant 0 : i32
      %dma_wait3A_219 = arith.constant 0 : i32
      %dma_wait3A_220 = tpu.memref_slice %arg11[%dma_wait3A_218, %dma_wait3A_219] : memref<2x48xi32, #tpu.memory_space<vmem>> -> memref<1x48xi32, #tpu.memory_space<vmem>>
      %dma_wait3A_221 = tpu.memref_squeeze %dma_wait3A_220 : memref<1x48xi32, #tpu.memory_space<vmem>> -> memref<48xi32, #tpu.memory_space<vmem>>
      %dma_wait3A_222 = arith.constant 0 : i32
      %dma_wait3A_223 = arith.constant 0 : i32
      %dma_wait3A_224 = tpu.memref_slice %arg3[%dma_wait3A_222, %dma_wait3A_223] : memref<10240x128xf32, #tpu.memory_space<hbm>> -> memref<10240x128xf32, #tpu.memory_space<hbm>>
      tpu.wait_indirect_dma semaphore(%arg26 : memref<!tpu.dma_semaphore, #tpu.memory_space<semaphore_mem>>) src(%dma_wait3A_224 : memref<10240x128xf32, #tpu.memory_space<hbm>>) dst(%arg17 : memref<48x128xf32, #tpu.memory_space<vmem>>)
      %gt3A = arith.constant 0 : i32
      %gt3A_225 = arith.cmpi sgt, %add3A_206, %gt3A : i32
      %convert_element_type3A = arith.extui %gt3A_225 : i1 to i32
      %cond3A = arith.constant 0 : i32
      %cond3A_226 = arith.cmpi ne, %convert_element_type3A, %cond3A : i32
      scf.if %cond3A_226 {
        %dma_wait3A_511 = arith.constant 0 : i32
        %dma_wait3A_512 = arith.constant 0 : i32
        %dma_wait3A_513 = tpu.memref_slice %arg11[%dma_wait3A_511, %dma_wait3A_512] : memref<2x48xi32, #tpu.memory_space<vmem>> -> memref<1x48xi32, #tpu.memory_space<vmem>>
        %dma_wait3A_514 = tpu.memref_squeeze %dma_wait3A_513 : memref<1x48xi32, #tpu.memory_space<vmem>> -> memref<48xi32, #tpu.memory_space<vmem>>
        %dma_wait3A_515 = arith.constant 0 : i32
        %dma_wait3A_516 = arith.constant 0 : i32
        %dma_wait3A_517 = tpu.memref_slice %arg20[%dma_wait3A_515, %dma_wait3A_516] : memref<10240x128xf32, #tpu.memory_space<vmem_shared>> -> memref<10240x128xf32, #tpu.memory_space<vmem_shared>>
        tpu.wait_indirect_dma semaphore(%arg29 : memref<!tpu.dma_semaphore, #tpu.memory_space<semaphore_mem>>) src(%arg16 : memref<48x128xf32, #tpu.memory_space<vmem>>) dst(%dma_wait3A_517 : memref<10240x128xf32, #tpu.memory_space<vmem_shared>>)
        %dma_wait3A_518 = arith.constant 0 : i32
        %dma_wait3A_519 = arith.constant 0 : i32
        %dma_wait3A_520 = tpu.memref_slice %arg13[%dma_wait3A_518, %dma_wait3A_519] : memref<2x48xi32, #tpu.memory_space<vmem>> -> memref<1x48xi32, #tpu.memory_space<vmem>>
        %dma_wait3A_521 = tpu.memref_squeeze %dma_wait3A_520 : memref<1x48xi32, #tpu.memory_space<vmem>> -> memref<48xi32, #tpu.memory_space<vmem>>
        %dma_wait3A_522 = arith.constant 0 : i32
        %dma_wait3A_523 = arith.constant 0 : i32
        %dma_wait3A_524 = tpu.memref_slice %arg21[%dma_wait3A_522, %dma_wait3A_523] : memref<1280x128xf32, #tpu.memory_space<vmem_shared>> -> memref<1280x128xf32, #tpu.memory_space<vmem_shared>>
        tpu.wait_indirect_dma semaphore(%arg31 : memref<!tpu.dma_semaphore, #tpu.memory_space<semaphore_mem>>) src(%arg18 : memref<48x128xf32, #tpu.memory_space<vmem>>) dst(%dma_wait3A_524 : memref<1280x128xf32, #tpu.memory_space<vmem_shared>>)
      } else {
      }
      %dma_start3A_227 = arith.constant 1 : i32
      %dma_start3A_228 = arith.constant 0 : i32
      %dma_start3A_229 = tpu.memref_slice %arg9[%dma_start3A_227, %dma_start3A_228] : memref<2x48xi32, #tpu.memory_space<vmem>> -> memref<1x48xi32, #tpu.memory_space<vmem>>
      %dma_start3A_230 = tpu.memref_squeeze %dma_start3A_229 : memref<1x48xi32, #tpu.memory_space<vmem>> -> memref<48xi32, #tpu.memory_space<vmem>>
      %dma_start3A_231 = arith.constant 0 : i32
      %dma_start3A_232 = arith.constant 0 : i32
      %dma_start3A_233 = tpu.memref_slice %arg2[%dma_start3A_231, %dma_start3A_232] : memref<10240x128xf32, #tpu.memory_space<hbm>> -> memref<10240x128xf32, #tpu.memory_space<hbm>>
      tpu.enqueue_indirect_dma source(%dma_start3A_233 : memref<10240x128xf32, #tpu.memory_space<hbm>>) target(%arg16 : memref<48x128xf32, #tpu.memory_space<vmem>>) offsets(%dma_start3A_230 : memref<48xi32, #tpu.memory_space<vmem>>) semaphore(%arg25 : memref<!tpu.dma_semaphore, #tpu.memory_space<semaphore_mem>>)
      %dma_start3A_234 = arith.constant 1 : i32
      %dma_start3A_235 = arith.constant 0 : i32
      %dma_start3A_236 = tpu.memref_slice %arg11[%dma_start3A_234, %dma_start3A_235] : memref<2x48xi32, #tpu.memory_space<vmem>> -> memref<1x48xi32, #tpu.memory_space<vmem>>
      %dma_start3A_237 = tpu.memref_squeeze %dma_start3A_236 : memref<1x48xi32, #tpu.memory_space<vmem>> -> memref<48xi32, #tpu.memory_space<vmem>>
      %dma_start3A_238 = arith.constant 0 : i32
      %dma_start3A_239 = arith.constant 0 : i32
      %dma_start3A_240 = tpu.memref_slice %arg3[%dma_start3A_238, %dma_start3A_239] : memref<10240x128xf32, #tpu.memory_space<hbm>> -> memref<10240x128xf32, #tpu.memory_space<hbm>>
      tpu.enqueue_indirect_dma source(%dma_start3A_240 : memref<10240x128xf32, #tpu.memory_space<hbm>>) target(%arg18 : memref<48x128xf32, #tpu.memory_space<vmem>>) offsets(%dma_start3A_237 : memref<48xi32, #tpu.memory_space<vmem>>) semaphore(%arg27 : memref<!tpu.dma_semaphore, #tpu.memory_space<semaphore_mem>>)
      %scan3A_241 = arith.constant 0 : i32
      %scan3A_242 = arith.constant 48 : i32
      %scan3A_243 = arith.addi %scan3A_241, %scan3A_242 : i32
      %scan3A_244 = arith.constant 1 : i32
      scf.for %scan3A_511 = %scan3A_241 to %scan3A_243 step %scan3A_244  : i32 {
        %mul3A_512 = arith.constant 1 : i32
        %mul3A_513 = arith.muli %scan3A_511, %mul3A_512 : i32
        %add3A_514 = arith.constant 0 : i32
        %add3A_515 = arith.addi %add3A_514, %mul3A_513 : i32
        %get3A_516 = arith.index_cast %add3A_515 : i32 to index
        %get3A_517 = arith.constant 0 : index
        %get3A_518 = tpu.vector_load %arg15[%get3A_516, %get3A_517] {strides = array<i32>} : memref<48x128xf32, #tpu.memory_space<vmem>>, vector<16xf32>,
        %get3A_519 = arith.index_cast %add3A_515 : i32 to index
        %get3A_520 = arith.constant 0 : index
        %get3A_521 = tpu.vector_load %arg17[%get3A_519, %get3A_520] {strides = array<i32>} : memref<48x128xf32, #tpu.memory_space<vmem>>, vector<16xf32>,
        %add3A_522 = arith.addf %get3A_518, %get3A_521 : vector<16xf32>
        %mul3A_523 = arith.constant 2.000000e-01 : f32
        %mul3A_524 = vector.broadcast %mul3A_523 : f32 to vector<16xf32>
        %mul3A_525 = arith.mulf %mul3A_524, %add3A_522 : vector<16xf32>
        %max3A = arith.maximumf %add3A_522, %mul3A_525 : vector<16xf32>
        %get3A_526 = arith.constant 0 : index
        %get3A_527 = tpu.vector_load %arg19[%get3A_526] {strides = array<i32>} : memref<128xf32, #tpu.memory_space<vmem>>, vector<16xf32>,
        %mul3A_528 = arith.mulf %max3A, %get3A_527 : vector<16xf32>
        %get3A_529 = arith.index_cast %add3A_515 : i32 to index
        %get3A_530 = arith.constant 16 : index
        %get3A_531 = tpu.vector_load %arg15[%get3A_529, %get3A_530] {strides = array<i32>} : memref<48x128xf32, #tpu.memory_space<vmem>>, vector<16xf32>,
        %get3A_532 = arith.index_cast %add3A_515 : i32 to index
        %get3A_533 = arith.constant 16 : index
        %get3A_534 = tpu.vector_load %arg17[%get3A_532, %get3A_533] {strides = array<i32>} : memref<48x128xf32, #tpu.memory_space<vmem>>, vector<16xf32>,
        %add3A_535 = arith.addf %get3A_531, %get3A_534 : vector<16xf32>
        %mul3A_536 = arith.constant 2.000000e-01 : f32
        %mul3A_537 = vector.broadcast %mul3A_536 : f32 to vector<16xf32>
        %mul3A_538 = arith.mulf %mul3A_537, %add3A_535 : vector<16xf32>
        %max3A_539 = arith.maximumf %add3A_535, %mul3A_538 : vector<16xf32>
        %get3A_540 = arith.constant 16 : index
        %get3A_541 = tpu.vector_load %arg19[%get3A_540] {strides = array<i32>} : memref<128xf32, #tpu.memory_space<vmem>>, vector<16xf32>,
        %mul3A_542 = arith.mulf %max3A_539, %get3A_541 : vector<16xf32>
        %get3A_543 = arith.index_cast %add3A_515 : i32 to index
        %get3A_544 = arith.constant 32 : index
        %get3A_545 = tpu.vector_load %arg15[%get3A_543, %get3A_544] {strides = array<i32>} : memref<48x128xf32, #tpu.memory_space<vmem>>, vector<16xf32>,
        %get3A_546 = arith.index_cast %add3A_515 : i32 to index
        %get3A_547 = arith.constant 32 : index
        %get3A_548 = tpu.vector_load %arg17[%get3A_546, %get3A_547] {strides = array<i32>} : memref<48x128xf32, #tpu.memory_space<vmem>>, vector<16xf32>,
        %add3A_549 = arith.addf %get3A_545, %get3A_548 : vector<16xf32>
        %mul3A_550 = arith.constant 2.000000e-01 : f32
        %mul3A_551 = vector.broadcast %mul3A_550 : f32 to vector<16xf32>
        %mul3A_552 = arith.mulf %mul3A_551, %add3A_549 : vector<16xf32>
        %max3A_553 = arith.maximumf %add3A_549, %mul3A_552 : vector<16xf32>
        %get3A_554 = arith.constant 32 : index
        %get3A_555 = tpu.vector_load %arg19[%get3A_554] {strides = array<i32>} : memref<128xf32, #tpu.memory_space<vmem>>, vector<16xf32>,
        %mul3A_556 = arith.mulf %max3A_553, %get3A_555 : vector<16xf32>
        %get3A_557 = arith.index_cast %add3A_515 : i32 to index
        %get3A_558 = arith.constant 48 : index
        %get3A_559 = tpu.vector_load %arg15[%get3A_557, %get3A_558] {strides = array<i32>} : memref<48x128xf32, #tpu.memory_space<vmem>>, vector<16xf32>,
        %get3A_560 = arith.index_cast %add3A_515 : i32 to index
        %get3A_561 = arith.constant 48 : index
        %get3A_562 = tpu.vector_load %arg17[%get3A_560, %get3A_561] {strides = array<i32>} : memref<48x128xf32, #tpu.memory_space<vmem>>, vector<16xf32>,
        %add3A_563 = arith.addf %get3A_559, %get3A_562 : vector<16xf32>
        %mul3A_564 = arith.constant 2.000000e-01 : f32
        %mul3A_565 = vector.broadcast %mul3A_564 : f32 to vector<16xf32>
        %mul3A_566 = arith.mulf %mul3A_565, %add3A_563 : vector<16xf32>
        %max3A_567 = arith.maximumf %add3A_563, %mul3A_566 : vector<16xf32>
        %get3A_568 = arith.constant 48 : index
        %get3A_569 = tpu.vector_load %arg19[%get3A_568] {strides = array<i32>} : memref<128xf32, #tpu.memory_space<vmem>>, vector<16xf32>,
        %mul3A_570 = arith.mulf %max3A_567, %get3A_569 : vector<16xf32>
        %get3A_571 = arith.index_cast %add3A_515 : i32 to index
        %get3A_572 = arith.constant 64 : index
        %get3A_573 = tpu.vector_load %arg15[%get3A_571, %get3A_572] {strides = array<i32>} : memref<48x128xf32, #tpu.memory_space<vmem>>, vector<16xf32>,
        %get3A_574 = arith.index_cast %add3A_515 : i32 to index
        %get3A_575 = arith.constant 64 : index
        %get3A_576 = tpu.vector_load %arg17[%get3A_574, %get3A_575] {strides = array<i32>} : memref<48x128xf32, #tpu.memory_space<vmem>>, vector<16xf32>,
        %add3A_577 = arith.addf %get3A_573, %get3A_576 : vector<16xf32>
        %mul3A_578 = arith.constant 2.000000e-01 : f32
        %mul3A_579 = vector.broadcast %mul3A_578 : f32 to vector<16xf32>
        %mul3A_580 = arith.mulf %mul3A_579, %add3A_577 : vector<16xf32>
        %max3A_581 = arith.maximumf %add3A_577, %mul3A_580 : vector<16xf32>
        %get3A_582 = arith.constant 64 : index
        %get3A_583 = tpu.vector_load %arg19[%get3A_582] {strides = array<i32>} : memref<128xf32, #tpu.memory_space<vmem>>, vector<16xf32>,
        %mul3A_584 = arith.mulf %max3A_581, %get3A_583 : vector<16xf32>
        %get3A_585 = arith.index_cast %add3A_515 : i32 to index
        %get3A_586 = arith.constant 80 : index
        %get3A_587 = tpu.vector_load %arg15[%get3A_585, %get3A_586] {strides = array<i32>} : memref<48x128xf32, #tpu.memory_space<vmem>>, vector<16xf32>,
        %get3A_588 = arith.index_cast %add3A_515 : i32 to index
        %get3A_589 = arith.constant 80 : index
        %get3A_590 = tpu.vector_load %arg17[%get3A_588, %get3A_589] {strides = array<i32>} : memref<48x128xf32, #tpu.memory_space<vmem>>, vector<16xf32>,
        %add3A_591 = arith.addf %get3A_587, %get3A_590 : vector<16xf32>
        %mul3A_592 = arith.constant 2.000000e-01 : f32
        %mul3A_593 = vector.broadcast %mul3A_592 : f32 to vector<16xf32>
        %mul3A_594 = arith.mulf %mul3A_593, %add3A_591 : vector<16xf32>
        %max3A_595 = arith.maximumf %add3A_591, %mul3A_594 : vector<16xf32>
        %get3A_596 = arith.constant 80 : index
        %get3A_597 = tpu.vector_load %arg19[%get3A_596] {strides = array<i32>} : memref<128xf32, #tpu.memory_space<vmem>>, vector<16xf32>,
        %mul3A_598 = arith.mulf %max3A_595, %get3A_597 : vector<16xf32>
        %get3A_599 = arith.index_cast %add3A_515 : i32 to index
        %get3A_600 = arith.constant 96 : index
        %get3A_601 = tpu.vector_load %arg15[%get3A_599, %get3A_600] {strides = array<i32>} : memref<48x128xf32, #tpu.memory_space<vmem>>, vector<16xf32>,
        %get3A_602 = arith.index_cast %add3A_515 : i32 to index
        %get3A_603 = arith.constant 96 : index
        %get3A_604 = tpu.vector_load %arg17[%get3A_602, %get3A_603] {strides = array<i32>} : memref<48x128xf32, #tpu.memory_space<vmem>>, vector<16xf32>,
        %add3A_605 = arith.addf %get3A_601, %get3A_604 : vector<16xf32>
        %mul3A_606 = arith.constant 2.000000e-01 : f32
        %mul3A_607 = vector.broadcast %mul3A_606 : f32 to vector<16xf32>
        %mul3A_608 = arith.mulf %mul3A_607, %add3A_605 : vector<16xf32>
        %max3A_609 = arith.maximumf %add3A_605, %mul3A_608 : vector<16xf32>
        %get3A_610 = arith.constant 96 : index
        %get3A_611 = tpu.vector_load %arg19[%get3A_610] {strides = array<i32>} : memref<128xf32, #tpu.memory_space<vmem>>, vector<16xf32>,
        %mul3A_612 = arith.mulf %max3A_609, %get3A_611 : vector<16xf32>
        %get3A_613 = arith.index_cast %add3A_515 : i32 to index
        %get3A_614 = arith.constant 112 : index
        %get3A_615 = tpu.vector_load %arg15[%get3A_613, %get3A_614] {strides = array<i32>} : memref<48x128xf32, #tpu.memory_space<vmem>>, vector<16xf32>,
        %get3A_616 = arith.index_cast %add3A_515 : i32 to index
        %get3A_617 = arith.constant 112 : index
        %get3A_618 = tpu.vector_load %arg17[%get3A_616, %get3A_617] {strides = array<i32>} : memref<48x128xf32, #tpu.memory_space<vmem>>, vector<16xf32>,
        %add3A_619 = arith.addf %get3A_615, %get3A_618 : vector<16xf32>
        %mul3A_620 = arith.constant 2.000000e-01 : f32
        %mul3A_621 = vector.broadcast %mul3A_620 : f32 to vector<16xf32>
        %mul3A_622 = arith.mulf %mul3A_621, %add3A_619 : vector<16xf32>
        %max3A_623 = arith.maximumf %add3A_619, %mul3A_622 : vector<16xf32>
        %get3A_624 = arith.constant 112 : index
        %get3A_625 = tpu.vector_load %arg19[%get3A_624] {strides = array<i32>} : memref<128xf32, #tpu.memory_space<vmem>>, vector<16xf32>,
        %mul3A_626 = arith.mulf %max3A_623, %get3A_625 : vector<16xf32>
        %add3A_627 = arith.addf %mul3A_528, %mul3A_542 : vector<16xf32>
        %reduce_sum3A = arith.constant true
        %reduce_sum3A_628 = vector.broadcast %reduce_sum3A : i1 to vector<16xi1>
        %reduce_sum3A_629 = tpu.scan <sum>, %add3A_627 masked %reduce_sum3A_628 : vector<16xf32>, vector<16xi1> -> vector<16xf32>
        %reduce_sum3A_630 = vector.extract %reduce_sum3A_629[15] : f32 from vector<16xf32>
        %broadcast_in_dim3A_631 = vector.broadcast %reduce_sum3A_630 : f32 to vector<16xf32>
        %exp3A = math.exp %broadcast_in_dim3A_631 : vector<16xf32>
        %add3A_632 = arith.addf %mul3A_556, %mul3A_570 : vector<16xf32>
        %reduce_sum3A_633 = arith.constant true
        %reduce_sum3A_634 = vector.broadcast %reduce_sum3A_633 : i1 to vector<16xi1>
        %reduce_sum3A_635 = tpu.scan <sum>, %add3A_632 masked %reduce_sum3A_634 : vector<16xf32>, vector<16xi1> -> vector<16xf32>
        %reduce_sum3A_636 = vector.extract %reduce_sum3A_635[15] : f32 from vector<16xf32>
        %broadcast_in_dim3A_637 = vector.broadcast %reduce_sum3A_636 : f32 to vector<16xf32>
        %exp3A_638 = math.exp %broadcast_in_dim3A_637 : vector<16xf32>
        %add3A_639 = arith.addf %mul3A_584, %mul3A_598 : vector<16xf32>
        %reduce_sum3A_640 = arith.constant true
        %reduce_sum3A_641 = vector.broadcast %reduce_sum3A_640 : i1 to vector<16xi1>
        %reduce_sum3A_642 = tpu.scan <sum>, %add3A_639 masked %reduce_sum3A_641 : vector<16xf32>, vector<16xi1> -> vector<16xf32>
        %reduce_sum3A_643 = vector.extract %reduce_sum3A_642[15] : f32 from vector<16xf32>
        %broadcast_in_dim3A_644 = vector.broadcast %reduce_sum3A_643 : f32 to vector<16xf32>
        %exp3A_645 = math.exp %broadcast_in_dim3A_644 : vector<16xf32>
        %add3A_646 = arith.addf %mul3A_612, %mul3A_626 : vector<16xf32>
        %reduce_sum3A_647 = arith.constant true
        %reduce_sum3A_648 = vector.broadcast %reduce_sum3A_647 : i1 to vector<16xi1>
        %reduce_sum3A_649 = tpu.scan <sum>, %add3A_646 masked %reduce_sum3A_648 : vector<16xf32>, vector<16xi1> -> vector<16xf32>
        %reduce_sum3A_650 = vector.extract %reduce_sum3A_649[15] : f32 from vector<16xf32>
        %broadcast_in_dim3A_651 = vector.broadcast %reduce_sum3A_650 : f32 to vector<16xf32>
        %exp3A_652 = math.exp %broadcast_in_dim3A_651 : vector<16xf32>
        %mul3A_653 = arith.mulf %get3A_518, %exp3A : vector<16xf32>
        %swap3A_654 = arith.index_cast %add3A_515 : i32 to index
        %swap3A_655 = arith.constant 0 : index
        %swap3A_656 = tpu.vector_load %arg15[%swap3A_654, %swap3A_655] {strides = array<i32>} : memref<48x128xf32, #tpu.memory_space<vmem>>, vector<16xf32>,
        tpu.vector_store %arg15[%swap3A_654, %swap3A_655], %mul3A_653 {strides = array<i32>} : memref<48x128xf32, #tpu.memory_space<vmem>>, vector<16xf32>,
        %mul3A_657 = arith.mulf %get3A_531, %exp3A : vector<16xf32>
        %swap3A_658 = arith.index_cast %add3A_515 : i32 to index
        %swap3A_659 = arith.constant 16 : index
        %swap3A_660 = tpu.vector_load %arg15[%swap3A_658, %swap3A_659] {strides = array<i32>} : memref<48x128xf32, #tpu.memory_space<vmem>>, vector<16xf32>,
        tpu.vector_store %arg15[%swap3A_658, %swap3A_659], %mul3A_657 {strides = array<i32>} : memref<48x128xf32, #tpu.memory_space<vmem>>, vector<16xf32>,
        %mul3A_661 = arith.mulf %get3A_545, %exp3A_638 : vector<16xf32>
        %swap3A_662 = arith.index_cast %add3A_515 : i32 to index
        %swap3A_663 = arith.constant 32 : index
        %swap3A_664 = tpu.vector_load %arg15[%swap3A_662, %swap3A_663] {strides = array<i32>} : memref<48x128xf32, #tpu.memory_space<vmem>>, vector<16xf32>,
        tpu.vector_store %arg15[%swap3A_662, %swap3A_663], %mul3A_661 {strides = array<i32>} : memref<48x128xf32, #tpu.memory_space<vmem>>, vector<16xf32>,
        %mul3A_665 = arith.mulf %get3A_559, %exp3A_638 : vector<16xf32>
        %swap3A_666 = arith.index_cast %add3A_515 : i32 to index
        %swap3A_667 = arith.constant 48 : index
        %swap3A_668 = tpu.vector_load %arg15[%swap3A_666, %swap3A_667] {strides = array<i32>} : memref<48x128xf32, #tpu.memory_space<vmem>>, vector<16xf32>,
        tpu.vector_store %arg15[%swap3A_666, %swap3A_667], %mul3A_665 {strides = array<i32>} : memref<48x128xf32, #tpu.memory_space<vmem>>, vector<16xf32>,
        %mul3A_669 = arith.mulf %get3A_573, %exp3A_645 : vector<16xf32>
        %swap3A_670 = arith.index_cast %add3A_515 : i32 to index
        %swap3A_671 = arith.constant 64 : index
        %swap3A_672 = tpu.vector_load %arg15[%swap3A_670, %swap3A_671] {strides = array<i32>} : memref<48x128xf32, #tpu.memory_space<vmem>>, vector<16xf32>,
        tpu.vector_store %arg15[%swap3A_670, %swap3A_671], %mul3A_669 {strides = array<i32>} : memref<48x128xf32, #tpu.memory_space<vmem>>, vector<16xf32>,
        %mul3A_673 = arith.mulf %get3A_587, %exp3A_645 : vector<16xf32>
        %swap3A_674 = arith.index_cast %add3A_515 : i32 to index
        %swap3A_675 = arith.constant 80 : index
        %swap3A_676 = tpu.vector_load %arg15[%swap3A_674, %swap3A_675] {strides = array<i32>} : memref<48x128xf32, #tpu.memory_space<vmem>>, vector<16xf32>,
        tpu.vector_store %arg15[%swap3A_674, %swap3A_675], %mul3A_673 {strides = array<i32>} : memref<48x128xf32, #tpu.memory_space<vmem>>, vector<16xf32>,
        %mul3A_677 = arith.mulf %get3A_601, %exp3A_652 : vector<16xf32>
        %swap3A_678 = arith.index_cast %add3A_515 : i32 to index
        %swap3A_679 = arith.constant 96 : index
        %swap3A_680 = tpu.vector_load %arg15[%swap3A_678, %swap3A_679] {strides = array<i32>} : memref<48x128xf32, #tpu.memory_space<vmem>>, vector<16xf32>,
        tpu.vector_store %arg15[%swap3A_678, %swap3A_679], %mul3A_677 {strides = array<i32>} : memref<48x128xf32, #tpu.memory_space<vmem>>, vector<16xf32>,
        %mul3A_681 = arith.mulf %get3A_615, %exp3A_652 : vector<16xf32>
        %swap3A_682 = arith.index_cast %add3A_515 : i32 to index
        %swap3A_683 = arith.constant 112 : index
        %swap3A_684 = tpu.vector_load %arg15[%swap3A_682, %swap3A_683] {strides = array<i32>} : memref<48x128xf32, #tpu.memory_space<vmem>>, vector<16xf32>,
        tpu.vector_store %arg15[%swap3A_682, %swap3A_683], %mul3A_681 {strides = array<i32>} : memref<48x128xf32, #tpu.memory_space<vmem>>, vector<16xf32>,
        %mul3A_685 = arith.mulf %exp3A, %select_n3A : vector<16xf32>
        %mul3A_686 = arith.mulf %exp3A_638, %select_n3A_36 : vector<16xf32>
        %add3A_687 = arith.addf %mul3A_685, %mul3A_686 : vector<16xf32>
        %mul3A_688 = arith.mulf %exp3A_645, %select_n3A_44 : vector<16xf32>
        %add3A_689 = arith.addf %add3A_687, %mul3A_688 : vector<16xf32>
        %mul3A_690 = arith.mulf %exp3A_652, %select_n3A_52 : vector<16xf32>
        %add3A_691 = arith.addf %add3A_689, %mul3A_690 : vector<16xf32>
        %broadcast_in_dim3A_692 = arith.constant 0 : i32
        %broadcast_in_dim3A_693 = vector.broadcast %broadcast_in_dim3A_692 : i32 to vector<16xi32>
        %broadcast_in_dim3A_694 = vector.broadcast %add3A_515 : i32 to vector<16xi32>
        %gather3A = tpu.vector_load_idx %arg11[%broadcast_in_dim3A_693, %broadcast_in_dim3A_694] : memref<2x48xi32, #tpu.memory_space<vmem>>[vector<16xi32>, vector<16xi32>], vector<16xi32>,
        %and3A = arith.constant 7 : i32
        %and3A_695 = vector.broadcast %and3A : i32 to vector<16xi32>
        %and3A_696 = arith.andi %gather3A, %and3A_695 : vector<16xi32>
        %eq3A_697 = arith.constant 0 : i32
        %eq3A_698 = vector.broadcast %eq3A_697 : i32 to vector<16xi32>
        %eq3A_699 = arith.cmpi eq, %and3A_696, %eq3A_698 : vector<16xi32>
        %select_n3A_700 = arith.select %eq3A_699, %add3A_691, %broadcast_in_dim3A_3 : vector<16xi1>, vector<16xf32>
        %swap3A_701 = arith.index_cast %add3A_515 : i32 to index
        %swap3A_702 = arith.constant 0 : index
        %swap3A_703 = tpu.vector_load %arg17[%swap3A_701, %swap3A_702] {strides = array<i32>} : memref<48x128xf32, #tpu.memory_space<vmem>>, vector<16xf32>,
        tpu.vector_store %arg17[%swap3A_701, %swap3A_702], %select_n3A_700 {strides = array<i32>} : memref<48x128xf32, #tpu.memory_space<vmem>>, vector<16xf32>,
        %eq3A_704 = arith.constant 1 : i32
        %eq3A_705 = vector.broadcast %eq3A_704 : i32 to vector<16xi32>
        %eq3A_706 = arith.cmpi eq, %and3A_696, %eq3A_705 : vector<16xi32>
        %select_n3A_707 = arith.select %eq3A_706, %add3A_691, %broadcast_in_dim3A_3 : vector<16xi1>, vector<16xf32>
        %swap3A_708 = arith.index_cast %add3A_515 : i32 to index
        %swap3A_709 = arith.constant 16 : index
        %swap3A_710 = tpu.vector_load %arg17[%swap3A_708, %swap3A_709] {strides = array<i32>} : memref<48x128xf32, #tpu.memory_space<vmem>>, vector<16xf32>,
        tpu.vector_store %arg17[%swap3A_708, %swap3A_709], %select_n3A_707 {strides = array<i32>} : memref<48x128xf32, #tpu.memory_space<vmem>>, vector<16xf32>,
        %eq3A_711 = arith.constant 2 : i32
        %eq3A_712 = vector.broadcast %eq3A_711 : i32 to vector<16xi32>
        %eq3A_713 = arith.cmpi eq, %and3A_696, %eq3A_712 : vector<16xi32>
        %select_n3A_714 = arith.select %eq3A_713, %add3A_691, %broadcast_in_dim3A_3 : vector<16xi1>, vector<16xf32>
        %swap3A_715 = arith.index_cast %add3A_515 : i32 to index
        %swap3A_716 = arith.constant 32 : index
        %swap3A_717 = tpu.vector_load %arg17[%swap3A_715, %swap3A_716] {strides = array<i32>} : memref<48x128xf32, #tpu.memory_space<vmem>>, vector<16xf32>,
        tpu.vector_store %arg17[%swap3A_715, %swap3A_716], %select_n3A_714 {strides = array<i32>} : memref<48x128xf32, #tpu.memory_space<vmem>>, vector<16xf32>,
        %eq3A_718 = arith.constant 3 : i32
        %eq3A_719 = vector.broadcast %eq3A_718 : i32 to vector<16xi32>
        %eq3A_720 = arith.cmpi eq, %and3A_696, %eq3A_719 : vector<16xi32>
        %select_n3A_721 = arith.select %eq3A_720, %add3A_691, %broadcast_in_dim3A_3 : vector<16xi1>, vector<16xf32>
        %swap3A_722 = arith.index_cast %add3A_515 : i32 to index
        %swap3A_723 = arith.constant 48 : index
        %swap3A_724 = tpu.vector_load %arg17[%swap3A_722, %swap3A_723] {strides = array<i32>} : memref<48x128xf32, #tpu.memory_space<vmem>>, vector<16xf32>,
        tpu.vector_store %arg17[%swap3A_722, %swap3A_723], %select_n3A_721 {strides = array<i32>} : memref<48x128xf32, #tpu.memory_space<vmem>>, vector<16xf32>,
        %eq3A_725 = arith.constant 4 : i32
        %eq3A_726 = vector.broadcast %eq3A_725 : i32 to vector<16xi32>
        %eq3A_727 = arith.cmpi eq, %and3A_696, %eq3A_726 : vector<16xi32>
        %select_n3A_728 = arith.select %eq3A_727, %add3A_691, %broadcast_in_dim3A_3 : vector<16xi1>, vector<16xf32>
        %swap3A_729 = arith.index_cast %add3A_515 : i32 to index
        %swap3A_730 = arith.constant 64 : index
        %swap3A_731 = tpu.vector_load %arg17[%swap3A_729, %swap3A_730] {strides = array<i32>} : memref<48x128xf32, #tpu.memory_space<vmem>>, vector<16xf32>,
        tpu.vector_store %arg17[%swap3A_729, %swap3A_730], %select_n3A_728 {strides = array<i32>} : memref<48x128xf32, #tpu.memory_space<vmem>>, vector<16xf32>,
        %eq3A_732 = arith.constant 5 : i32
        %eq3A_733 = vector.broadcast %eq3A_732 : i32 to vector<16xi32>
        %eq3A_734 = arith.cmpi eq, %and3A_696, %eq3A_733 : vector<16xi32>
        %select_n3A_735 = arith.select %eq3A_734, %add3A_691, %broadcast_in_dim3A_3 : vector<16xi1>, vector<16xf32>
        %swap3A_736 = arith.index_cast %add3A_515 : i32 to index
        %swap3A_737 = arith.constant 80 : index
        %swap3A_738 = tpu.vector_load %arg17[%swap3A_736, %swap3A_737] {strides = array<i32>} : memref<48x128xf32, #tpu.memory_space<vmem>>, vector<16xf32>,
        tpu.vector_store %arg17[%swap3A_736, %swap3A_737], %select_n3A_735 {strides = array<i32>} : memref<48x128xf32, #tpu.memory_space<vmem>>, vector<16xf32>,
        %eq3A_739 = arith.constant 6 : i32
        %eq3A_740 = vector.broadcast %eq3A_739 : i32 to vector<16xi32>
        %eq3A_741 = arith.cmpi eq, %and3A_696, %eq3A_740 : vector<16xi32>
        %select_n3A_742 = arith.select %eq3A_741, %add3A_691, %broadcast_in_dim3A_3 : vector<16xi1>, vector<16xf32>
        %swap3A_743 = arith.index_cast %add3A_515 : i32 to index
        %swap3A_744 = arith.constant 96 : index
        %swap3A_745 = tpu.vector_load %arg17[%swap3A_743, %swap3A_744] {strides = array<i32>} : memref<48x128xf32, #tpu.memory_space<vmem>>, vector<16xf32>,
        tpu.vector_store %arg17[%swap3A_743, %swap3A_744], %select_n3A_742 {strides = array<i32>} : memref<48x128xf32, #tpu.memory_space<vmem>>, vector<16xf32>,
        %eq3A_746 = arith.constant 7 : i32
        %eq3A_747 = vector.broadcast %eq3A_746 : i32 to vector<16xi32>
        %eq3A_748 = arith.cmpi eq, %and3A_696, %eq3A_747 : vector<16xi32>
        %select_n3A_749 = arith.select %eq3A_748, %add3A_691, %broadcast_in_dim3A_3 : vector<16xi1>, vector<16xf32>
        %swap3A_750 = arith.index_cast %add3A_515 : i32 to index
        %swap3A_751 = arith.constant 112 : index
        %swap3A_752 = tpu.vector_load %arg17[%swap3A_750, %swap3A_751] {strides = array<i32>} : memref<48x128xf32, #tpu.memory_space<vmem>>, vector<16xf32>,
        tpu.vector_store %arg17[%swap3A_750, %swap3A_751], %select_n3A_749 {strides = array<i32>} : memref<48x128xf32, #tpu.memory_space<vmem>>, vector<16xf32>,
      }
      %scan3A_245 = arith.constant 48 : i32
      %dma_start3A_246 = arith.constant 0 : i32
      %dma_start3A_247 = arith.constant 0 : i32
      %dma_start3A_248 = tpu.memref_slice %arg11[%dma_start3A_246, %dma_start3A_247] : memref<2x48xi32, #tpu.memory_space<vmem>> -> memref<1x48xi32, #tpu.memory_space<vmem>>
      %dma_start3A_249 = tpu.memref_squeeze %dma_start3A_248 : memref<1x48xi32, #tpu.memory_space<vmem>> -> memref<48xi32, #tpu.memory_space<vmem>>
      %dma_start3A_250 = arith.constant 0 : i32
      %dma_start3A_251 = arith.constant 0 : i32
      %dma_start3A_252 = tpu.memref_slice %arg20[%dma_start3A_250, %dma_start3A_251] : memref<10240x128xf32, #tpu.memory_space<vmem_shared>> -> memref<10240x128xf32, #tpu.memory_space<vmem_shared>>
      tpu.enqueue_indirect_dma source(%arg15 : memref<48x128xf32, #tpu.memory_space<vmem>>) target(%dma_start3A_252 : memref<10240x128xf32, #tpu.memory_space<vmem_shared>>) offsets(%dma_start3A_249 : memref<48xi32, #tpu.memory_space<vmem>>) semaphore(%arg28 : memref<!tpu.dma_semaphore, #tpu.memory_space<semaphore_mem>>) {add = true}
      %dma_start3A_253 = arith.constant 0 : i32
      %dma_start3A_254 = arith.constant 0 : i32
      %dma_start3A_255 = tpu.memref_slice %arg13[%dma_start3A_253, %dma_start3A_254] : memref<2x48xi32, #tpu.memory_space<vmem>> -> memref<1x48xi32, #tpu.memory_space<vmem>>
      %dma_start3A_256 = tpu.memref_squeeze %dma_start3A_255 : memref<1x48xi32, #tpu.memory_space<vmem>> -> memref<48xi32, #tpu.memory_space<vmem>>
      %dma_start3A_257 = arith.constant 0 : i32
      %dma_start3A_258 = arith.constant 0 : i32
      %dma_start3A_259 = tpu.memref_slice %arg21[%dma_start3A_257, %dma_start3A_258] : memref<1280x128xf32, #tpu.memory_space<vmem_shared>> -> memref<1280x128xf32, #tpu.memory_space<vmem_shared>>
      tpu.enqueue_indirect_dma source(%arg17 : memref<48x128xf32, #tpu.memory_space<vmem>>) target(%dma_start3A_259 : memref<1280x128xf32, #tpu.memory_space<vmem_shared>>) offsets(%dma_start3A_256 : memref<48xi32, #tpu.memory_space<vmem>>) semaphore(%arg30 : memref<!tpu.dma_semaphore, #tpu.memory_space<semaphore_mem>>) {add = true}
      %dma_wait3A_260 = arith.constant 0 : i32
      %dma_wait3A_261 = arith.constant 0 : i32
      %dma_wait3A_262 = tpu.memref_slice %arg9[%dma_wait3A_260, %dma_wait3A_261] : memref<2x48xi32, #tpu.memory_space<vmem>> -> memref<1x48xi32, #tpu.memory_space<vmem>>
      %dma_wait3A_263 = tpu.memref_squeeze %dma_wait3A_262 : memref<1x48xi32, #tpu.memory_space<vmem>> -> memref<48xi32, #tpu.memory_space<vmem>>
      %dma_wait3A_264 = arith.constant 0 : i32
      %dma_wait3A_265 = arith.constant 0 : i32
      %dma_wait3A_266 = tpu.memref_slice %arg2[%dma_wait3A_264, %dma_wait3A_265] : memref<10240x128xf32, #tpu.memory_space<hbm>> -> memref<10240x128xf32, #tpu.memory_space<hbm>>
      tpu.wait_indirect_dma semaphore(%arg25 : memref<!tpu.dma_semaphore, #tpu.memory_space<semaphore_mem>>) src(%dma_wait3A_266 : memref<10240x128xf32, #tpu.memory_space<hbm>>) dst(%arg16 : memref<48x128xf32, #tpu.memory_space<vmem>>)
      %dma_wait3A_267 = arith.constant 0 : i32
      %dma_wait3A_268 = arith.constant 0 : i32
      %dma_wait3A_269 = tpu.memref_slice %arg11[%dma_wait3A_267, %dma_wait3A_268] : memref<2x48xi32, #tpu.memory_space<vmem>> -> memref<1x48xi32, #tpu.memory_space<vmem>>
      %dma_wait3A_270 = tpu.memref_squeeze %dma_wait3A_269 : memref<1x48xi32, #tpu.memory_space<vmem>> -> memref<48xi32, #tpu.memory_space<vmem>>
      %dma_wait3A_271 = arith.constant 0 : i32
      %dma_wait3A_272 = arith.constant 0 : i32
      %dma_wait3A_273 = tpu.memref_slice %arg3[%dma_wait3A_271, %dma_wait3A_272] : memref<10240x128xf32, #tpu.memory_space<hbm>> -> memref<10240x128xf32, #tpu.memory_space<hbm>>
      tpu.wait_indirect_dma semaphore(%arg27 : memref<!tpu.dma_semaphore, #tpu.memory_space<semaphore_mem>>) src(%dma_wait3A_273 : memref<10240x128xf32, #tpu.memory_space<hbm>>) dst(%arg18 : memref<48x128xf32, #tpu.memory_space<vmem>>)
      %dma_wait3A_274 = arith.constant 0 : i32
      %dma_wait3A_275 = arith.constant 0 : i32
      %dma_wait3A_276 = tpu.memref_slice %arg4[%dma_wait3A_274, %dma_wait3A_275] : memref<6912x48xi32, #tpu.memory_space<hbm>> -> memref<2x48xi32, #tpu.memory_space<hbm>>
      %dma_wait3A_277 = arith.constant 0 : i32
      %dma_wait3A_278 = arith.constant 0 : i32
      %dma_wait3A_279 = tpu.memref_slice %arg4[%dma_wait3A_277, %dma_wait3A_278] : memref<6912x48xi32, #tpu.memory_space<hbm>> -> memref<2x48xi32, #tpu.memory_space<hbm>>
      tpu.wait_dma2 semaphore(%arg23 : memref<!tpu.dma_semaphore, #tpu.memory_space<semaphore_mem>>) src(%dma_wait3A_279 : memref<2x48xi32, #tpu.memory_space<hbm>>) dst(%arg10 : memref<2x48xi32, #tpu.memory_space<vmem>>)
      %dma_wait3A_280 = arith.constant 0 : i32
      %dma_wait3A_281 = arith.constant 0 : i32
      %dma_wait3A_282 = tpu.memref_slice %arg5[%dma_wait3A_280, %dma_wait3A_281] : memref<6912x48xi32, #tpu.memory_space<hbm>> -> memref<2x48xi32, #tpu.memory_space<hbm>>
      %dma_wait3A_283 = arith.constant 0 : i32
      %dma_wait3A_284 = arith.constant 0 : i32
      %dma_wait3A_285 = tpu.memref_slice %arg5[%dma_wait3A_283, %dma_wait3A_284] : memref<6912x48xi32, #tpu.memory_space<hbm>> -> memref<2x48xi32, #tpu.memory_space<hbm>>
      tpu.wait_dma2 semaphore(%arg23 : memref<!tpu.dma_semaphore, #tpu.memory_space<semaphore_mem>>) src(%dma_wait3A_285 : memref<2x48xi32, #tpu.memory_space<hbm>>) dst(%arg12 : memref<2x48xi32, #tpu.memory_space<vmem>>)
      %get3A_286 = arith.constant 0 : i32
      %get3A_287 = arith.index_cast %get3A_286 : i32 to index
      %get3A_288 = arith.constant 0 : index
      %get3A_289 = tpu.vector_load %arg12[%get3A_287, %get3A_288] {strides = array<i32>} : memref<2x48xi32, #tpu.memory_space<vmem>>, vector<16xi32>,
      %shift_right_logical3A_290 = arith.constant 3 : i32
      %shift_right_logical3A_291 = vector.broadcast %shift_right_logical3A_290 : i32 to vector<16xi32>
      %shift_right_logical3A_292 = arith.shrui %get3A_289, %shift_right_logical3A_291 : vector<16xi32>
      %swap3A_293 = arith.constant 0 : i32
      %swap3A_294 = arith.index_cast %swap3A_293 : i32 to index
      %swap3A_295 = arith.constant 0 : index
      %swap3A_296 = tpu.vector_load %arg14[%swap3A_294, %swap3A_295] {strides = array<i32>} : memref<2x48xi32, #tpu.memory_space<vmem>>, vector<16xi32>,
      tpu.vector_store %arg14[%swap3A_294, %swap3A_295], %shift_right_logical3A_292 {strides = array<i32>} : memref<2x48xi32, #tpu.memory_space<vmem>>, vector<16xi32>,
      %get3A_297 = arith.constant 0 : i32
      %get3A_298 = arith.index_cast %get3A_297 : i32 to index
      %get3A_299 = arith.constant 16 : index
      %get3A_300 = tpu.vector_load %arg12[%get3A_298, %get3A_299] {strides = array<i32>} : memref<2x48xi32, #tpu.memory_space<vmem>>, vector<16xi32>,
      %shift_right_logical3A_301 = arith.constant 3 : i32
      %shift_right_logical3A_302 = vector.broadcast %shift_right_logical3A_301 : i32 to vector<16xi32>
      %shift_right_logical3A_303 = arith.shrui %get3A_300, %shift_right_logical3A_302 : vector<16xi32>
      %swap3A_304 = arith.constant 0 : i32
      %swap3A_305 = arith.index_cast %swap3A_304 : i32 to index
      %swap3A_306 = arith.constant 16 : index
      %swap3A_307 = tpu.vector_load %arg14[%swap3A_305, %swap3A_306] {strides = array<i32>} : memref<2x48xi32, #tpu.memory_space<vmem>>, vector<16xi32>,
      tpu.vector_store %arg14[%swap3A_305, %swap3A_306], %shift_right_logical3A_303 {strides = array<i32>} : memref<2x48xi32, #tpu.memory_space<vmem>>, vector<16xi32>,
      %get3A_308 = arith.constant 0 : i32
      %get3A_309 = arith.index_cast %get3A_308 : i32 to index
      %get3A_310 = arith.constant 32 : index
      %get3A_311 = tpu.vector_load %arg12[%get3A_309, %get3A_310] {strides = array<i32>} : memref<2x48xi32, #tpu.memory_space<vmem>>, vector<16xi32>,
      %shift_right_logical3A_312 = arith.constant 3 : i32
      %shift_right_logical3A_313 = vector.broadcast %shift_right_logical3A_312 : i32 to vector<16xi32>
      %shift_right_logical3A_314 = arith.shrui %get3A_311, %shift_right_logical3A_313 : vector<16xi32>
      %swap3A_315 = arith.constant 0 : i32
      %swap3A_316 = arith.index_cast %swap3A_315 : i32 to index
      %swap3A_317 = arith.constant 32 : index
      %swap3A_318 = tpu.vector_load %arg14[%swap3A_316, %swap3A_317] {strides = array<i32>} : memref<2x48xi32, #tpu.memory_space<vmem>>, vector<16xi32>,
      tpu.vector_store %arg14[%swap3A_316, %swap3A_317], %shift_right_logical3A_314 {strides = array<i32>} : memref<2x48xi32, #tpu.memory_space<vmem>>, vector<16xi32>,
      %get3A_319 = arith.constant 1 : i32
      %get3A_320 = arith.index_cast %get3A_319 : i32 to index
      %get3A_321 = arith.constant 0 : index
      %get3A_322 = tpu.vector_load %arg12[%get3A_320, %get3A_321] {strides = array<i32>} : memref<2x48xi32, #tpu.memory_space<vmem>>, vector<16xi32>,
      %shift_right_logical3A_323 = arith.constant 3 : i32
      %shift_right_logical3A_324 = vector.broadcast %shift_right_logical3A_323 : i32 to vector<16xi32>
      %shift_right_logical3A_325 = arith.shrui %get3A_322, %shift_right_logical3A_324 : vector<16xi32>
      %swap3A_326 = arith.constant 1 : i32
      %swap3A_327 = arith.index_cast %swap3A_326 : i32 to index
      %swap3A_328 = arith.constant 0 : index
      %swap3A_329 = tpu.vector_load %arg14[%swap3A_327, %swap3A_328] {strides = array<i32>} : memref<2x48xi32, #tpu.memory_space<vmem>>, vector<16xi32>,
      tpu.vector_store %arg14[%swap3A_327, %swap3A_328], %shift_right_logical3A_325 {strides = array<i32>} : memref<2x48xi32, #tpu.memory_space<vmem>>, vector<16xi32>,
      %get3A_330 = arith.constant 1 : i32
      %get3A_331 = arith.index_cast %get3A_330 : i32 to index
      %get3A_332 = arith.constant 16 : index
      %get3A_333 = tpu.vector_load %arg12[%get3A_331, %get3A_332] {strides = array<i32>} : memref<2x48xi32, #tpu.memory_space<vmem>>, vector<16xi32>,
      %shift_right_logical3A_334 = arith.constant 3 : i32
      %shift_right_logical3A_335 = vector.broadcast %shift_right_logical3A_334 : i32 to vector<16xi32>
      %shift_right_logical3A_336 = arith.shrui %get3A_333, %shift_right_logical3A_335 : vector<16xi32>
      %swap3A_337 = arith.constant 1 : i32
      %swap3A_338 = arith.index_cast %swap3A_337 : i32 to index
      %swap3A_339 = arith.constant 16 : index
      %swap3A_340 = tpu.vector_load %arg14[%swap3A_338, %swap3A_339] {strides = array<i32>} : memref<2x48xi32, #tpu.memory_space<vmem>>, vector<16xi32>,
      tpu.vector_store %arg14[%swap3A_338, %swap3A_339], %shift_right_logical3A_336 {strides = array<i32>} : memref<2x48xi32, #tpu.memory_space<vmem>>, vector<16xi32>,
      %get3A_341 = arith.constant 1 : i32
      %get3A_342 = arith.index_cast %get3A_341 : i32 to index
      %get3A_343 = arith.constant 32 : index
      %get3A_344 = tpu.vector_load %arg12[%get3A_342, %get3A_343] {strides = array<i32>} : memref<2x48xi32, #tpu.memory_space<vmem>>, vector<16xi32>,
      %shift_right_logical3A_345 = arith.constant 3 : i32
      %shift_right_logical3A_346 = vector.broadcast %shift_right_logical3A_345 : i32 to vector<16xi32>
      %shift_right_logical3A_347 = arith.shrui %get3A_344, %shift_right_logical3A_346 : vector<16xi32>
      %swap3A_348 = arith.constant 1 : i32
      %swap3A_349 = arith.index_cast %swap3A_348 : i32 to index
      %swap3A_350 = arith.constant 32 : index
      %swap3A_351 = tpu.vector_load %arg14[%swap3A_349, %swap3A_350] {strides = array<i32>} : memref<2x48xi32, #tpu.memory_space<vmem>>, vector<16xi32>,
      tpu.vector_store %arg14[%swap3A_349, %swap3A_350], %shift_right_logical3A_347 {strides = array<i32>} : memref<2x48xi32, #tpu.memory_space<vmem>>, vector<16xi32>,
      %dma_wait3A_352 = arith.constant 0 : i32
      %dma_wait3A_353 = arith.constant 0 : i32
      %dma_wait3A_354 = tpu.memref_slice %arg11[%dma_wait3A_352, %dma_wait3A_353] : memref<2x48xi32, #tpu.memory_space<vmem>> -> memref<1x48xi32, #tpu.memory_space<vmem>>
      %dma_wait3A_355 = tpu.memref_squeeze %dma_wait3A_354 : memref<1x48xi32, #tpu.memory_space<vmem>> -> memref<48xi32, #tpu.memory_space<vmem>>
      %dma_wait3A_356 = arith.constant 0 : i32
      %dma_wait3A_357 = arith.constant 0 : i32
      %dma_wait3A_358 = tpu.memref_slice %arg20[%dma_wait3A_356, %dma_wait3A_357] : memref<10240x128xf32, #tpu.memory_space<vmem_shared>> -> memref<10240x128xf32, #tpu.memory_space<vmem_shared>>
      tpu.wait_indirect_dma semaphore(%arg28 : memref<!tpu.dma_semaphore, #tpu.memory_space<semaphore_mem>>) src(%arg15 : memref<48x128xf32, #tpu.memory_space<vmem>>) dst(%dma_wait3A_358 : memref<10240x128xf32, #tpu.memory_space<vmem_shared>>)
      %dma_wait3A_359 = arith.constant 0 : i32
      %dma_wait3A_360 = arith.constant 0 : i32
      %dma_wait3A_361 = tpu.memref_slice %arg13[%dma_wait3A_359, %dma_wait3A_360] : memref<2x48xi32, #tpu.memory_space<vmem>> -> memref<1x48xi32, #tpu.memory_space<vmem>>
      %dma_wait3A_362 = tpu.memref_squeeze %dma_wait3A_361 : memref<1x48xi32, #tpu.memory_space<vmem>> -> memref<48xi32, #tpu.memory_space<vmem>>
      %dma_wait3A_363 = arith.constant 0 : i32
      %dma_wait3A_364 = arith.constant 0 : i32
      %dma_wait3A_365 = tpu.memref_slice %arg21[%dma_wait3A_363, %dma_wait3A_364] : memref<1280x128xf32, #tpu.memory_space<vmem_shared>> -> memref<1280x128xf32, #tpu.memory_space<vmem_shared>>
      tpu.wait_indirect_dma semaphore(%arg30 : memref<!tpu.dma_semaphore, #tpu.memory_space<semaphore_mem>>) src(%arg17 : memref<48x128xf32, #tpu.memory_space<vmem>>) dst(%dma_wait3A_365 : memref<1280x128xf32, #tpu.memory_space<vmem_shared>>)
      %dma_start3A_366 = arith.constant 0 : i32
      %dma_start3A_367 = arith.constant 0 : i32
      %dma_start3A_368 = tpu.memref_slice %arg10[%dma_start3A_366, %dma_start3A_367] : memref<2x48xi32, #tpu.memory_space<vmem>> -> memref<1x48xi32, #tpu.memory_space<vmem>>
      %dma_start3A_369 = tpu.memref_squeeze %dma_start3A_368 : memref<1x48xi32, #tpu.memory_space<vmem>> -> memref<48xi32, #tpu.memory_space<vmem>>
      %dma_start3A_370 = arith.constant 0 : i32
      %dma_start3A_371 = arith.constant 0 : i32
      %dma_start3A_372 = tpu.memref_slice %arg2[%dma_start3A_370, %dma_start3A_371] : memref<10240x128xf32, #tpu.memory_space<hbm>> -> memref<10240x128xf32, #tpu.memory_space<hbm>>
      tpu.enqueue_indirect_dma source(%dma_start3A_372 : memref<10240x128xf32, #tpu.memory_space<hbm>>) target(%arg15 : memref<48x128xf32, #tpu.memory_space<vmem>>) offsets(%dma_start3A_369 : memref<48xi32, #tpu.memory_space<vmem>>) semaphore(%arg24 : memref<!tpu.dma_semaphore, #tpu.memory_space<semaphore_mem>>)
      %dma_start3A_373 = arith.constant 0 : i32
      %dma_start3A_374 = arith.constant 0 : i32
      %dma_start3A_375 = tpu.memref_slice %arg12[%dma_start3A_373, %dma_start3A_374] : memref<2x48xi32, #tpu.memory_space<vmem>> -> memref<1x48xi32, #tpu.memory_space<vmem>>
      %dma_start3A_376 = tpu.memref_squeeze %dma_start3A_375 : memref<1x48xi32, #tpu.memory_space<vmem>> -> memref<48xi32, #tpu.memory_space<vmem>>
      %dma_start3A_377 = arith.constant 0 : i32
      %dma_start3A_378 = arith.constant 0 : i32
      %dma_start3A_379 = tpu.memref_slice %arg3[%dma_start3A_377, %dma_start3A_378] : memref<10240x128xf32, #tpu.memory_space<hbm>> -> memref<10240x128xf32, #tpu.memory_space<hbm>>
      tpu.enqueue_indirect_dma source(%dma_start3A_379 : memref<10240x128xf32, #tpu.memory_space<hbm>>) target(%arg17 : memref<48x128xf32, #tpu.memory_space<vmem>>) offsets(%dma_start3A_376 : memref<48xi32, #tpu.memory_space<vmem>>) semaphore(%arg26 : memref<!tpu.dma_semaphore, #tpu.memory_space<semaphore_mem>>)
      %scan3A_380 = arith.constant 0 : i32
      %scan3A_381 = arith.constant 48 : i32
      %scan3A_382 = arith.addi %scan3A_380, %scan3A_381 : i32
      %scan3A_383 = arith.constant 1 : i32
      scf.for %scan3A_511 = %scan3A_380 to %scan3A_382 step %scan3A_383  : i32 {
        %mul3A_512 = arith.constant 1 : i32
        %mul3A_513 = arith.muli %scan3A_511, %mul3A_512 : i32
        %add3A_514 = arith.constant 0 : i32
        %add3A_515 = arith.addi %add3A_514, %mul3A_513 : i32
        %get3A_516 = arith.index_cast %add3A_515 : i32 to index
        %get3A_517 = arith.constant 0 : index
        %get3A_518 = tpu.vector_load %arg16[%get3A_516, %get3A_517] {strides = array<i32>} : memref<48x128xf32, #tpu.memory_space<vmem>>, vector<16xf32>,
        %get3A_519 = arith.index_cast %add3A_515 : i32 to index
        %get3A_520 = arith.constant 0 : index
        %get3A_521 = tpu.vector_load %arg18[%get3A_519, %get3A_520] {strides = array<i32>} : memref<48x128xf32, #tpu.memory_space<vmem>>, vector<16xf32>,
        %add3A_522 = arith.addf %get3A_518, %get3A_521 : vector<16xf32>
        %mul3A_523 = arith.constant 2.000000e-01 : f32
        %mul3A_524 = vector.broadcast %mul3A_523 : f32 to vector<16xf32>
        %mul3A_525 = arith.mulf %mul3A_524, %add3A_522 : vector<16xf32>
        %max3A = arith.maximumf %add3A_522, %mul3A_525 : vector<16xf32>
        %get3A_526 = arith.constant 0 : index
        %get3A_527 = tpu.vector_load %arg19[%get3A_526] {strides = array<i32>} : memref<128xf32, #tpu.memory_space<vmem>>, vector<16xf32>,
        %mul3A_528 = arith.mulf %max3A, %get3A_527 : vector<16xf32>
        %get3A_529 = arith.index_cast %add3A_515 : i32 to index
        %get3A_530 = arith.constant 16 : index
        %get3A_531 = tpu.vector_load %arg16[%get3A_529, %get3A_530] {strides = array<i32>} : memref<48x128xf32, #tpu.memory_space<vmem>>, vector<16xf32>,
        %get3A_532 = arith.index_cast %add3A_515 : i32 to index
        %get3A_533 = arith.constant 16 : index
        %get3A_534 = tpu.vector_load %arg18[%get3A_532, %get3A_533] {strides = array<i32>} : memref<48x128xf32, #tpu.memory_space<vmem>>, vector<16xf32>,
        %add3A_535 = arith.addf %get3A_531, %get3A_534 : vector<16xf32>
        %mul3A_536 = arith.constant 2.000000e-01 : f32
        %mul3A_537 = vector.broadcast %mul3A_536 : f32 to vector<16xf32>
        %mul3A_538 = arith.mulf %mul3A_537, %add3A_535 : vector<16xf32>
        %max3A_539 = arith.maximumf %add3A_535, %mul3A_538 : vector<16xf32>
        %get3A_540 = arith.constant 16 : index
        %get3A_541 = tpu.vector_load %arg19[%get3A_540] {strides = array<i32>} : memref<128xf32, #tpu.memory_space<vmem>>, vector<16xf32>,
        %mul3A_542 = arith.mulf %max3A_539, %get3A_541 : vector<16xf32>
        %get3A_543 = arith.index_cast %add3A_515 : i32 to index
        %get3A_544 = arith.constant 32 : index
        %get3A_545 = tpu.vector_load %arg16[%get3A_543, %get3A_544] {strides = array<i32>} : memref<48x128xf32, #tpu.memory_space<vmem>>, vector<16xf32>,
        %get3A_546 = arith.index_cast %add3A_515 : i32 to index
        %get3A_547 = arith.constant 32 : index
        %get3A_548 = tpu.vector_load %arg18[%get3A_546, %get3A_547] {strides = array<i32>} : memref<48x128xf32, #tpu.memory_space<vmem>>, vector<16xf32>,
        %add3A_549 = arith.addf %get3A_545, %get3A_548 : vector<16xf32>
        %mul3A_550 = arith.constant 2.000000e-01 : f32
        %mul3A_551 = vector.broadcast %mul3A_550 : f32 to vector<16xf32>
        %mul3A_552 = arith.mulf %mul3A_551, %add3A_549 : vector<16xf32>
        %max3A_553 = arith.maximumf %add3A_549, %mul3A_552 : vector<16xf32>
        %get3A_554 = arith.constant 32 : index
        %get3A_555 = tpu.vector_load %arg19[%get3A_554] {strides = array<i32>} : memref<128xf32, #tpu.memory_space<vmem>>, vector<16xf32>,
        %mul3A_556 = arith.mulf %max3A_553, %get3A_555 : vector<16xf32>
        %get3A_557 = arith.index_cast %add3A_515 : i32 to index
        %get3A_558 = arith.constant 48 : index
        %get3A_559 = tpu.vector_load %arg16[%get3A_557, %get3A_558] {strides = array<i32>} : memref<48x128xf32, #tpu.memory_space<vmem>>, vector<16xf32>,
        %get3A_560 = arith.index_cast %add3A_515 : i32 to index
        %get3A_561 = arith.constant 48 : index
        %get3A_562 = tpu.vector_load %arg18[%get3A_560, %get3A_561] {strides = array<i32>} : memref<48x128xf32, #tpu.memory_space<vmem>>, vector<16xf32>,
        %add3A_563 = arith.addf %get3A_559, %get3A_562 : vector<16xf32>
        %mul3A_564 = arith.constant 2.000000e-01 : f32
        %mul3A_565 = vector.broadcast %mul3A_564 : f32 to vector<16xf32>
        %mul3A_566 = arith.mulf %mul3A_565, %add3A_563 : vector<16xf32>
        %max3A_567 = arith.maximumf %add3A_563, %mul3A_566 : vector<16xf32>
        %get3A_568 = arith.constant 48 : index
        %get3A_569 = tpu.vector_load %arg19[%get3A_568] {strides = array<i32>} : memref<128xf32, #tpu.memory_space<vmem>>, vector<16xf32>,
        %mul3A_570 = arith.mulf %max3A_567, %get3A_569 : vector<16xf32>
        %get3A_571 = arith.index_cast %add3A_515 : i32 to index
        %get3A_572 = arith.constant 64 : index
        %get3A_573 = tpu.vector_load %arg16[%get3A_571, %get3A_572] {strides = array<i32>} : memref<48x128xf32, #tpu.memory_space<vmem>>, vector<16xf32>,
        %get3A_574 = arith.index_cast %add3A_515 : i32 to index
        %get3A_575 = arith.constant 64 : index
        %get3A_576 = tpu.vector_load %arg18[%get3A_574, %get3A_575] {strides = array<i32>} : memref<48x128xf32, #tpu.memory_space<vmem>>, vector<16xf32>,
        %add3A_577 = arith.addf %get3A_573, %get3A_576 : vector<16xf32>
        %mul3A_578 = arith.constant 2.000000e-01 : f32
        %mul3A_579 = vector.broadcast %mul3A_578 : f32 to vector<16xf32>
        %mul3A_580 = arith.mulf %mul3A_579, %add3A_577 : vector<16xf32>
        %max3A_581 = arith.maximumf %add3A_577, %mul3A_580 : vector<16xf32>
        %get3A_582 = arith.constant 64 : index
        %get3A_583 = tpu.vector_load %arg19[%get3A_582] {strides = array<i32>} : memref<128xf32, #tpu.memory_space<vmem>>, vector<16xf32>,
        %mul3A_584 = arith.mulf %max3A_581, %get3A_583 : vector<16xf32>
        %get3A_585 = arith.index_cast %add3A_515 : i32 to index
        %get3A_586 = arith.constant 80 : index
        %get3A_587 = tpu.vector_load %arg16[%get3A_585, %get3A_586] {strides = array<i32>} : memref<48x128xf32, #tpu.memory_space<vmem>>, vector<16xf32>,
        %get3A_588 = arith.index_cast %add3A_515 : i32 to index
        %get3A_589 = arith.constant 80 : index
        %get3A_590 = tpu.vector_load %arg18[%get3A_588, %get3A_589] {strides = array<i32>} : memref<48x128xf32, #tpu.memory_space<vmem>>, vector<16xf32>,
        %add3A_591 = arith.addf %get3A_587, %get3A_590 : vector<16xf32>
        %mul3A_592 = arith.constant 2.000000e-01 : f32
        %mul3A_593 = vector.broadcast %mul3A_592 : f32 to vector<16xf32>
        %mul3A_594 = arith.mulf %mul3A_593, %add3A_591 : vector<16xf32>
        %max3A_595 = arith.maximumf %add3A_591, %mul3A_594 : vector<16xf32>
        %get3A_596 = arith.constant 80 : index
        %get3A_597 = tpu.vector_load %arg19[%get3A_596] {strides = array<i32>} : memref<128xf32, #tpu.memory_space<vmem>>, vector<16xf32>,
        %mul3A_598 = arith.mulf %max3A_595, %get3A_597 : vector<16xf32>
        %get3A_599 = arith.index_cast %add3A_515 : i32 to index
        %get3A_600 = arith.constant 96 : index
        %get3A_601 = tpu.vector_load %arg16[%get3A_599, %get3A_600] {strides = array<i32>} : memref<48x128xf32, #tpu.memory_space<vmem>>, vector<16xf32>,
        %get3A_602 = arith.index_cast %add3A_515 : i32 to index
        %get3A_603 = arith.constant 96 : index
        %get3A_604 = tpu.vector_load %arg18[%get3A_602, %get3A_603] {strides = array<i32>} : memref<48x128xf32, #tpu.memory_space<vmem>>, vector<16xf32>,
        %add3A_605 = arith.addf %get3A_601, %get3A_604 : vector<16xf32>
        %mul3A_606 = arith.constant 2.000000e-01 : f32
        %mul3A_607 = vector.broadcast %mul3A_606 : f32 to vector<16xf32>
        %mul3A_608 = arith.mulf %mul3A_607, %add3A_605 : vector<16xf32>
        %max3A_609 = arith.maximumf %add3A_605, %mul3A_608 : vector<16xf32>
        %get3A_610 = arith.constant 96 : index
        %get3A_611 = tpu.vector_load %arg19[%get3A_610] {strides = array<i32>} : memref<128xf32, #tpu.memory_space<vmem>>, vector<16xf32>,
        %mul3A_612 = arith.mulf %max3A_609, %get3A_611 : vector<16xf32>
        %get3A_613 = arith.index_cast %add3A_515 : i32 to index
        %get3A_614 = arith.constant 112 : index
        %get3A_615 = tpu.vector_load %arg16[%get3A_613, %get3A_614] {strides = array<i32>} : memref<48x128xf32, #tpu.memory_space<vmem>>, vector<16xf32>,
        %get3A_616 = arith.index_cast %add3A_515 : i32 to index
        %get3A_617 = arith.constant 112 : index
        %get3A_618 = tpu.vector_load %arg18[%get3A_616, %get3A_617] {strides = array<i32>} : memref<48x128xf32, #tpu.memory_space<vmem>>, vector<16xf32>,
        %add3A_619 = arith.addf %get3A_615, %get3A_618 : vector<16xf32>
        %mul3A_620 = arith.constant 2.000000e-01 : f32
        %mul3A_621 = vector.broadcast %mul3A_620 : f32 to vector<16xf32>
        %mul3A_622 = arith.mulf %mul3A_621, %add3A_619 : vector<16xf32>
        %max3A_623 = arith.maximumf %add3A_619, %mul3A_622 : vector<16xf32>
        %get3A_624 = arith.constant 112 : index
        %get3A_625 = tpu.vector_load %arg19[%get3A_624] {strides = array<i32>} : memref<128xf32, #tpu.memory_space<vmem>>, vector<16xf32>,
        %mul3A_626 = arith.mulf %max3A_623, %get3A_625 : vector<16xf32>
        %add3A_627 = arith.addf %mul3A_528, %mul3A_542 : vector<16xf32>
        %reduce_sum3A = arith.constant true
        %reduce_sum3A_628 = vector.broadcast %reduce_sum3A : i1 to vector<16xi1>
        %reduce_sum3A_629 = tpu.scan <sum>, %add3A_627 masked %reduce_sum3A_628 : vector<16xf32>, vector<16xi1> -> vector<16xf32>
        %reduce_sum3A_630 = vector.extract %reduce_sum3A_629[15] : f32 from vector<16xf32>
        %broadcast_in_dim3A_631 = vector.broadcast %reduce_sum3A_630 : f32 to vector<16xf32>
        %exp3A = math.exp %broadcast_in_dim3A_631 : vector<16xf32>
        %add3A_632 = arith.addf %mul3A_556, %mul3A_570 : vector<16xf32>
        %reduce_sum3A_633 = arith.constant true
        %reduce_sum3A_634 = vector.broadcast %reduce_sum3A_633 : i1 to vector<16xi1>
        %reduce_sum3A_635 = tpu.scan <sum>, %add3A_632 masked %reduce_sum3A_634 : vector<16xf32>, vector<16xi1> -> vector<16xf32>
        %reduce_sum3A_636 = vector.extract %reduce_sum3A_635[15] : f32 from vector<16xf32>
        %broadcast_in_dim3A_637 = vector.broadcast %reduce_sum3A_636 : f32 to vector<16xf32>
        %exp3A_638 = math.exp %broadcast_in_dim3A_637 : vector<16xf32>
        %add3A_639 = arith.addf %mul3A_584, %mul3A_598 : vector<16xf32>
        %reduce_sum3A_640 = arith.constant true
        %reduce_sum3A_641 = vector.broadcast %reduce_sum3A_640 : i1 to vector<16xi1>
        %reduce_sum3A_642 = tpu.scan <sum>, %add3A_639 masked %reduce_sum3A_641 : vector<16xf32>, vector<16xi1> -> vector<16xf32>
        %reduce_sum3A_643 = vector.extract %reduce_sum3A_642[15] : f32 from vector<16xf32>
        %broadcast_in_dim3A_644 = vector.broadcast %reduce_sum3A_643 : f32 to vector<16xf32>
        %exp3A_645 = math.exp %broadcast_in_dim3A_644 : vector<16xf32>
        %add3A_646 = arith.addf %mul3A_612, %mul3A_626 : vector<16xf32>
        %reduce_sum3A_647 = arith.constant true
        %reduce_sum3A_648 = vector.broadcast %reduce_sum3A_647 : i1 to vector<16xi1>
        %reduce_sum3A_649 = tpu.scan <sum>, %add3A_646 masked %reduce_sum3A_648 : vector<16xf32>, vector<16xi1> -> vector<16xf32>
        %reduce_sum3A_650 = vector.extract %reduce_sum3A_649[15] : f32 from vector<16xf32>
        %broadcast_in_dim3A_651 = vector.broadcast %reduce_sum3A_650 : f32 to vector<16xf32>
        %exp3A_652 = math.exp %broadcast_in_dim3A_651 : vector<16xf32>
        %mul3A_653 = arith.mulf %get3A_518, %exp3A : vector<16xf32>
        %swap3A_654 = arith.index_cast %add3A_515 : i32 to index
        %swap3A_655 = arith.constant 0 : index
        %swap3A_656 = tpu.vector_load %arg16[%swap3A_654, %swap3A_655] {strides = array<i32>} : memref<48x128xf32, #tpu.memory_space<vmem>>, vector<16xf32>,
        tpu.vector_store %arg16[%swap3A_654, %swap3A_655], %mul3A_653 {strides = array<i32>} : memref<48x128xf32, #tpu.memory_space<vmem>>, vector<16xf32>,
        %mul3A_657 = arith.mulf %get3A_531, %exp3A : vector<16xf32>
        %swap3A_658 = arith.index_cast %add3A_515 : i32 to index
        %swap3A_659 = arith.constant 16 : index
        %swap3A_660 = tpu.vector_load %arg16[%swap3A_658, %swap3A_659] {strides = array<i32>} : memref<48x128xf32, #tpu.memory_space<vmem>>, vector<16xf32>,
        tpu.vector_store %arg16[%swap3A_658, %swap3A_659], %mul3A_657 {strides = array<i32>} : memref<48x128xf32, #tpu.memory_space<vmem>>, vector<16xf32>,
        %mul3A_661 = arith.mulf %get3A_545, %exp3A_638 : vector<16xf32>
        %swap3A_662 = arith.index_cast %add3A_515 : i32 to index
        %swap3A_663 = arith.constant 32 : index
        %swap3A_664 = tpu.vector_load %arg16[%swap3A_662, %swap3A_663] {strides = array<i32>} : memref<48x128xf32, #tpu.memory_space<vmem>>, vector<16xf32>,
        tpu.vector_store %arg16[%swap3A_662, %swap3A_663], %mul3A_661 {strides = array<i32>} : memref<48x128xf32, #tpu.memory_space<vmem>>, vector<16xf32>,
        %mul3A_665 = arith.mulf %get3A_559, %exp3A_638 : vector<16xf32>
        %swap3A_666 = arith.index_cast %add3A_515 : i32 to index
        %swap3A_667 = arith.constant 48 : index
        %swap3A_668 = tpu.vector_load %arg16[%swap3A_666, %swap3A_667] {strides = array<i32>} : memref<48x128xf32, #tpu.memory_space<vmem>>, vector<16xf32>,
        tpu.vector_store %arg16[%swap3A_666, %swap3A_667], %mul3A_665 {strides = array<i32>} : memref<48x128xf32, #tpu.memory_space<vmem>>, vector<16xf32>,
        %mul3A_669 = arith.mulf %get3A_573, %exp3A_645 : vector<16xf32>
        %swap3A_670 = arith.index_cast %add3A_515 : i32 to index
        %swap3A_671 = arith.constant 64 : index
        %swap3A_672 = tpu.vector_load %arg16[%swap3A_670, %swap3A_671] {strides = array<i32>} : memref<48x128xf32, #tpu.memory_space<vmem>>, vector<16xf32>,
        tpu.vector_store %arg16[%swap3A_670, %swap3A_671], %mul3A_669 {strides = array<i32>} : memref<48x128xf32, #tpu.memory_space<vmem>>, vector<16xf32>,
        %mul3A_673 = arith.mulf %get3A_587, %exp3A_645 : vector<16xf32>
        %swap3A_674 = arith.index_cast %add3A_515 : i32 to index
        %swap3A_675 = arith.constant 80 : index
        %swap3A_676 = tpu.vector_load %arg16[%swap3A_674, %swap3A_675] {strides = array<i32>} : memref<48x128xf32, #tpu.memory_space<vmem>>, vector<16xf32>,
        tpu.vector_store %arg16[%swap3A_674, %swap3A_675], %mul3A_673 {strides = array<i32>} : memref<48x128xf32, #tpu.memory_space<vmem>>, vector<16xf32>,
        %mul3A_677 = arith.mulf %get3A_601, %exp3A_652 : vector<16xf32>
        %swap3A_678 = arith.index_cast %add3A_515 : i32 to index
        %swap3A_679 = arith.constant 96 : index
        %swap3A_680 = tpu.vector_load %arg16[%swap3A_678, %swap3A_679] {strides = array<i32>} : memref<48x128xf32, #tpu.memory_space<vmem>>, vector<16xf32>,
        tpu.vector_store %arg16[%swap3A_678, %swap3A_679], %mul3A_677 {strides = array<i32>} : memref<48x128xf32, #tpu.memory_space<vmem>>, vector<16xf32>,
        %mul3A_681 = arith.mulf %get3A_615, %exp3A_652 : vector<16xf32>
        %swap3A_682 = arith.index_cast %add3A_515 : i32 to index
        %swap3A_683 = arith.constant 112 : index
        %swap3A_684 = tpu.vector_load %arg16[%swap3A_682, %swap3A_683] {strides = array<i32>} : memref<48x128xf32, #tpu.memory_space<vmem>>, vector<16xf32>,
        tpu.vector_store %arg16[%swap3A_682, %swap3A_683], %mul3A_681 {strides = array<i32>} : memref<48x128xf32, #tpu.memory_space<vmem>>, vector<16xf32>,
        %mul3A_685 = arith.mulf %exp3A, %select_n3A : vector<16xf32>
        %mul3A_686 = arith.mulf %exp3A_638, %select_n3A_36 : vector<16xf32>
        %add3A_687 = arith.addf %mul3A_685, %mul3A_686 : vector<16xf32>
        %mul3A_688 = arith.mulf %exp3A_645, %select_n3A_44 : vector<16xf32>
        %add3A_689 = arith.addf %add3A_687, %mul3A_688 : vector<16xf32>
        %mul3A_690 = arith.mulf %exp3A_652, %select_n3A_52 : vector<16xf32>
        %add3A_691 = arith.addf %add3A_689, %mul3A_690 : vector<16xf32>
        %broadcast_in_dim3A_692 = arith.constant 1 : i32
        %broadcast_in_dim3A_693 = vector.broadcast %broadcast_in_dim3A_692 : i32 to vector<16xi32>
        %broadcast_in_dim3A_694 = vector.broadcast %add3A_515 : i32 to vector<16xi32>
        %gather3A = tpu.vector_load_idx %arg11[%broadcast_in_dim3A_693, %broadcast_in_dim3A_694] : memref<2x48xi32, #tpu.memory_space<vmem>>[vector<16xi32>, vector<16xi32>], vector<16xi32>,
        %and3A = arith.constant 7 : i32
        %and3A_695 = vector.broadcast %and3A : i32 to vector<16xi32>
        %and3A_696 = arith.andi %gather3A, %and3A_695 : vector<16xi32>
        %eq3A_697 = arith.constant 0 : i32
        %eq3A_698 = vector.broadcast %eq3A_697 : i32 to vector<16xi32>
        %eq3A_699 = arith.cmpi eq, %and3A_696, %eq3A_698 : vector<16xi32>
        %select_n3A_700 = arith.select %eq3A_699, %add3A_691, %broadcast_in_dim3A_3 : vector<16xi1>, vector<16xf32>
        %swap3A_701 = arith.index_cast %add3A_515 : i32 to index
        %swap3A_702 = arith.constant 0 : index
        %swap3A_703 = tpu.vector_load %arg18[%swap3A_701, %swap3A_702] {strides = array<i32>} : memref<48x128xf32, #tpu.memory_space<vmem>>, vector<16xf32>,
        tpu.vector_store %arg18[%swap3A_701, %swap3A_702], %select_n3A_700 {strides = array<i32>} : memref<48x128xf32, #tpu.memory_space<vmem>>, vector<16xf32>,
        %eq3A_704 = arith.constant 1 : i32
        %eq3A_705 = vector.broadcast %eq3A_704 : i32 to vector<16xi32>
        %eq3A_706 = arith.cmpi eq, %and3A_696, %eq3A_705 : vector<16xi32>
        %select_n3A_707 = arith.select %eq3A_706, %add3A_691, %broadcast_in_dim3A_3 : vector<16xi1>, vector<16xf32>
        %swap3A_708 = arith.index_cast %add3A_515 : i32 to index
        %swap3A_709 = arith.constant 16 : index
        %swap3A_710 = tpu.vector_load %arg18[%swap3A_708, %swap3A_709] {strides = array<i32>} : memref<48x128xf32, #tpu.memory_space<vmem>>, vector<16xf32>,
        tpu.vector_store %arg18[%swap3A_708, %swap3A_709], %select_n3A_707 {strides = array<i32>} : memref<48x128xf32, #tpu.memory_space<vmem>>, vector<16xf32>,
        %eq3A_711 = arith.constant 2 : i32
        %eq3A_712 = vector.broadcast %eq3A_711 : i32 to vector<16xi32>
        %eq3A_713 = arith.cmpi eq, %and3A_696, %eq3A_712 : vector<16xi32>
        %select_n3A_714 = arith.select %eq3A_713, %add3A_691, %broadcast_in_dim3A_3 : vector<16xi1>, vector<16xf32>
        %swap3A_715 = arith.index_cast %add3A_515 : i32 to index
        %swap3A_716 = arith.constant 32 : index
        %swap3A_717 = tpu.vector_load %arg18[%swap3A_715, %swap3A_716] {strides = array<i32>} : memref<48x128xf32, #tpu.memory_space<vmem>>, vector<16xf32>,
        tpu.vector_store %arg18[%swap3A_715, %swap3A_716], %select_n3A_714 {strides = array<i32>} : memref<48x128xf32, #tpu.memory_space<vmem>>, vector<16xf32>,
        %eq3A_718 = arith.constant 3 : i32
        %eq3A_719 = vector.broadcast %eq3A_718 : i32 to vector<16xi32>
        %eq3A_720 = arith.cmpi eq, %and3A_696, %eq3A_719 : vector<16xi32>
        %select_n3A_721 = arith.select %eq3A_720, %add3A_691, %broadcast_in_dim3A_3 : vector<16xi1>, vector<16xf32>
        %swap3A_722 = arith.index_cast %add3A_515 : i32 to index
        %swap3A_723 = arith.constant 48 : index
        %swap3A_724 = tpu.vector_load %arg18[%swap3A_722, %swap3A_723] {strides = array<i32>} : memref<48x128xf32, #tpu.memory_space<vmem>>, vector<16xf32>,
        tpu.vector_store %arg18[%swap3A_722, %swap3A_723], %select_n3A_721 {strides = array<i32>} : memref<48x128xf32, #tpu.memory_space<vmem>>, vector<16xf32>,
        %eq3A_725 = arith.constant 4 : i32
        %eq3A_726 = vector.broadcast %eq3A_725 : i32 to vector<16xi32>
        %eq3A_727 = arith.cmpi eq, %and3A_696, %eq3A_726 : vector<16xi32>
        %select_n3A_728 = arith.select %eq3A_727, %add3A_691, %broadcast_in_dim3A_3 : vector<16xi1>, vector<16xf32>
        %swap3A_729 = arith.index_cast %add3A_515 : i32 to index
        %swap3A_730 = arith.constant 64 : index
        %swap3A_731 = tpu.vector_load %arg18[%swap3A_729, %swap3A_730] {strides = array<i32>} : memref<48x128xf32, #tpu.memory_space<vmem>>, vector<16xf32>,
        tpu.vector_store %arg18[%swap3A_729, %swap3A_730], %select_n3A_728 {strides = array<i32>} : memref<48x128xf32, #tpu.memory_space<vmem>>, vector<16xf32>,
        %eq3A_732 = arith.constant 5 : i32
        %eq3A_733 = vector.broadcast %eq3A_732 : i32 to vector<16xi32>
        %eq3A_734 = arith.cmpi eq, %and3A_696, %eq3A_733 : vector<16xi32>
        %select_n3A_735 = arith.select %eq3A_734, %add3A_691, %broadcast_in_dim3A_3 : vector<16xi1>, vector<16xf32>
        %swap3A_736 = arith.index_cast %add3A_515 : i32 to index
        %swap3A_737 = arith.constant 80 : index
        %swap3A_738 = tpu.vector_load %arg18[%swap3A_736, %swap3A_737] {strides = array<i32>} : memref<48x128xf32, #tpu.memory_space<vmem>>, vector<16xf32>,
        tpu.vector_store %arg18[%swap3A_736, %swap3A_737], %select_n3A_735 {strides = array<i32>} : memref<48x128xf32, #tpu.memory_space<vmem>>, vector<16xf32>,
        %eq3A_739 = arith.constant 6 : i32
        %eq3A_740 = vector.broadcast %eq3A_739 : i32 to vector<16xi32>
        %eq3A_741 = arith.cmpi eq, %and3A_696, %eq3A_740 : vector<16xi32>
        %select_n3A_742 = arith.select %eq3A_741, %add3A_691, %broadcast_in_dim3A_3 : vector<16xi1>, vector<16xf32>
        %swap3A_743 = arith.index_cast %add3A_515 : i32 to index
        %swap3A_744 = arith.constant 96 : index
        %swap3A_745 = tpu.vector_load %arg18[%swap3A_743, %swap3A_744] {strides = array<i32>} : memref<48x128xf32, #tpu.memory_space<vmem>>, vector<16xf32>,
        tpu.vector_store %arg18[%swap3A_743, %swap3A_744], %select_n3A_742 {strides = array<i32>} : memref<48x128xf32, #tpu.memory_space<vmem>>, vector<16xf32>,
        %eq3A_746 = arith.constant 7 : i32
        %eq3A_747 = vector.broadcast %eq3A_746 : i32 to vector<16xi32>
        %eq3A_748 = arith.cmpi eq, %and3A_696, %eq3A_747 : vector<16xi32>
        %select_n3A_749 = arith.select %eq3A_748, %add3A_691, %broadcast_in_dim3A_3 : vector<16xi1>, vector<16xf32>
        %swap3A_750 = arith.index_cast %add3A_515 : i32 to index
        %swap3A_751 = arith.constant 112 : index
        %swap3A_752 = tpu.vector_load %arg18[%swap3A_750, %swap3A_751] {strides = array<i32>} : memref<48x128xf32, #tpu.memory_space<vmem>>, vector<16xf32>,
        tpu.vector_store %arg18[%swap3A_750, %swap3A_751], %select_n3A_749 {strides = array<i32>} : memref<48x128xf32, #tpu.memory_space<vmem>>, vector<16xf32>,
      }
      %scan3A_384 = arith.constant 48 : i32
      %dma_start3A_385 = arith.constant 1 : i32
      %dma_start3A_386 = arith.constant 0 : i32
      %dma_start3A_387 = tpu.memref_slice %arg11[%dma_start3A_385, %dma_start3A_386] : memref<2x48xi32, #tpu.memory_space<vmem>> -> memref<1x48xi32, #tpu.memory_space<vmem>>
      %dma_start3A_388 = tpu.memref_squeeze %dma_start3A_387 : memref<1x48xi32, #tpu.memory_space<vmem>> -> memref<48xi32, #tpu.memory_space<vmem>>
      %dma_start3A_389 = arith.constant 0 : i32
      %dma_start3A_390 = arith.constant 0 : i32
      %dma_start3A_391 = tpu.memref_slice %arg20[%dma_start3A_389, %dma_start3A_390] : memref<10240x128xf32, #tpu.memory_space<vmem_shared>> -> memref<10240x128xf32, #tpu.memory_space<vmem_shared>>
      tpu.enqueue_indirect_dma source(%arg16 : memref<48x128xf32, #tpu.memory_space<vmem>>) target(%dma_start3A_391 : memref<10240x128xf32, #tpu.memory_space<vmem_shared>>) offsets(%dma_start3A_388 : memref<48xi32, #tpu.memory_space<vmem>>) semaphore(%arg29 : memref<!tpu.dma_semaphore, #tpu.memory_space<semaphore_mem>>) {add = true}
      %dma_start3A_392 = arith.constant 1 : i32
      %dma_start3A_393 = arith.constant 0 : i32
      %dma_start3A_394 = tpu.memref_slice %arg13[%dma_start3A_392, %dma_start3A_393] : memref<2x48xi32, #tpu.memory_space<vmem>> -> memref<1x48xi32, #tpu.memory_space<vmem>>
      %dma_start3A_395 = tpu.memref_squeeze %dma_start3A_394 : memref<1x48xi32, #tpu.memory_space<vmem>> -> memref<48xi32, #tpu.memory_space<vmem>>
      %dma_start3A_396 = arith.constant 0 : i32
      %dma_start3A_397 = arith.constant 0 : i32
      %dma_start3A_398 = tpu.memref_slice %arg21[%dma_start3A_396, %dma_start3A_397] : memref<1280x128xf32, #tpu.memory_space<vmem_shared>> -> memref<1280x128xf32, #tpu.memory_space<vmem_shared>>
      tpu.enqueue_indirect_dma source(%arg18 : memref<48x128xf32, #tpu.memory_space<vmem>>) target(%dma_start3A_398 : memref<1280x128xf32, #tpu.memory_space<vmem_shared>>) offsets(%dma_start3A_395 : memref<48xi32, #tpu.memory_space<vmem>>) semaphore(%arg31 : memref<!tpu.dma_semaphore, #tpu.memory_space<semaphore_mem>>) {add = true}
      %lt3A = arith.constant 53 : i32
      %lt3A_399 = arith.cmpi slt, %add3A_206, %lt3A : i32
      %convert_element_type3A_400 = arith.extui %lt3A_399 : i1 to i32
      %cond3A_401 = arith.constant 0 : i32
      %cond3A_402 = arith.cmpi ne, %convert_element_type3A_400, %cond3A_401 : i32
      scf.if %cond3A_402 {
        %add3A_511 = arith.constant 2 : i32
        %add3A_512 = arith.addi %add3A_210, %add3A_511 : i32
        %mul3A_513 = arith.constant 2 : i32
        %mul3A_514 = arith.muli %add3A_512, %mul3A_513 : i32
        %add3A_515 = arith.addi %mul3A_2, %mul3A_514 : i32
        %dma_start3A_516 = arith.constant 0 : i32
        %dma_start3A_517 = tpu.memref_slice %arg4[%add3A_515, %dma_start3A_516] : memref<6912x48xi32, #tpu.memory_space<hbm>> -> memref<2x48xi32, #tpu.memory_space<hbm>>
        %dma_start3A_518 = arith.constant 0 : i32
        %dma_start3A_519 = tpu.memref_slice %arg4[%add3A_515, %dma_start3A_518] : memref<6912x48xi32, #tpu.memory_space<hbm>> -> memref<2x48xi32, #tpu.memory_space<hbm>>
        tpu.enqueue_dma source(%dma_start3A_519 : memref<2x48xi32, #tpu.memory_space<hbm>>) target(%arg9 : memref<2x48xi32, #tpu.memory_space<vmem>>) target_semaphore(%arg22 : memref<!tpu.dma_semaphore, #tpu.memory_space<semaphore_mem>>)
        %dma_start3A_520 = arith.constant 0 : i32
        %dma_start3A_521 = tpu.memref_slice %arg5[%add3A_515, %dma_start3A_520] : memref<6912x48xi32, #tpu.memory_space<hbm>> -> memref<2x48xi32, #tpu.memory_space<hbm>>
        %dma_start3A_522 = arith.constant 0 : i32
        %dma_start3A_523 = tpu.memref_slice %arg5[%add3A_515, %dma_start3A_522] : memref<6912x48xi32, #tpu.memory_space<hbm>> -> memref<2x48xi32, #tpu.memory_space<hbm>>
        tpu.enqueue_dma source(%dma_start3A_523 : memref<2x48xi32, #tpu.memory_space<hbm>>) target(%arg11 : memref<2x48xi32, #tpu.memory_space<vmem>>) target_semaphore(%arg22 : memref<!tpu.dma_semaphore, #tpu.memory_space<semaphore_mem>>)
      } else {
      }
      %mul3A_403 = arith.constant 2 : i32
      %mul3A_404 = arith.muli %mul3A_403, %add3A_206 : i32
      %add3A_405 = arith.constant 1 : i32
      %add3A_406 = arith.addi %mul3A_404, %add3A_405 : i32
      %dma_wait3A_407 = arith.constant 0 : i32
      %dma_wait3A_408 = arith.constant 0 : i32
      %dma_wait3A_409 = tpu.memref_slice %arg9[%dma_wait3A_407, %dma_wait3A_408] : memref<2x48xi32, #tpu.memory_space<vmem>> -> memref<1x48xi32, #tpu.memory_space<vmem>>
      %dma_wait3A_410 = tpu.memref_squeeze %dma_wait3A_409 : memref<1x48xi32, #tpu.memory_space<vmem>> -> memref<48xi32, #tpu.memory_space<vmem>>
      %dma_wait3A_411 = arith.constant 0 : i32
      %dma_wait3A_412 = arith.constant 0 : i32
      %dma_wait3A_413 = tpu.memref_slice %arg2[%dma_wait3A_411, %dma_wait3A_412] : memref<10240x128xf32, #tpu.memory_space<hbm>> -> memref<10240x128xf32, #tpu.memory_space<hbm>>
      tpu.wait_indirect_dma semaphore(%arg24 : memref<!tpu.dma_semaphore, #tpu.memory_space<semaphore_mem>>) src(%dma_wait3A_413 : memref<10240x128xf32, #tpu.memory_space<hbm>>) dst(%arg15 : memref<48x128xf32, #tpu.memory_space<vmem>>)
      %dma_wait3A_414 = arith.constant 0 : i32
      %dma_wait3A_415 = arith.constant 0 : i32
      %dma_wait3A_416 = tpu.memref_slice %arg11[%dma_wait3A_414, %dma_wait3A_415] : memref<2x48xi32, #tpu.memory_space<vmem>> -> memref<1x48xi32, #tpu.memory_space<vmem>>
      %dma_wait3A_417 = tpu.memref_squeeze %dma_wait3A_416 : memref<1x48xi32, #tpu.memory_space<vmem>> -> memref<48xi32, #tpu.memory_space<vmem>>
      %dma_wait3A_418 = arith.constant 0 : i32
      %dma_wait3A_419 = arith.constant 0 : i32
      %dma_wait3A_420 = tpu.memref_slice %arg3[%dma_wait3A_418, %dma_wait3A_419] : memref<10240x128xf32, #tpu.memory_space<hbm>> -> memref<10240x128xf32, #tpu.memory_space<hbm>>
      tpu.wait_indirect_dma semaphore(%arg26 : memref<!tpu.dma_semaphore, #tpu.memory_space<semaphore_mem>>) src(%dma_wait3A_420 : memref<10240x128xf32, #tpu.memory_space<hbm>>) dst(%arg17 : memref<48x128xf32, #tpu.memory_space<vmem>>)
      %dma_wait3A_421 = arith.constant 0 : i32
      %dma_wait3A_422 = arith.constant 0 : i32
      %dma_wait3A_423 = tpu.memref_slice %arg11[%dma_wait3A_421, %dma_wait3A_422] : memref<2x48xi32, #tpu.memory_space<vmem>> -> memref<1x48xi32, #tpu.memory_space<vmem>>
      %dma_wait3A_424 = tpu.memref_squeeze %dma_wait3A_423 : memref<1x48xi32, #tpu.memory_space<vmem>> -> memref<48xi32, #tpu.memory_space<vmem>>
      %dma_wait3A_425 = arith.constant 0 : i32
      %dma_wait3A_426 = arith.constant 0 : i32
      %dma_wait3A_427 = tpu.memref_slice %arg20[%dma_wait3A_425, %dma_wait3A_426] : memref<10240x128xf32, #tpu.memory_space<vmem_shared>> -> memref<10240x128xf32, #tpu.memory_space<vmem_shared>>
      tpu.wait_indirect_dma semaphore(%arg29 : memref<!tpu.dma_semaphore, #tpu.memory_space<semaphore_mem>>) src(%arg16 : memref<48x128xf32, #tpu.memory_space<vmem>>) dst(%dma_wait3A_427 : memref<10240x128xf32, #tpu.memory_space<vmem_shared>>)
      %dma_wait3A_428 = arith.constant 0 : i32
      %dma_wait3A_429 = arith.constant 0 : i32
      %dma_wait3A_430 = tpu.memref_slice %arg13[%dma_wait3A_428, %dma_wait3A_429] : memref<2x48xi32, #tpu.memory_space<vmem>> -> memref<1x48xi32, #tpu.memory_space<vmem>>
      %dma_wait3A_431 = tpu.memref_squeeze %dma_wait3A_430 : memref<1x48xi32, #tpu.memory_space<vmem>> -> memref<48xi32, #tpu.memory_space<vmem>>
      %dma_wait3A_432 = arith.constant 0 : i32
      %dma_wait3A_433 = arith.constant 0 : i32
      %dma_wait3A_434 = tpu.memref_slice %arg21[%dma_wait3A_432, %dma_wait3A_433] : memref<1280x128xf32, #tpu.memory_space<vmem_shared>> -> memref<1280x128xf32, #tpu.memory_space<vmem_shared>>
      tpu.wait_indirect_dma semaphore(%arg31 : memref<!tpu.dma_semaphore, #tpu.memory_space<semaphore_mem>>) src(%arg18 : memref<48x128xf32, #tpu.memory_space<vmem>>) dst(%dma_wait3A_434 : memref<1280x128xf32, #tpu.memory_space<vmem_shared>>)
      %dma_start3A_435 = arith.constant 1 : i32
      %dma_start3A_436 = arith.constant 0 : i32
      %dma_start3A_437 = tpu.memref_slice %arg10[%dma_start3A_435, %dma_start3A_436] : memref<2x48xi32, #tpu.memory_space<vmem>> -> memref<1x48xi32, #tpu.memory_space<vmem>>
      %dma_start3A_438 = tpu.memref_squeeze %dma_start3A_437 : memref<1x48xi32, #tpu.memory_space<vmem>> -> memref<48xi32, #tpu.memory_space<vmem>>
      %dma_start3A_439 = arith.constant 0 : i32
      %dma_start3A_440 = arith.constant 0 : i32
      %dma_start3A_441 = tpu.memref_slice %arg2[%dma_start3A_439, %dma_start3A_440] : memref<10240x128xf32, #tpu.memory_space<hbm>> -> memref<10240x128xf32, #tpu.memory_space<hbm>>
      tpu.enqueue_indirect_dma source(%dma_start3A_441 : memref<10240x128xf32, #tpu.memory_space<hbm>>) target(%arg16 : memref<48x128xf32, #tpu.memory_space<vmem>>) offsets(%dma_start3A_438 : memref<48xi32, #tpu.memory_space<vmem>>) semaphore(%arg25 : memref<!tpu.dma_semaphore, #tpu.memory_space<semaphore_mem>>)
      %dma_start3A_442 = arith.constant 1 : i32
      %dma_start3A_443 = arith.constant 0 : i32
      %dma_start3A_444 = tpu.memref_slice %arg12[%dma_start3A_442, %dma_start3A_443] : memref<2x48xi32, #tpu.memory_space<vmem>> -> memref<1x48xi32, #tpu.memory_space<vmem>>
      %dma_start3A_445 = tpu.memref_squeeze %dma_start3A_444 : memref<1x48xi32, #tpu.memory_space<vmem>> -> memref<48xi32, #tpu.memory_space<vmem>>
      %dma_start3A_446 = arith.constant 0 : i32
      %dma_start3A_447 = arith.constant 0 : i32
      %dma_start3A_448 = tpu.memref_slice %arg3[%dma_start3A_446, %dma_start3A_447] : memref<10240x128xf32, #tpu.memory_space<hbm>> -> memref<10240x128xf32, #tpu.memory_space<hbm>>
      tpu.enqueue_indirect_dma source(%dma_start3A_448 : memref<10240x128xf32, #tpu.memory_space<hbm>>) target(%arg18 : memref<48x128xf32, #tpu.memory_space<vmem>>) offsets(%dma_start3A_445 : memref<48xi32, #tpu.memory_space<vmem>>) semaphore(%arg27 : memref<!tpu.dma_semaphore, #tpu.memory_space<semaphore_mem>>)
      %scan3A_449 = arith.constant 0 : i32
      %scan3A_450 = arith.constant 48 : i32
      %scan3A_451 = arith.addi %scan3A_449, %scan3A_450 : i32
      %scan3A_452 = arith.constant 1 : i32
      scf.for %scan3A_511 = %scan3A_449 to %scan3A_451 step %scan3A_452  : i32 {
        %mul3A_512 = arith.constant 1 : i32
        %mul3A_513 = arith.muli %scan3A_511, %mul3A_512 : i32
        %add3A_514 = arith.constant 0 : i32
        %add3A_515 = arith.addi %add3A_514, %mul3A_513 : i32
        %get3A_516 = arith.index_cast %add3A_515 : i32 to index
        %get3A_517 = arith.constant 0 : index
        %get3A_518 = tpu.vector_load %arg15[%get3A_516, %get3A_517] {strides = array<i32>} : memref<48x128xf32, #tpu.memory_space<vmem>>, vector<16xf32>,
        %get3A_519 = arith.index_cast %add3A_515 : i32 to index
        %get3A_520 = arith.constant 0 : index
        %get3A_521 = tpu.vector_load %arg17[%get3A_519, %get3A_520] {strides = array<i32>} : memref<48x128xf32, #tpu.memory_space<vmem>>, vector<16xf32>,
        %add3A_522 = arith.addf %get3A_518, %get3A_521 : vector<16xf32>
        %mul3A_523 = arith.constant 2.000000e-01 : f32
        %mul3A_524 = vector.broadcast %mul3A_523 : f32 to vector<16xf32>
        %mul3A_525 = arith.mulf %mul3A_524, %add3A_522 : vector<16xf32>
        %max3A = arith.maximumf %add3A_522, %mul3A_525 : vector<16xf32>
        %get3A_526 = arith.constant 0 : index
        %get3A_527 = tpu.vector_load %arg19[%get3A_526] {strides = array<i32>} : memref<128xf32, #tpu.memory_space<vmem>>, vector<16xf32>,
        %mul3A_528 = arith.mulf %max3A, %get3A_527 : vector<16xf32>
        %get3A_529 = arith.index_cast %add3A_515 : i32 to index
        %get3A_530 = arith.constant 16 : index
        %get3A_531 = tpu.vector_load %arg15[%get3A_529, %get3A_530] {strides = array<i32>} : memref<48x128xf32, #tpu.memory_space<vmem>>, vector<16xf32>,
        %get3A_532 = arith.index_cast %add3A_515 : i32 to index
        %get3A_533 = arith.constant 16 : index
        %get3A_534 = tpu.vector_load %arg17[%get3A_532, %get3A_533] {strides = array<i32>} : memref<48x128xf32, #tpu.memory_space<vmem>>, vector<16xf32>,
        %add3A_535 = arith.addf %get3A_531, %get3A_534 : vector<16xf32>
        %mul3A_536 = arith.constant 2.000000e-01 : f32
        %mul3A_537 = vector.broadcast %mul3A_536 : f32 to vector<16xf32>
        %mul3A_538 = arith.mulf %mul3A_537, %add3A_535 : vector<16xf32>
        %max3A_539 = arith.maximumf %add3A_535, %mul3A_538 : vector<16xf32>
        %get3A_540 = arith.constant 16 : index
        %get3A_541 = tpu.vector_load %arg19[%get3A_540] {strides = array<i32>} : memref<128xf32, #tpu.memory_space<vmem>>, vector<16xf32>,
        %mul3A_542 = arith.mulf %max3A_539, %get3A_541 : vector<16xf32>
        %get3A_543 = arith.index_cast %add3A_515 : i32 to index
        %get3A_544 = arith.constant 32 : index
        %get3A_545 = tpu.vector_load %arg15[%get3A_543, %get3A_544] {strides = array<i32>} : memref<48x128xf32, #tpu.memory_space<vmem>>, vector<16xf32>,
        %get3A_546 = arith.index_cast %add3A_515 : i32 to index
        %get3A_547 = arith.constant 32 : index
        %get3A_548 = tpu.vector_load %arg17[%get3A_546, %get3A_547] {strides = array<i32>} : memref<48x128xf32, #tpu.memory_space<vmem>>, vector<16xf32>,
        %add3A_549 = arith.addf %get3A_545, %get3A_548 : vector<16xf32>
        %mul3A_550 = arith.constant 2.000000e-01 : f32
        %mul3A_551 = vector.broadcast %mul3A_550 : f32 to vector<16xf32>
        %mul3A_552 = arith.mulf %mul3A_551, %add3A_549 : vector<16xf32>
        %max3A_553 = arith.maximumf %add3A_549, %mul3A_552 : vector<16xf32>
        %get3A_554 = arith.constant 32 : index
        %get3A_555 = tpu.vector_load %arg19[%get3A_554] {strides = array<i32>} : memref<128xf32, #tpu.memory_space<vmem>>, vector<16xf32>,
        %mul3A_556 = arith.mulf %max3A_553, %get3A_555 : vector<16xf32>
        %get3A_557 = arith.index_cast %add3A_515 : i32 to index
        %get3A_558 = arith.constant 48 : index
        %get3A_559 = tpu.vector_load %arg15[%get3A_557, %get3A_558] {strides = array<i32>} : memref<48x128xf32, #tpu.memory_space<vmem>>, vector<16xf32>,
        %get3A_560 = arith.index_cast %add3A_515 : i32 to index
        %get3A_561 = arith.constant 48 : index
        %get3A_562 = tpu.vector_load %arg17[%get3A_560, %get3A_561] {strides = array<i32>} : memref<48x128xf32, #tpu.memory_space<vmem>>, vector<16xf32>,
        %add3A_563 = arith.addf %get3A_559, %get3A_562 : vector<16xf32>
        %mul3A_564 = arith.constant 2.000000e-01 : f32
        %mul3A_565 = vector.broadcast %mul3A_564 : f32 to vector<16xf32>
        %mul3A_566 = arith.mulf %mul3A_565, %add3A_563 : vector<16xf32>
        %max3A_567 = arith.maximumf %add3A_563, %mul3A_566 : vector<16xf32>
        %get3A_568 = arith.constant 48 : index
        %get3A_569 = tpu.vector_load %arg19[%get3A_568] {strides = array<i32>} : memref<128xf32, #tpu.memory_space<vmem>>, vector<16xf32>,
        %mul3A_570 = arith.mulf %max3A_567, %get3A_569 : vector<16xf32>
        %get3A_571 = arith.index_cast %add3A_515 : i32 to index
        %get3A_572 = arith.constant 64 : index
        %get3A_573 = tpu.vector_load %arg15[%get3A_571, %get3A_572] {strides = array<i32>} : memref<48x128xf32, #tpu.memory_space<vmem>>, vector<16xf32>,
        %get3A_574 = arith.index_cast %add3A_515 : i32 to index
        %get3A_575 = arith.constant 64 : index
        %get3A_576 = tpu.vector_load %arg17[%get3A_574, %get3A_575] {strides = array<i32>} : memref<48x128xf32, #tpu.memory_space<vmem>>, vector<16xf32>,
        %add3A_577 = arith.addf %get3A_573, %get3A_576 : vector<16xf32>
        %mul3A_578 = arith.constant 2.000000e-01 : f32
        %mul3A_579 = vector.broadcast %mul3A_578 : f32 to vector<16xf32>
        %mul3A_580 = arith.mulf %mul3A_579, %add3A_577 : vector<16xf32>
        %max3A_581 = arith.maximumf %add3A_577, %mul3A_580 : vector<16xf32>
        %get3A_582 = arith.constant 64 : index
        %get3A_583 = tpu.vector_load %arg19[%get3A_582] {strides = array<i32>} : memref<128xf32, #tpu.memory_space<vmem>>, vector<16xf32>,
        %mul3A_584 = arith.mulf %max3A_581, %get3A_583 : vector<16xf32>
        %get3A_585 = arith.index_cast %add3A_515 : i32 to index
        %get3A_586 = arith.constant 80 : index
        %get3A_587 = tpu.vector_load %arg15[%get3A_585, %get3A_586] {strides = array<i32>} : memref<48x128xf32, #tpu.memory_space<vmem>>, vector<16xf32>,
        %get3A_588 = arith.index_cast %add3A_515 : i32 to index
        %get3A_589 = arith.constant 80 : index
        %get3A_590 = tpu.vector_load %arg17[%get3A_588, %get3A_589] {strides = array<i32>} : memref<48x128xf32, #tpu.memory_space<vmem>>, vector<16xf32>,
        %add3A_591 = arith.addf %get3A_587, %get3A_590 : vector<16xf32>
        %mul3A_592 = arith.constant 2.000000e-01 : f32
        %mul3A_593 = vector.broadcast %mul3A_592 : f32 to vector<16xf32>
        %mul3A_594 = arith.mulf %mul3A_593, %add3A_591 : vector<16xf32>
        %max3A_595 = arith.maximumf %add3A_591, %mul3A_594 : vector<16xf32>
        %get3A_596 = arith.constant 80 : index
        %get3A_597 = tpu.vector_load %arg19[%get3A_596] {strides = array<i32>} : memref<128xf32, #tpu.memory_space<vmem>>, vector<16xf32>,
        %mul3A_598 = arith.mulf %max3A_595, %get3A_597 : vector<16xf32>
        %get3A_599 = arith.index_cast %add3A_515 : i32 to index
        %get3A_600 = arith.constant 96 : index
        %get3A_601 = tpu.vector_load %arg15[%get3A_599, %get3A_600] {strides = array<i32>} : memref<48x128xf32, #tpu.memory_space<vmem>>, vector<16xf32>,
        %get3A_602 = arith.index_cast %add3A_515 : i32 to index
        %get3A_603 = arith.constant 96 : index
        %get3A_604 = tpu.vector_load %arg17[%get3A_602, %get3A_603] {strides = array<i32>} : memref<48x128xf32, #tpu.memory_space<vmem>>, vector<16xf32>,
        %add3A_605 = arith.addf %get3A_601, %get3A_604 : vector<16xf32>
        %mul3A_606 = arith.constant 2.000000e-01 : f32
        %mul3A_607 = vector.broadcast %mul3A_606 : f32 to vector<16xf32>
        %mul3A_608 = arith.mulf %mul3A_607, %add3A_605 : vector<16xf32>
        %max3A_609 = arith.maximumf %add3A_605, %mul3A_608 : vector<16xf32>
        %get3A_610 = arith.constant 96 : index
        %get3A_611 = tpu.vector_load %arg19[%get3A_610] {strides = array<i32>} : memref<128xf32, #tpu.memory_space<vmem>>, vector<16xf32>,
        %mul3A_612 = arith.mulf %max3A_609, %get3A_611 : vector<16xf32>
        %get3A_613 = arith.index_cast %add3A_515 : i32 to index
        %get3A_614 = arith.constant 112 : index
        %get3A_615 = tpu.vector_load %arg15[%get3A_613, %get3A_614] {strides = array<i32>} : memref<48x128xf32, #tpu.memory_space<vmem>>, vector<16xf32>,
        %get3A_616 = arith.index_cast %add3A_515 : i32 to index
        %get3A_617 = arith.constant 112 : index
        %get3A_618 = tpu.vector_load %arg17[%get3A_616, %get3A_617] {strides = array<i32>} : memref<48x128xf32, #tpu.memory_space<vmem>>, vector<16xf32>,
        %add3A_619 = arith.addf %get3A_615, %get3A_618 : vector<16xf32>
        %mul3A_620 = arith.constant 2.000000e-01 : f32
        %mul3A_621 = vector.broadcast %mul3A_620 : f32 to vector<16xf32>
        %mul3A_622 = arith.mulf %mul3A_621, %add3A_619 : vector<16xf32>
        %max3A_623 = arith.maximumf %add3A_619, %mul3A_622 : vector<16xf32>
        %get3A_624 = arith.constant 112 : index
        %get3A_625 = tpu.vector_load %arg19[%get3A_624] {strides = array<i32>} : memref<128xf32, #tpu.memory_space<vmem>>, vector<16xf32>,
        %mul3A_626 = arith.mulf %max3A_623, %get3A_625 : vector<16xf32>
        %add3A_627 = arith.addf %mul3A_528, %mul3A_542 : vector<16xf32>
        %reduce_sum3A = arith.constant true
        %reduce_sum3A_628 = vector.broadcast %reduce_sum3A : i1 to vector<16xi1>
        %reduce_sum3A_629 = tpu.scan <sum>, %add3A_627 masked %reduce_sum3A_628 : vector<16xf32>, vector<16xi1> -> vector<16xf32>
        %reduce_sum3A_630 = vector.extract %reduce_sum3A_629[15] : f32 from vector<16xf32>
        %broadcast_in_dim3A_631 = vector.broadcast %reduce_sum3A_630 : f32 to vector<16xf32>
        %exp3A = math.exp %broadcast_in_dim3A_631 : vector<16xf32>
        %add3A_632 = arith.addf %mul3A_556, %mul3A_570 : vector<16xf32>
        %reduce_sum3A_633 = arith.constant true
        %reduce_sum3A_634 = vector.broadcast %reduce_sum3A_633 : i1 to vector<16xi1>
        %reduce_sum3A_635 = tpu.scan <sum>, %add3A_632 masked %reduce_sum3A_634 : vector<16xf32>, vector<16xi1> -> vector<16xf32>
        %reduce_sum3A_636 = vector.extract %reduce_sum3A_635[15] : f32 from vector<16xf32>
        %broadcast_in_dim3A_637 = vector.broadcast %reduce_sum3A_636 : f32 to vector<16xf32>
        %exp3A_638 = math.exp %broadcast_in_dim3A_637 : vector<16xf32>
        %add3A_639 = arith.addf %mul3A_584, %mul3A_598 : vector<16xf32>
        %reduce_sum3A_640 = arith.constant true
        %reduce_sum3A_641 = vector.broadcast %reduce_sum3A_640 : i1 to vector<16xi1>
        %reduce_sum3A_642 = tpu.scan <sum>, %add3A_639 masked %reduce_sum3A_641 : vector<16xf32>, vector<16xi1> -> vector<16xf32>
        %reduce_sum3A_643 = vector.extract %reduce_sum3A_642[15] : f32 from vector<16xf32>
        %broadcast_in_dim3A_644 = vector.broadcast %reduce_sum3A_643 : f32 to vector<16xf32>
        %exp3A_645 = math.exp %broadcast_in_dim3A_644 : vector<16xf32>
        %add3A_646 = arith.addf %mul3A_612, %mul3A_626 : vector<16xf32>
        %reduce_sum3A_647 = arith.constant true
        %reduce_sum3A_648 = vector.broadcast %reduce_sum3A_647 : i1 to vector<16xi1>
        %reduce_sum3A_649 = tpu.scan <sum>, %add3A_646 masked %reduce_sum3A_648 : vector<16xf32>, vector<16xi1> -> vector<16xf32>
        %reduce_sum3A_650 = vector.extract %reduce_sum3A_649[15] : f32 from vector<16xf32>
        %broadcast_in_dim3A_651 = vector.broadcast %reduce_sum3A_650 : f32 to vector<16xf32>
        %exp3A_652 = math.exp %broadcast_in_dim3A_651 : vector<16xf32>
        %mul3A_653 = arith.mulf %get3A_518, %exp3A : vector<16xf32>
        %swap3A_654 = arith.index_cast %add3A_515 : i32 to index
        %swap3A_655 = arith.constant 0 : index
        %swap3A_656 = tpu.vector_load %arg15[%swap3A_654, %swap3A_655] {strides = array<i32>} : memref<48x128xf32, #tpu.memory_space<vmem>>, vector<16xf32>,
        tpu.vector_store %arg15[%swap3A_654, %swap3A_655], %mul3A_653 {strides = array<i32>} : memref<48x128xf32, #tpu.memory_space<vmem>>, vector<16xf32>,
        %mul3A_657 = arith.mulf %get3A_531, %exp3A : vector<16xf32>
        %swap3A_658 = arith.index_cast %add3A_515 : i32 to index
        %swap3A_659 = arith.constant 16 : index
        %swap3A_660 = tpu.vector_load %arg15[%swap3A_658, %swap3A_659] {strides = array<i32>} : memref<48x128xf32, #tpu.memory_space<vmem>>, vector<16xf32>,
        tpu.vector_store %arg15[%swap3A_658, %swap3A_659], %mul3A_657 {strides = array<i32>} : memref<48x128xf32, #tpu.memory_space<vmem>>, vector<16xf32>,
        %mul3A_661 = arith.mulf %get3A_545, %exp3A_638 : vector<16xf32>
        %swap3A_662 = arith.index_cast %add3A_515 : i32 to index
        %swap3A_663 = arith.constant 32 : index
        %swap3A_664 = tpu.vector_load %arg15[%swap3A_662, %swap3A_663] {strides = array<i32>} : memref<48x128xf32, #tpu.memory_space<vmem>>, vector<16xf32>,
        tpu.vector_store %arg15[%swap3A_662, %swap3A_663], %mul3A_661 {strides = array<i32>} : memref<48x128xf32, #tpu.memory_space<vmem>>, vector<16xf32>,
        %mul3A_665 = arith.mulf %get3A_559, %exp3A_638 : vector<16xf32>
        %swap3A_666 = arith.index_cast %add3A_515 : i32 to index
        %swap3A_667 = arith.constant 48 : index
        %swap3A_668 = tpu.vector_load %arg15[%swap3A_666, %swap3A_667] {strides = array<i32>} : memref<48x128xf32, #tpu.memory_space<vmem>>, vector<16xf32>,
        tpu.vector_store %arg15[%swap3A_666, %swap3A_667], %mul3A_665 {strides = array<i32>} : memref<48x128xf32, #tpu.memory_space<vmem>>, vector<16xf32>,
        %mul3A_669 = arith.mulf %get3A_573, %exp3A_645 : vector<16xf32>
        %swap3A_670 = arith.index_cast %add3A_515 : i32 to index
        %swap3A_671 = arith.constant 64 : index
        %swap3A_672 = tpu.vector_load %arg15[%swap3A_670, %swap3A_671] {strides = array<i32>} : memref<48x128xf32, #tpu.memory_space<vmem>>, vector<16xf32>,
        tpu.vector_store %arg15[%swap3A_670, %swap3A_671], %mul3A_669 {strides = array<i32>} : memref<48x128xf32, #tpu.memory_space<vmem>>, vector<16xf32>,
        %mul3A_673 = arith.mulf %get3A_587, %exp3A_645 : vector<16xf32>
        %swap3A_674 = arith.index_cast %add3A_515 : i32 to index
        %swap3A_675 = arith.constant 80 : index
        %swap3A_676 = tpu.vector_load %arg15[%swap3A_674, %swap3A_675] {strides = array<i32>} : memref<48x128xf32, #tpu.memory_space<vmem>>, vector<16xf32>,
        tpu.vector_store %arg15[%swap3A_674, %swap3A_675], %mul3A_673 {strides = array<i32>} : memref<48x128xf32, #tpu.memory_space<vmem>>, vector<16xf32>,
        %mul3A_677 = arith.mulf %get3A_601, %exp3A_652 : vector<16xf32>
        %swap3A_678 = arith.index_cast %add3A_515 : i32 to index
        %swap3A_679 = arith.constant 96 : index
        %swap3A_680 = tpu.vector_load %arg15[%swap3A_678, %swap3A_679] {strides = array<i32>} : memref<48x128xf32, #tpu.memory_space<vmem>>, vector<16xf32>,
        tpu.vector_store %arg15[%swap3A_678, %swap3A_679], %mul3A_677 {strides = array<i32>} : memref<48x128xf32, #tpu.memory_space<vmem>>, vector<16xf32>,
        %mul3A_681 = arith.mulf %get3A_615, %exp3A_652 : vector<16xf32>
        %swap3A_682 = arith.index_cast %add3A_515 : i32 to index
        %swap3A_683 = arith.constant 112 : index
        %swap3A_684 = tpu.vector_load %arg15[%swap3A_682, %swap3A_683] {strides = array<i32>} : memref<48x128xf32, #tpu.memory_space<vmem>>, vector<16xf32>,
        tpu.vector_store %arg15[%swap3A_682, %swap3A_683], %mul3A_681 {strides = array<i32>} : memref<48x128xf32, #tpu.memory_space<vmem>>, vector<16xf32>,
        %mul3A_685 = arith.mulf %exp3A, %select_n3A : vector<16xf32>
        %mul3A_686 = arith.mulf %exp3A_638, %select_n3A_36 : vector<16xf32>
        %add3A_687 = arith.addf %mul3A_685, %mul3A_686 : vector<16xf32>
        %mul3A_688 = arith.mulf %exp3A_645, %select_n3A_44 : vector<16xf32>
        %add3A_689 = arith.addf %add3A_687, %mul3A_688 : vector<16xf32>
        %mul3A_690 = arith.mulf %exp3A_652, %select_n3A_52 : vector<16xf32>
        %add3A_691 = arith.addf %add3A_689, %mul3A_690 : vector<16xf32>
        %broadcast_in_dim3A_692 = arith.constant 0 : i32
        %broadcast_in_dim3A_693 = vector.broadcast %broadcast_in_dim3A_692 : i32 to vector<16xi32>
        %broadcast_in_dim3A_694 = vector.broadcast %add3A_515 : i32 to vector<16xi32>
        %gather3A = tpu.vector_load_idx %arg12[%broadcast_in_dim3A_693, %broadcast_in_dim3A_694] : memref<2x48xi32, #tpu.memory_space<vmem>>[vector<16xi32>, vector<16xi32>], vector<16xi32>,
        %and3A = arith.constant 7 : i32
        %and3A_695 = vector.broadcast %and3A : i32 to vector<16xi32>
        %and3A_696 = arith.andi %gather3A, %and3A_695 : vector<16xi32>
        %eq3A_697 = arith.constant 0 : i32
        %eq3A_698 = vector.broadcast %eq3A_697 : i32 to vector<16xi32>
        %eq3A_699 = arith.cmpi eq, %and3A_696, %eq3A_698 : vector<16xi32>
        %select_n3A_700 = arith.select %eq3A_699, %add3A_691, %broadcast_in_dim3A_3 : vector<16xi1>, vector<16xf32>
        %swap3A_701 = arith.index_cast %add3A_515 : i32 to index
        %swap3A_702 = arith.constant 0 : index
        %swap3A_703 = tpu.vector_load %arg17[%swap3A_701, %swap3A_702] {strides = array<i32>} : memref<48x128xf32, #tpu.memory_space<vmem>>, vector<16xf32>,
        tpu.vector_store %arg17[%swap3A_701, %swap3A_702], %select_n3A_700 {strides = array<i32>} : memref<48x128xf32, #tpu.memory_space<vmem>>, vector<16xf32>,
        %eq3A_704 = arith.constant 1 : i32
        %eq3A_705 = vector.broadcast %eq3A_704 : i32 to vector<16xi32>
        %eq3A_706 = arith.cmpi eq, %and3A_696, %eq3A_705 : vector<16xi32>
        %select_n3A_707 = arith.select %eq3A_706, %add3A_691, %broadcast_in_dim3A_3 : vector<16xi1>, vector<16xf32>
        %swap3A_708 = arith.index_cast %add3A_515 : i32 to index
        %swap3A_709 = arith.constant 16 : index
        %swap3A_710 = tpu.vector_load %arg17[%swap3A_708, %swap3A_709] {strides = array<i32>} : memref<48x128xf32, #tpu.memory_space<vmem>>, vector<16xf32>,
        tpu.vector_store %arg17[%swap3A_708, %swap3A_709], %select_n3A_707 {strides = array<i32>} : memref<48x128xf32, #tpu.memory_space<vmem>>, vector<16xf32>,
        %eq3A_711 = arith.constant 2 : i32
        %eq3A_712 = vector.broadcast %eq3A_711 : i32 to vector<16xi32>
        %eq3A_713 = arith.cmpi eq, %and3A_696, %eq3A_712 : vector<16xi32>
        %select_n3A_714 = arith.select %eq3A_713, %add3A_691, %broadcast_in_dim3A_3 : vector<16xi1>, vector<16xf32>
        %swap3A_715 = arith.index_cast %add3A_515 : i32 to index
        %swap3A_716 = arith.constant 32 : index
        %swap3A_717 = tpu.vector_load %arg17[%swap3A_715, %swap3A_716] {strides = array<i32>} : memref<48x128xf32, #tpu.memory_space<vmem>>, vector<16xf32>,
        tpu.vector_store %arg17[%swap3A_715, %swap3A_716], %select_n3A_714 {strides = array<i32>} : memref<48x128xf32, #tpu.memory_space<vmem>>, vector<16xf32>,
        %eq3A_718 = arith.constant 3 : i32
        %eq3A_719 = vector.broadcast %eq3A_718 : i32 to vector<16xi32>
        %eq3A_720 = arith.cmpi eq, %and3A_696, %eq3A_719 : vector<16xi32>
        %select_n3A_721 = arith.select %eq3A_720, %add3A_691, %broadcast_in_dim3A_3 : vector<16xi1>, vector<16xf32>
        %swap3A_722 = arith.index_cast %add3A_515 : i32 to index
        %swap3A_723 = arith.constant 48 : index
        %swap3A_724 = tpu.vector_load %arg17[%swap3A_722, %swap3A_723] {strides = array<i32>} : memref<48x128xf32, #tpu.memory_space<vmem>>, vector<16xf32>,
        tpu.vector_store %arg17[%swap3A_722, %swap3A_723], %select_n3A_721 {strides = array<i32>} : memref<48x128xf32, #tpu.memory_space<vmem>>, vector<16xf32>,
        %eq3A_725 = arith.constant 4 : i32
        %eq3A_726 = vector.broadcast %eq3A_725 : i32 to vector<16xi32>
        %eq3A_727 = arith.cmpi eq, %and3A_696, %eq3A_726 : vector<16xi32>
        %select_n3A_728 = arith.select %eq3A_727, %add3A_691, %broadcast_in_dim3A_3 : vector<16xi1>, vector<16xf32>
        %swap3A_729 = arith.index_cast %add3A_515 : i32 to index
        %swap3A_730 = arith.constant 64 : index
        %swap3A_731 = tpu.vector_load %arg17[%swap3A_729, %swap3A_730] {strides = array<i32>} : memref<48x128xf32, #tpu.memory_space<vmem>>, vector<16xf32>,
        tpu.vector_store %arg17[%swap3A_729, %swap3A_730], %select_n3A_728 {strides = array<i32>} : memref<48x128xf32, #tpu.memory_space<vmem>>, vector<16xf32>,
        %eq3A_732 = arith.constant 5 : i32
        %eq3A_733 = vector.broadcast %eq3A_732 : i32 to vector<16xi32>
        %eq3A_734 = arith.cmpi eq, %and3A_696, %eq3A_733 : vector<16xi32>
        %select_n3A_735 = arith.select %eq3A_734, %add3A_691, %broadcast_in_dim3A_3 : vector<16xi1>, vector<16xf32>
        %swap3A_736 = arith.index_cast %add3A_515 : i32 to index
        %swap3A_737 = arith.constant 80 : index
        %swap3A_738 = tpu.vector_load %arg17[%swap3A_736, %swap3A_737] {strides = array<i32>} : memref<48x128xf32, #tpu.memory_space<vmem>>, vector<16xf32>,
        tpu.vector_store %arg17[%swap3A_736, %swap3A_737], %select_n3A_735 {strides = array<i32>} : memref<48x128xf32, #tpu.memory_space<vmem>>, vector<16xf32>,
        %eq3A_739 = arith.constant 6 : i32
        %eq3A_740 = vector.broadcast %eq3A_739 : i32 to vector<16xi32>
        %eq3A_741 = arith.cmpi eq, %and3A_696, %eq3A_740 : vector<16xi32>
        %select_n3A_742 = arith.select %eq3A_741, %add3A_691, %broadcast_in_dim3A_3 : vector<16xi1>, vector<16xf32>
        %swap3A_743 = arith.index_cast %add3A_515 : i32 to index
        %swap3A_744 = arith.constant 96 : index
        %swap3A_745 = tpu.vector_load %arg17[%swap3A_743, %swap3A_744] {strides = array<i32>} : memref<48x128xf32, #tpu.memory_space<vmem>>, vector<16xf32>,
        tpu.vector_store %arg17[%swap3A_743, %swap3A_744], %select_n3A_742 {strides = array<i32>} : memref<48x128xf32, #tpu.memory_space<vmem>>, vector<16xf32>,
        %eq3A_746 = arith.constant 7 : i32
        %eq3A_747 = vector.broadcast %eq3A_746 : i32 to vector<16xi32>
        %eq3A_748 = arith.cmpi eq, %and3A_696, %eq3A_747 : vector<16xi32>
        %select_n3A_749 = arith.select %eq3A_748, %add3A_691, %broadcast_in_dim3A_3 : vector<16xi1>, vector<16xf32>
        %swap3A_750 = arith.index_cast %add3A_515 : i32 to index
        %swap3A_751 = arith.constant 112 : index
        %swap3A_752 = tpu.vector_load %arg17[%swap3A_750, %swap3A_751] {strides = array<i32>} : memref<48x128xf32, #tpu.memory_space<vmem>>, vector<16xf32>,
        tpu.vector_store %arg17[%swap3A_750, %swap3A_751], %select_n3A_749 {strides = array<i32>} : memref<48x128xf32, #tpu.memory_space<vmem>>, vector<16xf32>,
      }
      %scan3A_453 = arith.constant 48 : i32
      %dma_start3A_454 = arith.constant 0 : i32
      %dma_start3A_455 = arith.constant 0 : i32
      %dma_start3A_456 = tpu.memref_slice %arg12[%dma_start3A_454, %dma_start3A_455] : memref<2x48xi32, #tpu.memory_space<vmem>> -> memref<1x48xi32, #tpu.memory_space<vmem>>
      %dma_start3A_457 = tpu.memref_squeeze %dma_start3A_456 : memref<1x48xi32, #tpu.memory_space<vmem>> -> memref<48xi32, #tpu.memory_space<vmem>>
      %dma_start3A_458 = arith.constant 0 : i32
      %dma_start3A_459 = arith.constant 0 : i32
      %dma_start3A_460 = tpu.memref_slice %arg20[%dma_start3A_458, %dma_start3A_459] : memref<10240x128xf32, #tpu.memory_space<vmem_shared>> -> memref<10240x128xf32, #tpu.memory_space<vmem_shared>>
      tpu.enqueue_indirect_dma source(%arg15 : memref<48x128xf32, #tpu.memory_space<vmem>>) target(%dma_start3A_460 : memref<10240x128xf32, #tpu.memory_space<vmem_shared>>) offsets(%dma_start3A_457 : memref<48xi32, #tpu.memory_space<vmem>>) semaphore(%arg28 : memref<!tpu.dma_semaphore, #tpu.memory_space<semaphore_mem>>) {add = true}
      %dma_start3A_461 = arith.constant 0 : i32
      %dma_start3A_462 = arith.constant 0 : i32
      %dma_start3A_463 = tpu.memref_slice %arg14[%dma_start3A_461, %dma_start3A_462] : memref<2x48xi32, #tpu.memory_space<vmem>> -> memref<1x48xi32, #tpu.memory_space<vmem>>
      %dma_start3A_464 = tpu.memref_squeeze %dma_start3A_463 : memref<1x48xi32, #tpu.memory_space<vmem>> -> memref<48xi32, #tpu.memory_space<vmem>>
      %dma_start3A_465 = arith.constant 0 : i32
      %dma_start3A_466 = arith.constant 0 : i32
      %dma_start3A_467 = tpu.memref_slice %arg21[%dma_start3A_465, %dma_start3A_466] : memref<1280x128xf32, #tpu.memory_space<vmem_shared>> -> memref<1280x128xf32, #tpu.memory_space<vmem_shared>>
      tpu.enqueue_indirect_dma source(%arg17 : memref<48x128xf32, #tpu.memory_space<vmem>>) target(%dma_start3A_467 : memref<1280x128xf32, #tpu.memory_space<vmem_shared>>) offsets(%dma_start3A_464 : memref<48xi32, #tpu.memory_space<vmem>>) semaphore(%arg30 : memref<!tpu.dma_semaphore, #tpu.memory_space<semaphore_mem>>) {add = true}
      %dma_wait3A_468 = arith.constant 0 : i32
      %dma_wait3A_469 = arith.constant 0 : i32
      %dma_wait3A_470 = tpu.memref_slice %arg9[%dma_wait3A_468, %dma_wait3A_469] : memref<2x48xi32, #tpu.memory_space<vmem>> -> memref<1x48xi32, #tpu.memory_space<vmem>>
      %dma_wait3A_471 = tpu.memref_squeeze %dma_wait3A_470 : memref<1x48xi32, #tpu.memory_space<vmem>> -> memref<48xi32, #tpu.memory_space<vmem>>
      %dma_wait3A_472 = arith.constant 0 : i32
      %dma_wait3A_473 = arith.constant 0 : i32
      %dma_wait3A_474 = tpu.memref_slice %arg2[%dma_wait3A_472, %dma_wait3A_473] : memref<10240x128xf32, #tpu.memory_space<hbm>> -> memref<10240x128xf32, #tpu.memory_space<hbm>>
      tpu.wait_indirect_dma semaphore(%arg25 : memref<!tpu.dma_semaphore, #tpu.memory_space<semaphore_mem>>) src(%dma_wait3A_474 : memref<10240x128xf32, #tpu.memory_space<hbm>>) dst(%arg16 : memref<48x128xf32, #tpu.memory_space<vmem>>)
      %dma_wait3A_475 = arith.constant 0 : i32
      %dma_wait3A_476 = arith.constant 0 : i32
      %dma_wait3A_477 = tpu.memref_slice %arg11[%dma_wait3A_475, %dma_wait3A_476] : memref<2x48xi32, #tpu.memory_space<vmem>> -> memref<1x48xi32, #tpu.memory_space<vmem>>
      %dma_wait3A_478 = tpu.memref_squeeze %dma_wait3A_477 : memref<1x48xi32, #tpu.memory_space<vmem>> -> memref<48xi32, #tpu.memory_space<vmem>>
      %dma_wait3A_479 = arith.constant 0 : i32
      %dma_wait3A_480 = arith.constant 0 : i32
      %dma_wait3A_481 = tpu.memref_slice %arg3[%dma_wait3A_479, %dma_wait3A_480] : memref<10240x128xf32, #tpu.memory_space<hbm>> -> memref<10240x128xf32, #tpu.memory_space<hbm>>
      tpu.wait_indirect_dma semaphore(%arg27 : memref<!tpu.dma_semaphore, #tpu.memory_space<semaphore_mem>>) src(%dma_wait3A_481 : memref<10240x128xf32, #tpu.memory_space<hbm>>) dst(%arg18 : memref<48x128xf32, #tpu.memory_space<vmem>>)
      %lt3A_482 = arith.constant 53 : i32
      %lt3A_483 = arith.cmpi slt, %add3A_206, %lt3A_482 : i32
      %convert_element_type3A_484 = arith.extui %lt3A_483 : i1 to i32
      %cond3A_485 = arith.constant 0 : i32
      %cond3A_486 = arith.cmpi ne, %convert_element_type3A_484, %cond3A_485 : i32
      scf.if %cond3A_486 {
        %dma_wait3A_511 = arith.constant 0 : i32
        %dma_wait3A_512 = arith.constant 0 : i32
        %dma_wait3A_513 = tpu.memref_slice %arg4[%dma_wait3A_511, %dma_wait3A_512] : memref<6912x48xi32, #tpu.memory_space<hbm>> -> memref<2x48xi32, #tpu.memory_space<hbm>>
        %dma_wait3A_514 = arith.constant 0 : i32
        %dma_wait3A_515 = arith.constant 0 : i32
        %dma_wait3A_516 = tpu.memref_slice %arg4[%dma_wait3A_514, %dma_wait3A_515] : memref<6912x48xi32, #tpu.memory_space<hbm>> -> memref<2x48xi32, #tpu.memory_space<hbm>>
        tpu.wait_dma2 semaphore(%arg22 : memref<!tpu.dma_semaphore, #tpu.memory_space<semaphore_mem>>) src(%dma_wait3A_516 : memref<2x48xi32, #tpu.memory_space<hbm>>) dst(%arg9 : memref<2x48xi32, #tpu.memory_space<vmem>>)
        %dma_wait3A_517 = arith.constant 0 : i32
        %dma_wait3A_518 = arith.constant 0 : i32
        %dma_wait3A_519 = tpu.memref_slice %arg5[%dma_wait3A_517, %dma_wait3A_518] : memref<6912x48xi32, #tpu.memory_space<hbm>> -> memref<2x48xi32, #tpu.memory_space<hbm>>
        %dma_wait3A_520 = arith.constant 0 : i32
        %dma_wait3A_521 = arith.constant 0 : i32
        %dma_wait3A_522 = tpu.memref_slice %arg5[%dma_wait3A_520, %dma_wait3A_521] : memref<6912x48xi32, #tpu.memory_space<hbm>> -> memref<2x48xi32, #tpu.memory_space<hbm>>
        tpu.wait_dma2 semaphore(%arg22 : memref<!tpu.dma_semaphore, #tpu.memory_space<semaphore_mem>>) src(%dma_wait3A_522 : memref<2x48xi32, #tpu.memory_space<hbm>>) dst(%arg11 : memref<2x48xi32, #tpu.memory_space<vmem>>)
        %get3A_523 = arith.constant 0 : i32
        %get3A_524 = arith.index_cast %get3A_523 : i32 to index
        %get3A_525 = arith.constant 0 : index
        %get3A_526 = tpu.vector_load %arg11[%get3A_524, %get3A_525] {strides = array<i32>} : memref<2x48xi32, #tpu.memory_space<vmem>>, vector<16xi32>,
        %shift_right_logical3A_527 = arith.constant 3 : i32
        %shift_right_logical3A_528 = vector.broadcast %shift_right_logical3A_527 : i32 to vector<16xi32>
        %shift_right_logical3A_529 = arith.shrui %get3A_526, %shift_right_logical3A_528 : vector<16xi32>
        %swap3A_530 = arith.constant 0 : i32
        %swap3A_531 = arith.index_cast %swap3A_530 : i32 to index
        %swap3A_532 = arith.constant 0 : index
        %swap3A_533 = tpu.vector_load %arg13[%swap3A_531, %swap3A_532] {strides = array<i32>} : memref<2x48xi32, #tpu.memory_space<vmem>>, vector<16xi32>,
        tpu.vector_store %arg13[%swap3A_531, %swap3A_532], %shift_right_logical3A_529 {strides = array<i32>} : memref<2x48xi32, #tpu.memory_space<vmem>>, vector<16xi32>,
        %get3A_534 = arith.constant 0 : i32
        %get3A_535 = arith.index_cast %get3A_534 : i32 to index
        %get3A_536 = arith.constant 16 : index
        %get3A_537 = tpu.vector_load %arg11[%get3A_535, %get3A_536] {strides = array<i32>} : memref<2x48xi32, #tpu.memory_space<vmem>>, vector<16xi32>,
        %shift_right_logical3A_538 = arith.constant 3 : i32
        %shift_right_logical3A_539 = vector.broadcast %shift_right_logical3A_538 : i32 to vector<16xi32>
        %shift_right_logical3A_540 = arith.shrui %get3A_537, %shift_right_logical3A_539 : vector<16xi32>
        %swap3A_541 = arith.constant 0 : i32
        %swap3A_542 = arith.index_cast %swap3A_541 : i32 to index
        %swap3A_543 = arith.constant 16 : index
        %swap3A_544 = tpu.vector_load %arg13[%swap3A_542, %swap3A_543] {strides = array<i32>} : memref<2x48xi32, #tpu.memory_space<vmem>>, vector<16xi32>,
        tpu.vector_store %arg13[%swap3A_542, %swap3A_543], %shift_right_logical3A_540 {strides = array<i32>} : memref<2x48xi32, #tpu.memory_space<vmem>>, vector<16xi32>,
        %get3A_545 = arith.constant 0 : i32
        %get3A_546 = arith.index_cast %get3A_545 : i32 to index
        %get3A_547 = arith.constant 32 : index
        %get3A_548 = tpu.vector_load %arg11[%get3A_546, %get3A_547] {strides = array<i32>} : memref<2x48xi32, #tpu.memory_space<vmem>>, vector<16xi32>,
        %shift_right_logical3A_549 = arith.constant 3 : i32
        %shift_right_logical3A_550 = vector.broadcast %shift_right_logical3A_549 : i32 to vector<16xi32>
        %shift_right_logical3A_551 = arith.shrui %get3A_548, %shift_right_logical3A_550 : vector<16xi32>
        %swap3A_552 = arith.constant 0 : i32
        %swap3A_553 = arith.index_cast %swap3A_552 : i32 to index
        %swap3A_554 = arith.constant 32 : index
        %swap3A_555 = tpu.vector_load %arg13[%swap3A_553, %swap3A_554] {strides = array<i32>} : memref<2x48xi32, #tpu.memory_space<vmem>>, vector<16xi32>,
        tpu.vector_store %arg13[%swap3A_553, %swap3A_554], %shift_right_logical3A_551 {strides = array<i32>} : memref<2x48xi32, #tpu.memory_space<vmem>>, vector<16xi32>,
        %get3A_556 = arith.constant 1 : i32
        %get3A_557 = arith.index_cast %get3A_556 : i32 to index
        %get3A_558 = arith.constant 0 : index
        %get3A_559 = tpu.vector_load %arg11[%get3A_557, %get3A_558] {strides = array<i32>} : memref<2x48xi32, #tpu.memory_space<vmem>>, vector<16xi32>,
        %shift_right_logical3A_560 = arith.constant 3 : i32
        %shift_right_logical3A_561 = vector.broadcast %shift_right_logical3A_560 : i32 to vector<16xi32>
        %shift_right_logical3A_562 = arith.shrui %get3A_559, %shift_right_logical3A_561 : vector<16xi32>
        %swap3A_563 = arith.constant 1 : i32
        %swap3A_564 = arith.index_cast %swap3A_563 : i32 to index
        %swap3A_565 = arith.constant 0 : index
        %swap3A_566 = tpu.vector_load %arg13[%swap3A_564, %swap3A_565] {strides = array<i32>} : memref<2x48xi32, #tpu.memory_space<vmem>>, vector<16xi32>,
        tpu.vector_store %arg13[%swap3A_564, %swap3A_565], %shift_right_logical3A_562 {strides = array<i32>} : memref<2x48xi32, #tpu.memory_space<vmem>>, vector<16xi32>,
        %get3A_567 = arith.constant 1 : i32
        %get3A_568 = arith.index_cast %get3A_567 : i32 to index
        %get3A_569 = arith.constant 16 : index
        %get3A_570 = tpu.vector_load %arg11[%get3A_568, %get3A_569] {strides = array<i32>} : memref<2x48xi32, #tpu.memory_space<vmem>>, vector<16xi32>,
        %shift_right_logical3A_571 = arith.constant 3 : i32
        %shift_right_logical3A_572 = vector.broadcast %shift_right_logical3A_571 : i32 to vector<16xi32>
        %shift_right_logical3A_573 = arith.shrui %get3A_570, %shift_right_logical3A_572 : vector<16xi32>
        %swap3A_574 = arith.constant 1 : i32
        %swap3A_575 = arith.index_cast %swap3A_574 : i32 to index
        %swap3A_576 = arith.constant 16 : index
        %swap3A_577 = tpu.vector_load %arg13[%swap3A_575, %swap3A_576] {strides = array<i32>} : memref<2x48xi32, #tpu.memory_space<vmem>>, vector<16xi32>,
        tpu.vector_store %arg13[%swap3A_575, %swap3A_576], %shift_right_logical3A_573 {strides = array<i32>} : memref<2x48xi32, #tpu.memory_space<vmem>>, vector<16xi32>,
        %get3A_578 = arith.constant 1 : i32
        %get3A_579 = arith.index_cast %get3A_578 : i32 to index
        %get3A_580 = arith.constant 32 : index
        %get3A_581 = tpu.vector_load %arg11[%get3A_579, %get3A_580] {strides = array<i32>} : memref<2x48xi32, #tpu.memory_space<vmem>>, vector<16xi32>,
        %shift_right_logical3A_582 = arith.constant 3 : i32
        %shift_right_logical3A_583 = vector.broadcast %shift_right_logical3A_582 : i32 to vector<16xi32>
        %shift_right_logical3A_584 = arith.shrui %get3A_581, %shift_right_logical3A_583 : vector<16xi32>
        %swap3A_585 = arith.constant 1 : i32
        %swap3A_586 = arith.index_cast %swap3A_585 : i32 to index
        %swap3A_587 = arith.constant 32 : index
        %swap3A_588 = tpu.vector_load %arg13[%swap3A_586, %swap3A_587] {strides = array<i32>} : memref<2x48xi32, #tpu.memory_space<vmem>>, vector<16xi32>,
        tpu.vector_store %arg13[%swap3A_586, %swap3A_587], %shift_right_logical3A_584 {strides = array<i32>} : memref<2x48xi32, #tpu.memory_space<vmem>>, vector<16xi32>,
        %dma_wait3A_589 = arith.constant 0 : i32
        %dma_wait3A_590 = arith.constant 0 : i32
        %dma_wait3A_591 = tpu.memref_slice %arg11[%dma_wait3A_589, %dma_wait3A_590] : memref<2x48xi32, #tpu.memory_space<vmem>> -> memref<1x48xi32, #tpu.memory_space<vmem>>
        %dma_wait3A_592 = tpu.memref_squeeze %dma_wait3A_591 : memref<1x48xi32, #tpu.memory_space<vmem>> -> memref<48xi32, #tpu.memory_space<vmem>>
        %dma_wait3A_593 = arith.constant 0 : i32
        %dma_wait3A_594 = arith.constant 0 : i32
        %dma_wait3A_595 = tpu.memref_slice %arg20[%dma_wait3A_593, %dma_wait3A_594] : memref<10240x128xf32, #tpu.memory_space<vmem_shared>> -> memref<10240x128xf32, #tpu.memory_space<vmem_shared>>
        tpu.wait_indirect_dma semaphore(%arg28 : memref<!tpu.dma_semaphore, #tpu.memory_space<semaphore_mem>>) src(%arg15 : memref<48x128xf32, #tpu.memory_space<vmem>>) dst(%dma_wait3A_595 : memref<10240x128xf32, #tpu.memory_space<vmem_shared>>)
        %dma_wait3A_596 = arith.constant 0 : i32
        %dma_wait3A_597 = arith.constant 0 : i32
        %dma_wait3A_598 = tpu.memref_slice %arg13[%dma_wait3A_596, %dma_wait3A_597] : memref<2x48xi32, #tpu.memory_space<vmem>> -> memref<1x48xi32, #tpu.memory_space<vmem>>
        %dma_wait3A_599 = tpu.memref_squeeze %dma_wait3A_598 : memref<1x48xi32, #tpu.memory_space<vmem>> -> memref<48xi32, #tpu.memory_space<vmem>>
        %dma_wait3A_600 = arith.constant 0 : i32
        %dma_wait3A_601 = arith.constant 0 : i32
        %dma_wait3A_602 = tpu.memref_slice %arg21[%dma_wait3A_600, %dma_wait3A_601] : memref<1280x128xf32, #tpu.memory_space<vmem_shared>> -> memref<1280x128xf32, #tpu.memory_space<vmem_shared>>
        tpu.wait_indirect_dma semaphore(%arg30 : memref<!tpu.dma_semaphore, #tpu.memory_space<semaphore_mem>>) src(%arg17 : memref<48x128xf32, #tpu.memory_space<vmem>>) dst(%dma_wait3A_602 : memref<1280x128xf32, #tpu.memory_space<vmem_shared>>)
        %dma_start3A_603 = arith.constant 0 : i32
        %dma_start3A_604 = arith.constant 0 : i32
        %dma_start3A_605 = tpu.memref_slice %arg9[%dma_start3A_603, %dma_start3A_604] : memref<2x48xi32, #tpu.memory_space<vmem>> -> memref<1x48xi32, #tpu.memory_space<vmem>>
        %dma_start3A_606 = tpu.memref_squeeze %dma_start3A_605 : memref<1x48xi32, #tpu.memory_space<vmem>> -> memref<48xi32, #tpu.memory_space<vmem>>
        %dma_start3A_607 = arith.constant 0 : i32
        %dma_start3A_608 = arith.constant 0 : i32
        %dma_start3A_609 = tpu.memref_slice %arg2[%dma_start3A_607, %dma_start3A_608] : memref<10240x128xf32, #tpu.memory_space<hbm>> -> memref<10240x128xf32, #tpu.memory_space<hbm>>
        tpu.enqueue_indirect_dma source(%dma_start3A_609 : memref<10240x128xf32, #tpu.memory_space<hbm>>) target(%arg15 : memref<48x128xf32, #tpu.memory_space<vmem>>) offsets(%dma_start3A_606 : memref<48xi32, #tpu.memory_space<vmem>>) semaphore(%arg24 : memref<!tpu.dma_semaphore, #tpu.memory_space<semaphore_mem>>)
        %dma_start3A_610 = arith.constant 0 : i32
        %dma_start3A_611 = arith.constant 0 : i32
        %dma_start3A_612 = tpu.memref_slice %arg11[%dma_start3A_610, %dma_start3A_611] : memref<2x48xi32, #tpu.memory_space<vmem>> -> memref<1x48xi32, #tpu.memory_space<vmem>>
        %dma_start3A_613 = tpu.memref_squeeze %dma_start3A_612 : memref<1x48xi32, #tpu.memory_space<vmem>> -> memref<48xi32, #tpu.memory_space<vmem>>
        %dma_start3A_614 = arith.constant 0 : i32
        %dma_start3A_615 = arith.constant 0 : i32
        %dma_start3A_616 = tpu.memref_slice %arg3[%dma_start3A_614, %dma_start3A_615] : memref<10240x128xf32, #tpu.memory_space<hbm>> -> memref<10240x128xf32, #tpu.memory_space<hbm>>
        tpu.enqueue_indirect_dma source(%dma_start3A_616 : memref<10240x128xf32, #tpu.memory_space<hbm>>) target(%arg17 : memref<48x128xf32, #tpu.memory_space<vmem>>) offsets(%dma_start3A_613 : memref<48xi32, #tpu.memory_space<vmem>>) semaphore(%arg26 : memref<!tpu.dma_semaphore, #tpu.memory_space<semaphore_mem>>)
      } else {
      }
      %scan3A_487 = arith.constant 0 : i32
      %scan3A_488 = arith.constant 48 : i32
      %scan3A_489 = arith.addi %scan3A_487, %scan3A_488 : i32
      %scan3A_490 = arith.constant 1 : i32
      scf.for %scan3A_511 = %scan3A_487 to %scan3A_489 step %scan3A_490  : i32 {
        %mul3A_512 = arith.constant 1 : i32
        %mul3A_513 = arith.muli %scan3A_511, %mul3A_512 : i32
        %add3A_514 = arith.constant 0 : i32
        %add3A_515 = arith.addi %add3A_514, %mul3A_513 : i32
        %get3A_516 = arith.index_cast %add3A_515 : i32 to index
        %get3A_517 = arith.constant 0 : index
        %get3A_518 = tpu.vector_load %arg16[%get3A_516, %get3A_517] {strides = array<i32>} : memref<48x128xf32, #tpu.memory_space<vmem>>, vector<16xf32>,
        %get3A_519 = arith.index_cast %add3A_515 : i32 to index
        %get3A_520 = arith.constant 0 : index
        %get3A_521 = tpu.vector_load %arg18[%get3A_519, %get3A_520] {strides = array<i32>} : memref<48x128xf32, #tpu.memory_space<vmem>>, vector<16xf32>,
        %add3A_522 = arith.addf %get3A_518, %get3A_521 : vector<16xf32>
        %mul3A_523 = arith.constant 2.000000e-01 : f32
        %mul3A_524 = vector.broadcast %mul3A_523 : f32 to vector<16xf32>
        %mul3A_525 = arith.mulf %mul3A_524, %add3A_522 : vector<16xf32>
        %max3A = arith.maximumf %add3A_522, %mul3A_525 : vector<16xf32>
        %get3A_526 = arith.constant 0 : index
        %get3A_527 = tpu.vector_load %arg19[%get3A_526] {strides = array<i32>} : memref<128xf32, #tpu.memory_space<vmem>>, vector<16xf32>,
        %mul3A_528 = arith.mulf %max3A, %get3A_527 : vector<16xf32>
        %get3A_529 = arith.index_cast %add3A_515 : i32 to index
        %get3A_530 = arith.constant 16 : index
        %get3A_531 = tpu.vector_load %arg16[%get3A_529, %get3A_530] {strides = array<i32>} : memref<48x128xf32, #tpu.memory_space<vmem>>, vector<16xf32>,
        %get3A_532 = arith.index_cast %add3A_515 : i32 to index
        %get3A_533 = arith.constant 16 : index
        %get3A_534 = tpu.vector_load %arg18[%get3A_532, %get3A_533] {strides = array<i32>} : memref<48x128xf32, #tpu.memory_space<vmem>>, vector<16xf32>,
        %add3A_535 = arith.addf %get3A_531, %get3A_534 : vector<16xf32>
        %mul3A_536 = arith.constant 2.000000e-01 : f32
        %mul3A_537 = vector.broadcast %mul3A_536 : f32 to vector<16xf32>
        %mul3A_538 = arith.mulf %mul3A_537, %add3A_535 : vector<16xf32>
        %max3A_539 = arith.maximumf %add3A_535, %mul3A_538 : vector<16xf32>
        %get3A_540 = arith.constant 16 : index
        %get3A_541 = tpu.vector_load %arg19[%get3A_540] {strides = array<i32>} : memref<128xf32, #tpu.memory_space<vmem>>, vector<16xf32>,
        %mul3A_542 = arith.mulf %max3A_539, %get3A_541 : vector<16xf32>
        %get3A_543 = arith.index_cast %add3A_515 : i32 to index
        %get3A_544 = arith.constant 32 : index
        %get3A_545 = tpu.vector_load %arg16[%get3A_543, %get3A_544] {strides = array<i32>} : memref<48x128xf32, #tpu.memory_space<vmem>>, vector<16xf32>,
        %get3A_546 = arith.index_cast %add3A_515 : i32 to index
        %get3A_547 = arith.constant 32 : index
        %get3A_548 = tpu.vector_load %arg18[%get3A_546, %get3A_547] {strides = array<i32>} : memref<48x128xf32, #tpu.memory_space<vmem>>, vector<16xf32>,
        %add3A_549 = arith.addf %get3A_545, %get3A_548 : vector<16xf32>
        %mul3A_550 = arith.constant 2.000000e-01 : f32
        %mul3A_551 = vector.broadcast %mul3A_550 : f32 to vector<16xf32>
        %mul3A_552 = arith.mulf %mul3A_551, %add3A_549 : vector<16xf32>
        %max3A_553 = arith.maximumf %add3A_549, %mul3A_552 : vector<16xf32>
        %get3A_554 = arith.constant 32 : index
        %get3A_555 = tpu.vector_load %arg19[%get3A_554] {strides = array<i32>} : memref<128xf32, #tpu.memory_space<vmem>>, vector<16xf32>,
        %mul3A_556 = arith.mulf %max3A_553, %get3A_555 : vector<16xf32>
        %get3A_557 = arith.index_cast %add3A_515 : i32 to index
        %get3A_558 = arith.constant 48 : index
        %get3A_559 = tpu.vector_load %arg16[%get3A_557, %get3A_558] {strides = array<i32>} : memref<48x128xf32, #tpu.memory_space<vmem>>, vector<16xf32>,
        %get3A_560 = arith.index_cast %add3A_515 : i32 to index
        %get3A_561 = arith.constant 48 : index
        %get3A_562 = tpu.vector_load %arg18[%get3A_560, %get3A_561] {strides = array<i32>} : memref<48x128xf32, #tpu.memory_space<vmem>>, vector<16xf32>,
        %add3A_563 = arith.addf %get3A_559, %get3A_562 : vector<16xf32>
        %mul3A_564 = arith.constant 2.000000e-01 : f32
        %mul3A_565 = vector.broadcast %mul3A_564 : f32 to vector<16xf32>
        %mul3A_566 = arith.mulf %mul3A_565, %add3A_563 : vector<16xf32>
        %max3A_567 = arith.maximumf %add3A_563, %mul3A_566 : vector<16xf32>
        %get3A_568 = arith.constant 48 : index
        %get3A_569 = tpu.vector_load %arg19[%get3A_568] {strides = array<i32>} : memref<128xf32, #tpu.memory_space<vmem>>, vector<16xf32>,
        %mul3A_570 = arith.mulf %max3A_567, %get3A_569 : vector<16xf32>
        %get3A_571 = arith.index_cast %add3A_515 : i32 to index
        %get3A_572 = arith.constant 64 : index
        %get3A_573 = tpu.vector_load %arg16[%get3A_571, %get3A_572] {strides = array<i32>} : memref<48x128xf32, #tpu.memory_space<vmem>>, vector<16xf32>,
        %get3A_574 = arith.index_cast %add3A_515 : i32 to index
        %get3A_575 = arith.constant 64 : index
        %get3A_576 = tpu.vector_load %arg18[%get3A_574, %get3A_575] {strides = array<i32>} : memref<48x128xf32, #tpu.memory_space<vmem>>, vector<16xf32>,
        %add3A_577 = arith.addf %get3A_573, %get3A_576 : vector<16xf32>
        %mul3A_578 = arith.constant 2.000000e-01 : f32
        %mul3A_579 = vector.broadcast %mul3A_578 : f32 to vector<16xf32>
        %mul3A_580 = arith.mulf %mul3A_579, %add3A_577 : vector<16xf32>
        %max3A_581 = arith.maximumf %add3A_577, %mul3A_580 : vector<16xf32>
        %get3A_582 = arith.constant 64 : index
        %get3A_583 = tpu.vector_load %arg19[%get3A_582] {strides = array<i32>} : memref<128xf32, #tpu.memory_space<vmem>>, vector<16xf32>,
        %mul3A_584 = arith.mulf %max3A_581, %get3A_583 : vector<16xf32>
        %get3A_585 = arith.index_cast %add3A_515 : i32 to index
        %get3A_586 = arith.constant 80 : index
        %get3A_587 = tpu.vector_load %arg16[%get3A_585, %get3A_586] {strides = array<i32>} : memref<48x128xf32, #tpu.memory_space<vmem>>, vector<16xf32>,
        %get3A_588 = arith.index_cast %add3A_515 : i32 to index
        %get3A_589 = arith.constant 80 : index
        %get3A_590 = tpu.vector_load %arg18[%get3A_588, %get3A_589] {strides = array<i32>} : memref<48x128xf32, #tpu.memory_space<vmem>>, vector<16xf32>,
        %add3A_591 = arith.addf %get3A_587, %get3A_590 : vector<16xf32>
        %mul3A_592 = arith.constant 2.000000e-01 : f32
        %mul3A_593 = vector.broadcast %mul3A_592 : f32 to vector<16xf32>
        %mul3A_594 = arith.mulf %mul3A_593, %add3A_591 : vector<16xf32>
        %max3A_595 = arith.maximumf %add3A_591, %mul3A_594 : vector<16xf32>
        %get3A_596 = arith.constant 80 : index
        %get3A_597 = tpu.vector_load %arg19[%get3A_596] {strides = array<i32>} : memref<128xf32, #tpu.memory_space<vmem>>, vector<16xf32>,
        %mul3A_598 = arith.mulf %max3A_595, %get3A_597 : vector<16xf32>
        %get3A_599 = arith.index_cast %add3A_515 : i32 to index
        %get3A_600 = arith.constant 96 : index
        %get3A_601 = tpu.vector_load %arg16[%get3A_599, %get3A_600] {strides = array<i32>} : memref<48x128xf32, #tpu.memory_space<vmem>>, vector<16xf32>,
        %get3A_602 = arith.index_cast %add3A_515 : i32 to index
        %get3A_603 = arith.constant 96 : index
        %get3A_604 = tpu.vector_load %arg18[%get3A_602, %get3A_603] {strides = array<i32>} : memref<48x128xf32, #tpu.memory_space<vmem>>, vector<16xf32>,
        %add3A_605 = arith.addf %get3A_601, %get3A_604 : vector<16xf32>
        %mul3A_606 = arith.constant 2.000000e-01 : f32
        %mul3A_607 = vector.broadcast %mul3A_606 : f32 to vector<16xf32>
        %mul3A_608 = arith.mulf %mul3A_607, %add3A_605 : vector<16xf32>
        %max3A_609 = arith.maximumf %add3A_605, %mul3A_608 : vector<16xf32>
        %get3A_610 = arith.constant 96 : index
        %get3A_611 = tpu.vector_load %arg19[%get3A_610] {strides = array<i32>} : memref<128xf32, #tpu.memory_space<vmem>>, vector<16xf32>,
        %mul3A_612 = arith.mulf %max3A_609, %get3A_611 : vector<16xf32>
        %get3A_613 = arith.index_cast %add3A_515 : i32 to index
        %get3A_614 = arith.constant 112 : index
        %get3A_615 = tpu.vector_load %arg16[%get3A_613, %get3A_614] {strides = array<i32>} : memref<48x128xf32, #tpu.memory_space<vmem>>, vector<16xf32>,
        %get3A_616 = arith.index_cast %add3A_515 : i32 to index
        %get3A_617 = arith.constant 112 : index
        %get3A_618 = tpu.vector_load %arg18[%get3A_616, %get3A_617] {strides = array<i32>} : memref<48x128xf32, #tpu.memory_space<vmem>>, vector<16xf32>,
        %add3A_619 = arith.addf %get3A_615, %get3A_618 : vector<16xf32>
        %mul3A_620 = arith.constant 2.000000e-01 : f32
        %mul3A_621 = vector.broadcast %mul3A_620 : f32 to vector<16xf32>
        %mul3A_622 = arith.mulf %mul3A_621, %add3A_619 : vector<16xf32>
        %max3A_623 = arith.maximumf %add3A_619, %mul3A_622 : vector<16xf32>
        %get3A_624 = arith.constant 112 : index
        %get3A_625 = tpu.vector_load %arg19[%get3A_624] {strides = array<i32>} : memref<128xf32, #tpu.memory_space<vmem>>, vector<16xf32>,
        %mul3A_626 = arith.mulf %max3A_623, %get3A_625 : vector<16xf32>
        %add3A_627 = arith.addf %mul3A_528, %mul3A_542 : vector<16xf32>
        %reduce_sum3A = arith.constant true
        %reduce_sum3A_628 = vector.broadcast %reduce_sum3A : i1 to vector<16xi1>
        %reduce_sum3A_629 = tpu.scan <sum>, %add3A_627 masked %reduce_sum3A_628 : vector<16xf32>, vector<16xi1> -> vector<16xf32>
        %reduce_sum3A_630 = vector.extract %reduce_sum3A_629[15] : f32 from vector<16xf32>
        %broadcast_in_dim3A_631 = vector.broadcast %reduce_sum3A_630 : f32 to vector<16xf32>
        %exp3A = math.exp %broadcast_in_dim3A_631 : vector<16xf32>
        %add3A_632 = arith.addf %mul3A_556, %mul3A_570 : vector<16xf32>
        %reduce_sum3A_633 = arith.constant true
        %reduce_sum3A_634 = vector.broadcast %reduce_sum3A_633 : i1 to vector<16xi1>
        %reduce_sum3A_635 = tpu.scan <sum>, %add3A_632 masked %reduce_sum3A_634 : vector<16xf32>, vector<16xi1> -> vector<16xf32>
        %reduce_sum3A_636 = vector.extract %reduce_sum3A_635[15] : f32 from vector<16xf32>
        %broadcast_in_dim3A_637 = vector.broadcast %reduce_sum3A_636 : f32 to vector<16xf32>
        %exp3A_638 = math.exp %broadcast_in_dim3A_637 : vector<16xf32>
        %add3A_639 = arith.addf %mul3A_584, %mul3A_598 : vector<16xf32>
        %reduce_sum3A_640 = arith.constant true
        %reduce_sum3A_641 = vector.broadcast %reduce_sum3A_640 : i1 to vector<16xi1>
        %reduce_sum3A_642 = tpu.scan <sum>, %add3A_639 masked %reduce_sum3A_641 : vector<16xf32>, vector<16xi1> -> vector<16xf32>
        %reduce_sum3A_643 = vector.extract %reduce_sum3A_642[15] : f32 from vector<16xf32>
        %broadcast_in_dim3A_644 = vector.broadcast %reduce_sum3A_643 : f32 to vector<16xf32>
        %exp3A_645 = math.exp %broadcast_in_dim3A_644 : vector<16xf32>
        %add3A_646 = arith.addf %mul3A_612, %mul3A_626 : vector<16xf32>
        %reduce_sum3A_647 = arith.constant true
        %reduce_sum3A_648 = vector.broadcast %reduce_sum3A_647 : i1 to vector<16xi1>
        %reduce_sum3A_649 = tpu.scan <sum>, %add3A_646 masked %reduce_sum3A_648 : vector<16xf32>, vector<16xi1> -> vector<16xf32>
        %reduce_sum3A_650 = vector.extract %reduce_sum3A_649[15] : f32 from vector<16xf32>
        %broadcast_in_dim3A_651 = vector.broadcast %reduce_sum3A_650 : f32 to vector<16xf32>
        %exp3A_652 = math.exp %broadcast_in_dim3A_651 : vector<16xf32>
        %mul3A_653 = arith.mulf %get3A_518, %exp3A : vector<16xf32>
        %swap3A_654 = arith.index_cast %add3A_515 : i32 to index
        %swap3A_655 = arith.constant 0 : index
        %swap3A_656 = tpu.vector_load %arg16[%swap3A_654, %swap3A_655] {strides = array<i32>} : memref<48x128xf32, #tpu.memory_space<vmem>>, vector<16xf32>,
        tpu.vector_store %arg16[%swap3A_654, %swap3A_655], %mul3A_653 {strides = array<i32>} : memref<48x128xf32, #tpu.memory_space<vmem>>, vector<16xf32>,
        %mul3A_657 = arith.mulf %get3A_531, %exp3A : vector<16xf32>
        %swap3A_658 = arith.index_cast %add3A_515 : i32 to index
        %swap3A_659 = arith.constant 16 : index
        %swap3A_660 = tpu.vector_load %arg16[%swap3A_658, %swap3A_659] {strides = array<i32>} : memref<48x128xf32, #tpu.memory_space<vmem>>, vector<16xf32>,
        tpu.vector_store %arg16[%swap3A_658, %swap3A_659], %mul3A_657 {strides = array<i32>} : memref<48x128xf32, #tpu.memory_space<vmem>>, vector<16xf32>,
        %mul3A_661 = arith.mulf %get3A_545, %exp3A_638 : vector<16xf32>
        %swap3A_662 = arith.index_cast %add3A_515 : i32 to index
        %swap3A_663 = arith.constant 32 : index
        %swap3A_664 = tpu.vector_load %arg16[%swap3A_662, %swap3A_663] {strides = array<i32>} : memref<48x128xf32, #tpu.memory_space<vmem>>, vector<16xf32>,
        tpu.vector_store %arg16[%swap3A_662, %swap3A_663], %mul3A_661 {strides = array<i32>} : memref<48x128xf32, #tpu.memory_space<vmem>>, vector<16xf32>,
        %mul3A_665 = arith.mulf %get3A_559, %exp3A_638 : vector<16xf32>
        %swap3A_666 = arith.index_cast %add3A_515 : i32 to index
        %swap3A_667 = arith.constant 48 : index
        %swap3A_668 = tpu.vector_load %arg16[%swap3A_666, %swap3A_667] {strides = array<i32>} : memref<48x128xf32, #tpu.memory_space<vmem>>, vector<16xf32>,
        tpu.vector_store %arg16[%swap3A_666, %swap3A_667], %mul3A_665 {strides = array<i32>} : memref<48x128xf32, #tpu.memory_space<vmem>>, vector<16xf32>,
        %mul3A_669 = arith.mulf %get3A_573, %exp3A_645 : vector<16xf32>
        %swap3A_670 = arith.index_cast %add3A_515 : i32 to index
        %swap3A_671 = arith.constant 64 : index
        %swap3A_672 = tpu.vector_load %arg16[%swap3A_670, %swap3A_671] {strides = array<i32>} : memref<48x128xf32, #tpu.memory_space<vmem>>, vector<16xf32>,
        tpu.vector_store %arg16[%swap3A_670, %swap3A_671], %mul3A_669 {strides = array<i32>} : memref<48x128xf32, #tpu.memory_space<vmem>>, vector<16xf32>,
        %mul3A_673 = arith.mulf %get3A_587, %exp3A_645 : vector<16xf32>
        %swap3A_674 = arith.index_cast %add3A_515 : i32 to index
        %swap3A_675 = arith.constant 80 : index
        %swap3A_676 = tpu.vector_load %arg16[%swap3A_674, %swap3A_675] {strides = array<i32>} : memref<48x128xf32, #tpu.memory_space<vmem>>, vector<16xf32>,
        tpu.vector_store %arg16[%swap3A_674, %swap3A_675], %mul3A_673 {strides = array<i32>} : memref<48x128xf32, #tpu.memory_space<vmem>>, vector<16xf32>,
        %mul3A_677 = arith.mulf %get3A_601, %exp3A_652 : vector<16xf32>
        %swap3A_678 = arith.index_cast %add3A_515 : i32 to index
        %swap3A_679 = arith.constant 96 : index
        %swap3A_680 = tpu.vector_load %arg16[%swap3A_678, %swap3A_679] {strides = array<i32>} : memref<48x128xf32, #tpu.memory_space<vmem>>, vector<16xf32>,
        tpu.vector_store %arg16[%swap3A_678, %swap3A_679], %mul3A_677 {strides = array<i32>} : memref<48x128xf32, #tpu.memory_space<vmem>>, vector<16xf32>,
        %mul3A_681 = arith.mulf %get3A_615, %exp3A_652 : vector<16xf32>
        %swap3A_682 = arith.index_cast %add3A_515 : i32 to index
        %swap3A_683 = arith.constant 112 : index
        %swap3A_684 = tpu.vector_load %arg16[%swap3A_682, %swap3A_683] {strides = array<i32>} : memref<48x128xf32, #tpu.memory_space<vmem>>, vector<16xf32>,
        tpu.vector_store %arg16[%swap3A_682, %swap3A_683], %mul3A_681 {strides = array<i32>} : memref<48x128xf32, #tpu.memory_space<vmem>>, vector<16xf32>,
        %mul3A_685 = arith.mulf %exp3A, %select_n3A : vector<16xf32>
        %mul3A_686 = arith.mulf %exp3A_638, %select_n3A_36 : vector<16xf32>
        %add3A_687 = arith.addf %mul3A_685, %mul3A_686 : vector<16xf32>
        %mul3A_688 = arith.mulf %exp3A_645, %select_n3A_44 : vector<16xf32>
        %add3A_689 = arith.addf %add3A_687, %mul3A_688 : vector<16xf32>
        %mul3A_690 = arith.mulf %exp3A_652, %select_n3A_52 : vector<16xf32>
        %add3A_691 = arith.addf %add3A_689, %mul3A_690 : vector<16xf32>
        %broadcast_in_dim3A_692 = arith.constant 1 : i32
        %broadcast_in_dim3A_693 = vector.broadcast %broadcast_in_dim3A_692 : i32 to vector<16xi32>
        %broadcast_in_dim3A_694 = vector.broadcast %add3A_515 : i32 to vector<16xi32>
        %gather3A = tpu.vector_load_idx %arg12[%broadcast_in_dim3A_693, %broadcast_in_dim3A_694] : memref<2x48xi32, #tpu.memory_space<vmem>>[vector<16xi32>, vector<16xi32>], vector<16xi32>,
        %and3A = arith.constant 7 : i32
        %and3A_695 = vector.broadcast %and3A : i32 to vector<16xi32>
        %and3A_696 = arith.andi %gather3A, %and3A_695 : vector<16xi32>
        %eq3A_697 = arith.constant 0 : i32
        %eq3A_698 = vector.broadcast %eq3A_697 : i32 to vector<16xi32>
        %eq3A_699 = arith.cmpi eq, %and3A_696, %eq3A_698 : vector<16xi32>
        %select_n3A_700 = arith.select %eq3A_699, %add3A_691, %broadcast_in_dim3A_3 : vector<16xi1>, vector<16xf32>
        %swap3A_701 = arith.index_cast %add3A_515 : i32 to index
        %swap3A_702 = arith.constant 0 : index
        %swap3A_703 = tpu.vector_load %arg18[%swap3A_701, %swap3A_702] {strides = array<i32>} : memref<48x128xf32, #tpu.memory_space<vmem>>, vector<16xf32>,
        tpu.vector_store %arg18[%swap3A_701, %swap3A_702], %select_n3A_700 {strides = array<i32>} : memref<48x128xf32, #tpu.memory_space<vmem>>, vector<16xf32>,
        %eq3A_704 = arith.constant 1 : i32
        %eq3A_705 = vector.broadcast %eq3A_704 : i32 to vector<16xi32>
        %eq3A_706 = arith.cmpi eq, %and3A_696, %eq3A_705 : vector<16xi32>
        %select_n3A_707 = arith.select %eq3A_706, %add3A_691, %broadcast_in_dim3A_3 : vector<16xi1>, vector<16xf32>
        %swap3A_708 = arith.index_cast %add3A_515 : i32 to index
        %swap3A_709 = arith.constant 16 : index
        %swap3A_710 = tpu.vector_load %arg18[%swap3A_708, %swap3A_709] {strides = array<i32>} : memref<48x128xf32, #tpu.memory_space<vmem>>, vector<16xf32>,
        tpu.vector_store %arg18[%swap3A_708, %swap3A_709], %select_n3A_707 {strides = array<i32>} : memref<48x128xf32, #tpu.memory_space<vmem>>, vector<16xf32>,
        %eq3A_711 = arith.constant 2 : i32
        %eq3A_712 = vector.broadcast %eq3A_711 : i32 to vector<16xi32>
        %eq3A_713 = arith.cmpi eq, %and3A_696, %eq3A_712 : vector<16xi32>
        %select_n3A_714 = arith.select %eq3A_713, %add3A_691, %broadcast_in_dim3A_3 : vector<16xi1>, vector<16xf32>
        %swap3A_715 = arith.index_cast %add3A_515 : i32 to index
        %swap3A_716 = arith.constant 32 : index
        %swap3A_717 = tpu.vector_load %arg18[%swap3A_715, %swap3A_716] {strides = array<i32>} : memref<48x128xf32, #tpu.memory_space<vmem>>, vector<16xf32>,
        tpu.vector_store %arg18[%swap3A_715, %swap3A_716], %select_n3A_714 {strides = array<i32>} : memref<48x128xf32, #tpu.memory_space<vmem>>, vector<16xf32>,
        %eq3A_718 = arith.constant 3 : i32
        %eq3A_719 = vector.broadcast %eq3A_718 : i32 to vector<16xi32>
        %eq3A_720 = arith.cmpi eq, %and3A_696, %eq3A_719 : vector<16xi32>
        %select_n3A_721 = arith.select %eq3A_720, %add3A_691, %broadcast_in_dim3A_3 : vector<16xi1>, vector<16xf32>
        %swap3A_722 = arith.index_cast %add3A_515 : i32 to index
        %swap3A_723 = arith.constant 48 : index
        %swap3A_724 = tpu.vector_load %arg18[%swap3A_722, %swap3A_723] {strides = array<i32>} : memref<48x128xf32, #tpu.memory_space<vmem>>, vector<16xf32>,
        tpu.vector_store %arg18[%swap3A_722, %swap3A_723], %select_n3A_721 {strides = array<i32>} : memref<48x128xf32, #tpu.memory_space<vmem>>, vector<16xf32>,
        %eq3A_725 = arith.constant 4 : i32
        %eq3A_726 = vector.broadcast %eq3A_725 : i32 to vector<16xi32>
        %eq3A_727 = arith.cmpi eq, %and3A_696, %eq3A_726 : vector<16xi32>
        %select_n3A_728 = arith.select %eq3A_727, %add3A_691, %broadcast_in_dim3A_3 : vector<16xi1>, vector<16xf32>
        %swap3A_729 = arith.index_cast %add3A_515 : i32 to index
        %swap3A_730 = arith.constant 64 : index
        %swap3A_731 = tpu.vector_load %arg18[%swap3A_729, %swap3A_730] {strides = array<i32>} : memref<48x128xf32, #tpu.memory_space<vmem>>, vector<16xf32>,
        tpu.vector_store %arg18[%swap3A_729, %swap3A_730], %select_n3A_728 {strides = array<i32>} : memref<48x128xf32, #tpu.memory_space<vmem>>, vector<16xf32>,
        %eq3A_732 = arith.constant 5 : i32
        %eq3A_733 = vector.broadcast %eq3A_732 : i32 to vector<16xi32>
        %eq3A_734 = arith.cmpi eq, %and3A_696, %eq3A_733 : vector<16xi32>
        %select_n3A_735 = arith.select %eq3A_734, %add3A_691, %broadcast_in_dim3A_3 : vector<16xi1>, vector<16xf32>
        %swap3A_736 = arith.index_cast %add3A_515 : i32 to index
        %swap3A_737 = arith.constant 80 : index
        %swap3A_738 = tpu.vector_load %arg18[%swap3A_736, %swap3A_737] {strides = array<i32>} : memref<48x128xf32, #tpu.memory_space<vmem>>, vector<16xf32>,
        tpu.vector_store %arg18[%swap3A_736, %swap3A_737], %select_n3A_735 {strides = array<i32>} : memref<48x128xf32, #tpu.memory_space<vmem>>, vector<16xf32>,
        %eq3A_739 = arith.constant 6 : i32
        %eq3A_740 = vector.broadcast %eq3A_739 : i32 to vector<16xi32>
        %eq3A_741 = arith.cmpi eq, %and3A_696, %eq3A_740 : vector<16xi32>
        %select_n3A_742 = arith.select %eq3A_741, %add3A_691, %broadcast_in_dim3A_3 : vector<16xi1>, vector<16xf32>
        %swap3A_743 = arith.index_cast %add3A_515 : i32 to index
        %swap3A_744 = arith.constant 96 : index
        %swap3A_745 = tpu.vector_load %arg18[%swap3A_743, %swap3A_744] {strides = array<i32>} : memref<48x128xf32, #tpu.memory_space<vmem>>, vector<16xf32>,
        tpu.vector_store %arg18[%swap3A_743, %swap3A_744], %select_n3A_742 {strides = array<i32>} : memref<48x128xf32, #tpu.memory_space<vmem>>, vector<16xf32>,
        %eq3A_746 = arith.constant 7 : i32
        %eq3A_747 = vector.broadcast %eq3A_746 : i32 to vector<16xi32>
        %eq3A_748 = arith.cmpi eq, %and3A_696, %eq3A_747 : vector<16xi32>
        %select_n3A_749 = arith.select %eq3A_748, %add3A_691, %broadcast_in_dim3A_3 : vector<16xi1>, vector<16xf32>
        %swap3A_750 = arith.index_cast %add3A_515 : i32 to index
        %swap3A_751 = arith.constant 112 : index
        %swap3A_752 = tpu.vector_load %arg18[%swap3A_750, %swap3A_751] {strides = array<i32>} : memref<48x128xf32, #tpu.memory_space<vmem>>, vector<16xf32>,
        tpu.vector_store %arg18[%swap3A_750, %swap3A_751], %select_n3A_749 {strides = array<i32>} : memref<48x128xf32, #tpu.memory_space<vmem>>, vector<16xf32>,
      }
      %scan3A_491 = arith.constant 48 : i32
      %dma_start3A_492 = arith.constant 1 : i32
      %dma_start3A_493 = arith.constant 0 : i32
      %dma_start3A_494 = tpu.memref_slice %arg12[%dma_start3A_492, %dma_start3A_493] : memref<2x48xi32, #tpu.memory_space<vmem>> -> memref<1x48xi32, #tpu.memory_space<vmem>>
      %dma_start3A_495 = tpu.memref_squeeze %dma_start3A_494 : memref<1x48xi32, #tpu.memory_space<vmem>> -> memref<48xi32, #tpu.memory_space<vmem>>
      %dma_start3A_496 = arith.constant 0 : i32
      %dma_start3A_497 = arith.constant 0 : i32
      %dma_start3A_498 = tpu.memref_slice %arg20[%dma_start3A_496, %dma_start3A_497] : memref<10240x128xf32, #tpu.memory_space<vmem_shared>> -> memref<10240x128xf32, #tpu.memory_space<vmem_shared>>
      tpu.enqueue_indirect_dma source(%arg16 : memref<48x128xf32, #tpu.memory_space<vmem>>) target(%dma_start3A_498 : memref<10240x128xf32, #tpu.memory_space<vmem_shared>>) offsets(%dma_start3A_495 : memref<48xi32, #tpu.memory_space<vmem>>) semaphore(%arg29 : memref<!tpu.dma_semaphore, #tpu.memory_space<semaphore_mem>>) {add = true}
      %dma_start3A_499 = arith.constant 1 : i32
      %dma_start3A_500 = arith.constant 0 : i32
      %dma_start3A_501 = tpu.memref_slice %arg14[%dma_start3A_499, %dma_start3A_500] : memref<2x48xi32, #tpu.memory_space<vmem>> -> memref<1x48xi32, #tpu.memory_space<vmem>>
      %dma_start3A_502 = tpu.memref_squeeze %dma_start3A_501 : memref<1x48xi32, #tpu.memory_space<vmem>> -> memref<48xi32, #tpu.memory_space<vmem>>
      %dma_start3A_503 = arith.constant 0 : i32
      %dma_start3A_504 = arith.constant 0 : i32
      %dma_start3A_505 = tpu.memref_slice %arg21[%dma_start3A_503, %dma_start3A_504] : memref<1280x128xf32, #tpu.memory_space<vmem_shared>> -> memref<1280x128xf32, #tpu.memory_space<vmem_shared>>
      tpu.enqueue_indirect_dma source(%arg18 : memref<48x128xf32, #tpu.memory_space<vmem>>) target(%dma_start3A_505 : memref<1280x128xf32, #tpu.memory_space<vmem_shared>>) offsets(%dma_start3A_502 : memref<48xi32, #tpu.memory_space<vmem>>) semaphore(%arg31 : memref<!tpu.dma_semaphore, #tpu.memory_space<semaphore_mem>>) {add = true}
      %lt3A_506 = arith.constant 53 : i32
      %lt3A_507 = arith.cmpi slt, %add3A_206, %lt3A_506 : i32
      %convert_element_type3A_508 = arith.extui %lt3A_507 : i1 to i32
      %cond3A_509 = arith.constant 0 : i32
      %cond3A_510 = arith.cmpi ne, %convert_element_type3A_508, %cond3A_509 : i32
      scf.if %cond3A_510 {
        %add3A_511 = arith.constant 2 : i32
        %add3A_512 = arith.addi %add3A_406, %add3A_511 : i32
        %mul3A_513 = arith.constant 2 : i32
        %mul3A_514 = arith.muli %add3A_512, %mul3A_513 : i32
        %add3A_515 = arith.addi %mul3A_2, %mul3A_514 : i32
        %dma_start3A_516 = arith.constant 0 : i32
        %dma_start3A_517 = tpu.memref_slice %arg4[%add3A_515, %dma_start3A_516] : memref<6912x48xi32, #tpu.memory_space<hbm>> -> memref<2x48xi32, #tpu.memory_space<hbm>>
        %dma_start3A_518 = arith.constant 0 : i32
        %dma_start3A_519 = tpu.memref_slice %arg4[%add3A_515, %dma_start3A_518] : memref<6912x48xi32, #tpu.memory_space<hbm>> -> memref<2x48xi32, #tpu.memory_space<hbm>>
        tpu.enqueue_dma source(%dma_start3A_519 : memref<2x48xi32, #tpu.memory_space<hbm>>) target(%arg10 : memref<2x48xi32, #tpu.memory_space<vmem>>) target_semaphore(%arg23 : memref<!tpu.dma_semaphore, #tpu.memory_space<semaphore_mem>>)
        %dma_start3A_520 = arith.constant 0 : i32
        %dma_start3A_521 = tpu.memref_slice %arg5[%add3A_515, %dma_start3A_520] : memref<6912x48xi32, #tpu.memory_space<hbm>> -> memref<2x48xi32, #tpu.memory_space<hbm>>
        %dma_start3A_522 = arith.constant 0 : i32
        %dma_start3A_523 = tpu.memref_slice %arg5[%add3A_515, %dma_start3A_522] : memref<6912x48xi32, #tpu.memory_space<hbm>> -> memref<2x48xi32, #tpu.memory_space<hbm>>
        tpu.enqueue_dma source(%dma_start3A_523 : memref<2x48xi32, #tpu.memory_space<hbm>>) target(%arg12 : memref<2x48xi32, #tpu.memory_space<vmem>>) target_semaphore(%arg23 : memref<!tpu.dma_semaphore, #tpu.memory_space<semaphore_mem>>)
      } else {
      }
    }
    %scan3A_164 = arith.constant 54 : i32
    %dma_wait3A_165 = arith.constant 0 : i32
    %dma_wait3A_166 = arith.constant 0 : i32
    %dma_wait3A_167 = tpu.memref_slice %arg11[%dma_wait3A_165, %dma_wait3A_166] : memref<2x48xi32, #tpu.memory_space<vmem>> -> memref<1x48xi32, #tpu.memory_space<vmem>>
    %dma_wait3A_168 = tpu.memref_squeeze %dma_wait3A_167 : memref<1x48xi32, #tpu.memory_space<vmem>> -> memref<48xi32, #tpu.memory_space<vmem>>
    %dma_wait3A_169 = arith.constant 0 : i32
    %dma_wait3A_170 = arith.constant 0 : i32
    %dma_wait3A_171 = tpu.memref_slice %arg20[%dma_wait3A_169, %dma_wait3A_170] : memref<10240x128xf32, #tpu.memory_space<vmem_shared>> -> memref<10240x128xf32, #tpu.memory_space<vmem_shared>>
    tpu.wait_indirect_dma semaphore(%arg28 : memref<!tpu.dma_semaphore, #tpu.memory_space<semaphore_mem>>) src(%arg15 : memref<48x128xf32, #tpu.memory_space<vmem>>) dst(%dma_wait3A_171 : memref<10240x128xf32, #tpu.memory_space<vmem_shared>>)
    %dma_wait3A_172 = arith.constant 0 : i32
    %dma_wait3A_173 = arith.constant 0 : i32
    %dma_wait3A_174 = tpu.memref_slice %arg13[%dma_wait3A_172, %dma_wait3A_173] : memref<2x48xi32, #tpu.memory_space<vmem>> -> memref<1x48xi32, #tpu.memory_space<vmem>>
    %dma_wait3A_175 = tpu.memref_squeeze %dma_wait3A_174 : memref<1x48xi32, #tpu.memory_space<vmem>> -> memref<48xi32, #tpu.memory_space<vmem>>
    %dma_wait3A_176 = arith.constant 0 : i32
    %dma_wait3A_177 = arith.constant 0 : i32
    %dma_wait3A_178 = tpu.memref_slice %arg21[%dma_wait3A_176, %dma_wait3A_177] : memref<1280x128xf32, #tpu.memory_space<vmem_shared>> -> memref<1280x128xf32, #tpu.memory_space<vmem_shared>>
    tpu.wait_indirect_dma semaphore(%arg30 : memref<!tpu.dma_semaphore, #tpu.memory_space<semaphore_mem>>) src(%arg17 : memref<48x128xf32, #tpu.memory_space<vmem>>) dst(%dma_wait3A_178 : memref<1280x128xf32, #tpu.memory_space<vmem_shared>>)
    %dma_wait3A_179 = arith.constant 0 : i32
    %dma_wait3A_180 = arith.constant 0 : i32
    %dma_wait3A_181 = tpu.memref_slice %arg11[%dma_wait3A_179, %dma_wait3A_180] : memref<2x48xi32, #tpu.memory_space<vmem>> -> memref<1x48xi32, #tpu.memory_space<vmem>>
    %dma_wait3A_182 = tpu.memref_squeeze %dma_wait3A_181 : memref<1x48xi32, #tpu.memory_space<vmem>> -> memref<48xi32, #tpu.memory_space<vmem>>
    %dma_wait3A_183 = arith.constant 0 : i32
    %dma_wait3A_184 = arith.constant 0 : i32
    %dma_wait3A_185 = tpu.memref_slice %arg20[%dma_wait3A_183, %dma_wait3A_184] : memref<10240x128xf32, #tpu.memory_space<vmem_shared>> -> memref<10240x128xf32, #tpu.memory_space<vmem_shared>>
    tpu.wait_indirect_dma semaphore(%arg29 : memref<!tpu.dma_semaphore, #tpu.memory_space<semaphore_mem>>) src(%arg16 : memref<48x128xf32, #tpu.memory_space<vmem>>) dst(%dma_wait3A_185 : memref<10240x128xf32, #tpu.memory_space<vmem_shared>>)
    %dma_wait3A_186 = arith.constant 0 : i32
    %dma_wait3A_187 = arith.constant 0 : i32
    %dma_wait3A_188 = tpu.memref_slice %arg13[%dma_wait3A_186, %dma_wait3A_187] : memref<2x48xi32, #tpu.memory_space<vmem>> -> memref<1x48xi32, #tpu.memory_space<vmem>>
    %dma_wait3A_189 = tpu.memref_squeeze %dma_wait3A_188 : memref<1x48xi32, #tpu.memory_space<vmem>> -> memref<48xi32, #tpu.memory_space<vmem>>
    %dma_wait3A_190 = arith.constant 0 : i32
    %dma_wait3A_191 = arith.constant 0 : i32
    %dma_wait3A_192 = tpu.memref_slice %arg21[%dma_wait3A_190, %dma_wait3A_191] : memref<1280x128xf32, #tpu.memory_space<vmem_shared>> -> memref<1280x128xf32, #tpu.memory_space<vmem_shared>>
    tpu.wait_indirect_dma semaphore(%arg31 : memref<!tpu.dma_semaphore, #tpu.memory_space<semaphore_mem>>) src(%arg18 : memref<48x128xf32, #tpu.memory_space<vmem>>) dst(%dma_wait3A_192 : memref<1280x128xf32, #tpu.memory_space<vmem_shared>>)
    %barrier3A_193 = arith.constant 0 : index
    tpu.barrier barrier_id(%barrier3A_193)
    %mul3A_194 = arith.constant 640 : i32
    %mul3A_195 = arith.muli %arg1, %mul3A_194 : i32
    %mul3A_196 = arith.constant 640 : i32
    %mul3A_197 = arith.muli %arg1, %mul3A_196 : i32
    "tpu.region"() ({
      %run_scoped3A = tpu.sem_alloc : memref<!tpu.dma_semaphore, #tpu.memory_space<semaphore_mem>>
      %dma_start3A_202 = arith.constant 0 : i32
      %dma_start3A_203 = tpu.memref_slice %arg7[%arg0, %mul3A_197, %dma_start3A_202] : memref<2x10240x128xf32, #tpu.memory_space<hbm>> -> memref<1x640x128xf32, #tpu.memory_space<hbm>>
      %dma_start3A_204 = tpu.memref_squeeze %dma_start3A_203 : memref<1x640x128xf32, #tpu.memory_space<hbm>> -> memref<640x128xf32, #tpu.memory_space<hbm>>
      %dma_start3A_205 = arith.constant 0 : i32
      %dma_start3A_206 = tpu.memref_slice %arg20[%mul3A_195, %dma_start3A_205] : memref<10240x128xf32, #tpu.memory_space<vmem_shared>> -> memref<640x128xf32, #tpu.memory_space<vmem_shared>>
      tpu.enqueue_dma source(%dma_start3A_206 : memref<640x128xf32, #tpu.memory_space<vmem_shared>>) target(%dma_start3A_204 : memref<640x128xf32, #tpu.memory_space<hbm>>) target_semaphore(%run_scoped3A : memref<!tpu.dma_semaphore, #tpu.memory_space<semaphore_mem>>)
      %dma_wait3A_207 = arith.constant 0 : i32
      %dma_wait3A_208 = tpu.memref_slice %arg7[%arg0, %mul3A_197, %dma_wait3A_207] : memref<2x10240x128xf32, #tpu.memory_space<hbm>> -> memref<1x640x128xf32, #tpu.memory_space<hbm>>
      %dma_wait3A_209 = tpu.memref_squeeze %dma_wait3A_208 : memref<1x640x128xf32, #tpu.memory_space<hbm>> -> memref<640x128xf32, #tpu.memory_space<hbm>>
      %dma_wait3A_210 = arith.constant 0 : i32
      %dma_wait3A_211 = tpu.memref_slice %arg20[%mul3A_195, %dma_wait3A_210] : memref<10240x128xf32, #tpu.memory_space<vmem_shared>> -> memref<640x128xf32, #tpu.memory_space<vmem_shared>>
      tpu.wait_dma2 semaphore(%run_scoped3A : memref<!tpu.dma_semaphore, #tpu.memory_space<semaphore_mem>>) src(%dma_wait3A_211 : memref<640x128xf32, #tpu.memory_space<vmem_shared>>) dst(%dma_wait3A_209 : memref<640x128xf32, #tpu.memory_space<hbm>>)
      tpu.yield
    }) : () -> ()
    %mul3A_198 = arith.constant 80 : i32
    %mul3A_199 = arith.muli %arg1, %mul3A_198 : i32
    %mul3A_200 = arith.constant 80 : i32
    %mul3A_201 = arith.muli %arg1, %mul3A_200 : i32
    "tpu.region"() ({
      %run_scoped3A = tpu.sem_alloc : memref<!tpu.dma_semaphore, #tpu.memory_space<semaphore_mem>>
      %dma_start3A_202 = arith.constant 0 : i32
      %dma_start3A_203 = tpu.memref_slice %arg8[%arg0, %mul3A_201, %dma_start3A_202] : memref<2x1280x128xf32, #tpu.memory_space<hbm>> -> memref<1x80x128xf32, #tpu.memory_space<hbm>>
      %dma_start3A_204 = tpu.memref_squeeze %dma_start3A_203 : memref<1x80x128xf32, #tpu.memory_space<hbm>> -> memref<80x128xf32, #tpu.memory_space<hbm>>
      %dma_start3A_205 = arith.constant 0 : i32
      %dma_start3A_206 = tpu.memref_slice %arg21[%mul3A_199, %dma_start3A_205] : memref<1280x128xf32, #tpu.memory_space<vmem_shared>> -> memref<80x128xf32, #tpu.memory_space<vmem_shared>>
      tpu.enqueue_dma source(%dma_start3A_206 : memref<80x128xf32, #tpu.memory_space<vmem_shared>>) target(%dma_start3A_204 : memref<80x128xf32, #tpu.memory_space<hbm>>) target_semaphore(%run_scoped3A : memref<!tpu.dma_semaphore, #tpu.memory_space<semaphore_mem>>)
      %dma_wait3A_207 = arith.constant 0 : i32
      %dma_wait3A_208 = tpu.memref_slice %arg8[%arg0, %mul3A_201, %dma_wait3A_207] : memref<2x1280x128xf32, #tpu.memory_space<hbm>> -> memref<1x80x128xf32, #tpu.memory_space<hbm>>
      %dma_wait3A_209 = tpu.memref_squeeze %dma_wait3A_208 : memref<1x80x128xf32, #tpu.memory_space<hbm>> -> memref<80x128xf32, #tpu.memory_space<hbm>>
      %dma_wait3A_210 = arith.constant 0 : i32
      %dma_wait3A_211 = tpu.memref_slice %arg21[%mul3A_199, %dma_wait3A_210] : memref<1280x128xf32, #tpu.memory_space<vmem_shared>> -> memref<80x128xf32, #tpu.memory_space<vmem_shared>>
      tpu.wait_dma2 semaphore(%run_scoped3A : memref<!tpu.dma_semaphore, #tpu.memory_space<semaphore_mem>>) src(%dma_wait3A_211 : memref<80x128xf32, #tpu.memory_space<vmem_shared>>) dst(%dma_wait3A_209 : memref<80x128xf32, #tpu.memory_space<hbm>>)
      tpu.yield
    }) : () -> ()
    return
  }
}

module attributes {stable_mosaic.version = 14 : i64} {
  func.func @_lin_body(%arg0: i32, %arg1: memref<1280x128xf32, #tpu.memory_space<vmem>>, %arg2: memref<128x128xf32, #tpu.memory_space<vmem>>, %arg3: memref<1x128xf32, #tpu.memory_space<vmem>>, %arg4: memref<128x128xf32, #tpu.memory_space<vmem>>, %arg5: memref<1x128xf32, #tpu.memory_space<vmem>>, %arg6: memref<1280x128xf32, #tpu.memory_space<vmem>>, %arg7: memref<1280x128xf32, #tpu.memory_space<vmem>>) attributes {dimension_semantics = [#tpu.dimension_semantics<arbitrary>], iteration_bounds = array<i64: 8>, scalar_prefetch = 0 : i64, scratch_operands = 0 : i64, tpu.core_type = #tpu.core_type<tc>, window_params = [{transform_indices = @transform_0, window_bounds = array<i64: 1280, 128>}, {pipeline_mode = #tpu.pipeline_mode<synchronous>, transform_indices = @transform_1, window_bounds = array<i64: 128, 128>}, {pipeline_mode = #tpu.pipeline_mode<synchronous>, transform_indices = @transform_2, window_bounds = array<i64: 1, 128>}, {pipeline_mode = #tpu.pipeline_mode<synchronous>, transform_indices = @transform_3, window_bounds = array<i64: 128, 128>}, {pipeline_mode = #tpu.pipeline_mode<synchronous>, transform_indices = @transform_4, window_bounds = array<i64: 1, 128>}, {transform_indices = @transform_5, window_bounds = array<i64: 1280, 128>}, {transform_indices = @transform_6, window_bounds = array<i64: 1280, 128>}]} {
    %get3A = arith.constant 0 : index
    %get3A_0 = arith.constant 0 : index
    %get3A_1 = vector.load %arg1[%get3A, %get3A_0] : memref<1280x128xf32, #tpu.memory_space<vmem>>, vector<1280x128xf32>
    %get3A_2 = arith.constant 0 : index
    %get3A_3 = arith.constant 0 : index
    %get3A_4 = vector.load %arg2[%get3A_2, %get3A_3] : memref<128x128xf32, #tpu.memory_space<vmem>>, vector<128x128xf32>
    %dot_general3A = arith.constant dense<0.000000e+00> : vector<1280x128xf32>
    %dot_general3A_5 = tpu.matmul %get3A_1, %get3A_4, %dot_general3A {dimension_numbers = #tpu.dot_dimension_numbers<[1], [0], [0], [1], [0, 0, 1, 1], [], []>, transpose_lhs_hint = false} : vector<1280x128xf32>, vector<128x128xf32>, vector<1280x128xf32> -> vector<1280x128xf32>
    %get3A_6 = arith.constant 0 : index
    %get3A_7 = arith.constant 0 : index
    %get3A_8 = vector.load %arg3[%get3A_6, %get3A_7] : memref<1x128xf32, #tpu.memory_space<vmem>>, vector<1x128xf32>
    %add3A = vector.broadcast %get3A_8 : vector<1x128xf32> to vector<1280x128xf32>
    %add3A_9 = arith.addf %dot_general3A_5, %add3A : vector<1280x128xf32>
    %swap3A = arith.constant 0 : index
    %swap3A_10 = arith.constant 0 : index
    %swap3A_11 = vector.load %arg6[%swap3A, %swap3A_10] : memref<1280x128xf32, #tpu.memory_space<vmem>>, vector<1280x128xf32>
    tpu.vector_store %arg6[%swap3A, %swap3A_10], %add3A_9 {strides = array<i32>} : memref<1280x128xf32, #tpu.memory_space<vmem>>, vector<1280x128xf32>,
    %get3A_12 = arith.constant 0 : index
    %get3A_13 = arith.constant 0 : index
    %get3A_14 = vector.load %arg4[%get3A_12, %get3A_13] : memref<128x128xf32, #tpu.memory_space<vmem>>, vector<128x128xf32>
    %dot_general3A_15 = arith.constant dense<0.000000e+00> : vector<1280x128xf32>
    %dot_general3A_16 = tpu.matmul %get3A_1, %get3A_14, %dot_general3A_15 {dimension_numbers = #tpu.dot_dimension_numbers<[1], [0], [0], [1], [0, 0, 1, 1], [], []>, transpose_lhs_hint = false} : vector<1280x128xf32>, vector<128x128xf32>, vector<1280x128xf32> -> vector<1280x128xf32>
    %get3A_17 = arith.constant 0 : index
    %get3A_18 = arith.constant 0 : index
    %get3A_19 = vector.load %arg5[%get3A_17, %get3A_18] : memref<1x128xf32, #tpu.memory_space<vmem>>, vector<1x128xf32>
    %add3A_20 = vector.broadcast %get3A_19 : vector<1x128xf32> to vector<1280x128xf32>
    %add3A_21 = arith.addf %dot_general3A_16, %add3A_20 : vector<1280x128xf32>
    %swap3A_22 = arith.constant 0 : index
    %swap3A_23 = arith.constant 0 : index
    %swap3A_24 = vector.load %arg7[%swap3A_22, %swap3A_23] : memref<1280x128xf32, #tpu.memory_space<vmem>>, vector<1280x128xf32>
    tpu.vector_store %arg7[%swap3A_22, %swap3A_23], %add3A_21 {strides = array<i32>} : memref<1280x128xf32, #tpu.memory_space<vmem>>, vector<1280x128xf32>,
    return
  }
  func.func @transform_0(%arg0: i32) -> (i32, i32) {
    %c0_i32 = arith.constant 0 : i32
    %c0_i32_0 = arith.constant 0 : i32
    return %arg0, %c0_i32 : i32, i32
  }
  func.func @transform_1(%arg0: i32) -> (i32, i32) {
    %c0_i32 = arith.constant 0 : i32
    %c0_i32_0 = arith.constant 0 : i32
    %c0_i32_1 = arith.constant 0 : i32
    return %c0_i32, %c0_i32_0 : i32, i32
  }
  func.func @transform_2(%arg0: i32) -> (i32, i32) {
    %c0_i32 = arith.constant 0 : i32
    %c0_i32_0 = arith.constant 0 : i32
    %c0_i32_1 = arith.constant 0 : i32
    return %c0_i32, %c0_i32_0 : i32, i32
  }
  func.func @transform_3(%arg0: i32) -> (i32, i32) {
    %c0_i32 = arith.constant 0 : i32
    %c0_i32_0 = arith.constant 0 : i32
    %c0_i32_1 = arith.constant 0 : i32
    return %c0_i32, %c0_i32_0 : i32, i32
  }
  func.func @transform_4(%arg0: i32) -> (i32, i32) {
    %c0_i32 = arith.constant 0 : i32
    %c0_i32_0 = arith.constant 0 : i32
    %c0_i32_1 = arith.constant 0 : i32
    return %c0_i32, %c0_i32_0 : i32, i32
  }
  func.func @transform_5(%arg0: i32) -> (i32, i32) {
    %c0_i32 = arith.constant 0 : i32
    %c0_i32_0 = arith.constant 0 : i32
    return %arg0, %c0_i32 : i32, i32
  }
  func.func @transform_6(%arg0: i32) -> (i32, i32) {
    %c0_i32 = arith.constant 0 : i32
    %c0_i32_0 = arith.constant 0 : i32
    return %arg0, %c0_i32 : i32, i32
  }
}

module attributes {stable_mosaic.version = 14 : i64} {
  func.func @_epi_body(%arg0: i32, %arg1: memref<2x1280x128xf32, #tpu.memory_space<vmem>>, %arg2: memref<2x1280x16xf32, #tpu.memory_space<vmem>>, %arg3: memref<1280x128xf32, #tpu.memory_space<vmem>>, %arg4: memref<1x128xf32, #tpu.memory_space<vmem>>, %arg5: memref<1x128xf32, #tpu.memory_space<vmem>>, %arg6: memref<1x128xf32, #tpu.memory_space<vmem>>, %arg7: memref<1280x128xf32, #tpu.memory_space<vmem>>) attributes {dimension_semantics = [#tpu.dimension_semantics<arbitrary>], iteration_bounds = array<i64: 8>, scalar_prefetch = 0 : i64, scratch_operands = 0 : i64, tpu.core_type = #tpu.core_type<tc>, window_params = [{transform_indices = @transform_0, window_bounds = array<i64: 2, 1280, 128>}, {transform_indices = @transform_1, window_bounds = array<i64: 2, 1280, 16>}, {transform_indices = @transform_2, window_bounds = array<i64: 1280, 128>}, {pipeline_mode = #tpu.pipeline_mode<synchronous>, transform_indices = @transform_3, window_bounds = array<i64: 1, 128>}, {pipeline_mode = #tpu.pipeline_mode<synchronous>, transform_indices = @transform_4, window_bounds = array<i64: 1, 128>}, {pipeline_mode = #tpu.pipeline_mode<synchronous>, transform_indices = @transform_5, window_bounds = array<i64: 1, 128>}, {transform_indices = @transform_6, window_bounds = array<i64: 1280, 128>}]} {
    %get3A = arith.constant 0 : index
    %get3A_0 = arith.constant 0 : index
    %get3A_1 = arith.constant 0 : index
    %get3A_2 = vector.load %arg1[%get3A, %get3A_0, %get3A_1] : memref<2x1280x128xf32, #tpu.memory_space<vmem>>, vector<2x1280x128xf32>
    %slice3A = vector.extract_strided_slice %get3A_2 {offsets = [0, 0, 0], sizes = [1, 1280, 128], strides = [1, 1, 1]} : vector<2x1280x128xf32> to vector<1x1280x128xf32>
    %squeeze3A = vector.shape_cast %slice3A : vector<1x1280x128xf32> to vector<1280x128xf32>
    %slice3A_3 = vector.extract_strided_slice %get3A_2 {offsets = [1, 0, 0], sizes = [1, 1280, 128], strides = [1, 1, 1]} : vector<2x1280x128xf32> to vector<1x1280x128xf32>
    %squeeze3A_4 = vector.shape_cast %slice3A_3 : vector<1x1280x128xf32> to vector<1280x128xf32>
    %add3A = arith.addf %squeeze3A, %squeeze3A_4 : vector<1280x128xf32>
    %get3A_5 = arith.constant 0 : index
    %get3A_6 = arith.constant 0 : index
    %get3A_7 = arith.constant 0 : index
    %get3A_8 = vector.load %arg2[%get3A_5, %get3A_6, %get3A_7] : memref<2x1280x16xf32, #tpu.memory_space<vmem>>, vector<2x1280x16xf32>
    %slice3A_9 = vector.extract_strided_slice %get3A_8 {offsets = [0, 0, 0], sizes = [1, 1280, 16], strides = [1, 1, 1]} : vector<2x1280x16xf32> to vector<1x1280x16xf32>
    %squeeze3A_10 = vector.shape_cast %slice3A_9 : vector<1x1280x16xf32> to vector<1280x16xf32>
    %slice3A_11 = vector.extract_strided_slice %get3A_8 {offsets = [1, 0, 0], sizes = [1, 1280, 16], strides = [1, 1, 1]} : vector<2x1280x16xf32> to vector<1x1280x16xf32>
    %squeeze3A_12 = vector.shape_cast %slice3A_11 : vector<1x1280x16xf32> to vector<1280x16xf32>
    %add3A_13 = arith.addf %squeeze3A_10, %squeeze3A_12 : vector<1280x16xf32>
    %iota3A = tpu.iota {dimensions = array<i32: 0>} : vector<16x128xi32>
    %iota3A_14 = tpu.iota {dimensions = array<i32: 1>} : vector<16x128xi32>
    %jit3A = arith.constant 32 : i32
    %div3A = vector.broadcast %jit3A : i32 to vector<16x128xi32>
    %div3A_15 = arith.divsi %iota3A_14, %div3A : vector<16x128xi32>
    %sign3A = arith.constant 0 : i32
    %sign3A_16 = vector.broadcast %sign3A : i32 to vector<16x128xi32>
    %sign3A_17 = arith.cmpi sgt, %iota3A_14, %sign3A_16 : vector<16x128xi32>
    %sign3A_18 = arith.extui %sign3A_17 : vector<16x128xi1> to vector<16x128xi32>
    %sign3A_19 = arith.constant 0 : i32
    %sign3A_20 = vector.broadcast %sign3A_19 : i32 to vector<16x128xi32>
    %sign3A_21 = arith.cmpi slt, %iota3A_14, %sign3A_20 : vector<16x128xi32>
    %sign3A_22 = arith.extui %sign3A_21 : vector<16x128xi1> to vector<16x128xi32>
    %sign3A_23 = arith.subi %sign3A_18, %sign3A_22 : vector<16x128xi32>
    %sign3A_24 = arith.constant 0 : i32
    %sign3A_25 = arith.cmpi sgt, %jit3A, %sign3A_24 : i32
    %sign3A_26 = arith.extui %sign3A_25 : i1 to i32
    %sign3A_27 = arith.constant 0 : i32
    %sign3A_28 = arith.cmpi slt, %jit3A, %sign3A_27 : i32
    %sign3A_29 = arith.extui %sign3A_28 : i1 to i32
    %sign3A_30 = arith.subi %sign3A_26, %sign3A_29 : i32
    %ne3A = vector.broadcast %sign3A_30 : i32 to vector<16x128xi32>
    %ne3A_31 = arith.cmpi ne, %sign3A_23, %ne3A : vector<16x128xi32>
    %rem3A = vector.broadcast %jit3A : i32 to vector<16x128xi32>
    %rem3A_32 = arith.remsi %iota3A_14, %rem3A : vector<16x128xi32>
    %ne3A_33 = arith.constant 0 : i32
    %ne3A_34 = vector.broadcast %ne3A_33 : i32 to vector<16x128xi32>
    %ne3A_35 = arith.cmpi ne, %rem3A_32, %ne3A_34 : vector<16x128xi32>
    %and3A = arith.andi %ne3A_31, %ne3A_35 : vector<16x128xi1>
    %sub3A = arith.constant 1 : i32
    %sub3A_36 = vector.broadcast %sub3A : i32 to vector<16x128xi32>
    %sub3A_37 = arith.subi %div3A_15, %sub3A_36 : vector<16x128xi32>
    %select_n3A = arith.select %and3A, %sub3A_37, %div3A_15 : vector<16x128xi1>, vector<16x128xi32>
    %eq3A = arith.cmpi eq, %select_n3A, %iota3A : vector<16x128xi32>
    %jit3A_38 = arith.constant 1.000000e+00 : f32
    %jit3A_39 = arith.constant 0.000000e+00 : f32
    %broadcast_in_dim3A = vector.broadcast %jit3A_38 : f32 to vector<16x128xf32>
    %broadcast_in_dim3A_40 = vector.broadcast %jit3A_39 : f32 to vector<16x128xf32>
    %select_n3A_41 = arith.select %eq3A, %broadcast_in_dim3A, %broadcast_in_dim3A_40 : vector<16x128xi1>, vector<16x128xf32>
    %dot_general3A = arith.constant dense<0.000000e+00> : vector<1280x128xf32>
    %dot_general3A_42 = tpu.matmul %add3A_13, %select_n3A_41, %dot_general3A {dimension_numbers = #tpu.dot_dimension_numbers<[1], [0], [0], [1], [0, 0, 1, 1], [], []>, transpose_lhs_hint = false} : vector<1280x16xf32>, vector<16x128xf32>, vector<1280x128xf32> -> vector<1280x128xf32>
    %add3A_43 = arith.constant 1.000000e-16 : f32
    %add3A_44 = vector.broadcast %add3A_43 : f32 to vector<1280x128xf32>
    %add3A_45 = arith.addf %dot_general3A_42, %add3A_44 : vector<1280x128xf32>
    %div3A_46 = arith.divf %add3A, %add3A_45 : vector<1280x128xf32>
    %get3A_47 = arith.constant 0 : index
    %get3A_48 = arith.constant 0 : index
    %get3A_49 = vector.load %arg4[%get3A_47, %get3A_48] : memref<1x128xf32, #tpu.memory_space<vmem>>, vector<1x128xf32>
    %add3A_50 = vector.broadcast %get3A_49 : vector<1x128xf32> to vector<1280x128xf32>
    %add3A_51 = arith.addf %div3A_46, %add3A_50 : vector<1280x128xf32>
    %get3A_52 = arith.constant 0 : index
    %get3A_53 = arith.constant 0 : index
    %get3A_54 = vector.load %arg3[%get3A_52, %get3A_53] : memref<1280x128xf32, #tpu.memory_space<vmem>>, vector<1280x128xf32>
    %add3A_55 = arith.addf %add3A_51, %get3A_54 : vector<1280x128xf32>
    %reduce_sum3A = arith.constant dense<0.000000e+00> : vector<1280xf32>
    %reduce_sum3A_56 = vector.multi_reduction <add>, %add3A_55, %reduce_sum3A [1] : vector<1280x128xf32> to vector<1280xf32>
    %broadcast_in_dim3A_57 = vector.shape_cast %reduce_sum3A_56 : vector<1280xf32> to vector<1280x1xf32>
    %div3A_58 = arith.constant 1.280000e+02 : f32
    %div3A_59 = vector.broadcast %div3A_58 : f32 to vector<1280x1xf32>
    %div3A_60 = arith.divf %broadcast_in_dim3A_57, %div3A_59 : vector<1280x1xf32>
    %sub3A_61 = vector.broadcast %div3A_60 : vector<1280x1xf32> to vector<1280x128xf32>
    %sub3A_62 = arith.subf %add3A_55, %sub3A_61 : vector<1280x128xf32>
    %mul3A = arith.mulf %sub3A_62, %sub3A_62 : vector<1280x128xf32>
    %reduce_sum3A_63 = arith.constant dense<0.000000e+00> : vector<1280xf32>
    %reduce_sum3A_64 = vector.multi_reduction <add>, %mul3A, %reduce_sum3A_63 [1] : vector<1280x128xf32> to vector<1280xf32>
    %broadcast_in_dim3A_65 = vector.shape_cast %reduce_sum3A_64 : vector<1280xf32> to vector<1280x1xf32>
    %div3A_66 = arith.constant 1.280000e+02 : f32
    %div3A_67 = vector.broadcast %div3A_66 : f32 to vector<1280x1xf32>
    %div3A_68 = arith.divf %broadcast_in_dim3A_65, %div3A_67 : vector<1280x1xf32>
    %add3A_69 = arith.constant 9.99999974E-6 : f32
    %add3A_70 = vector.broadcast %add3A_69 : f32 to vector<1280x1xf32>
    %add3A_71 = arith.addf %div3A_68, %add3A_70 : vector<1280x1xf32>
    %rsqrt3A = math.rsqrt %add3A_71 : vector<1280x1xf32>
    %mul3A_72 = vector.broadcast %rsqrt3A : vector<1280x1xf32> to vector<1280x128xf32>
    %mul3A_73 = arith.mulf %sub3A_62, %mul3A_72 : vector<1280x128xf32>
    %get3A_74 = arith.constant 0 : index
    %get3A_75 = arith.constant 0 : index
    %get3A_76 = vector.load %arg5[%get3A_74, %get3A_75] : memref<1x128xf32, #tpu.memory_space<vmem>>, vector<1x128xf32>
    %mul3A_77 = vector.broadcast %get3A_76 : vector<1x128xf32> to vector<1280x128xf32>
    %mul3A_78 = arith.mulf %mul3A_73, %mul3A_77 : vector<1280x128xf32>
    %get3A_79 = arith.constant 0 : index
    %get3A_80 = arith.constant 0 : index
    %get3A_81 = vector.load %arg6[%get3A_79, %get3A_80] : memref<1x128xf32, #tpu.memory_space<vmem>>, vector<1x128xf32>
    %add3A_82 = vector.broadcast %get3A_81 : vector<1x128xf32> to vector<1280x128xf32>
    %add3A_83 = arith.addf %mul3A_78, %add3A_82 : vector<1280x128xf32>
    %swap3A = arith.constant 0 : index
    %swap3A_84 = arith.constant 0 : index
    %swap3A_85 = vector.load %arg7[%swap3A, %swap3A_84] : memref<1280x128xf32, #tpu.memory_space<vmem>>, vector<1280x128xf32>
    tpu.vector_store %arg7[%swap3A, %swap3A_84], %add3A_83 {strides = array<i32>} : memref<1280x128xf32, #tpu.memory_space<vmem>>, vector<1280x128xf32>,
    return
  }
  func.func @transform_0(%arg0: i32) -> (i32, i32, i32) {
    %c0_i32 = arith.constant 0 : i32
    %c0_i32_0 = arith.constant 0 : i32
    %c0_i32_1 = arith.constant 0 : i32
    return %c0_i32, %arg0, %c0_i32_0 : i32, i32, i32
  }
  func.func @transform_1(%arg0: i32) -> (i32, i32, i32) {
    %c0_i32 = arith.constant 0 : i32
    %c0_i32_0 = arith.constant 0 : i32
    %c0_i32_1 = arith.constant 0 : i32
    return %c0_i32, %arg0, %c0_i32_0 : i32, i32, i32
  }
  func.func @transform_2(%arg0: i32) -> (i32, i32) {
    %c0_i32 = arith.constant 0 : i32
    %c0_i32_0 = arith.constant 0 : i32
    return %arg0, %c0_i32 : i32, i32
  }
  func.func @transform_3(%arg0: i32) -> (i32, i32) {
    %c0_i32 = arith.constant 0 : i32
    %c0_i32_0 = arith.constant 0 : i32
    %c0_i32_1 = arith.constant 0 : i32
    return %c0_i32, %c0_i32_0 : i32, i32
  }
  func.func @transform_4(%arg0: i32) -> (i32, i32) {
    %c0_i32 = arith.constant 0 : i32
    %c0_i32_0 = arith.constant 0 : i32
    %c0_i32_1 = arith.constant 0 : i32
    return %c0_i32, %c0_i32_0 : i32, i32
  }
  func.func @transform_5(%arg0: i32) -> (i32, i32) {
    %c0_i32 = arith.constant 0 : i32
    %c0_i32_0 = arith.constant 0 : i32
    %c0_i32_1 = arith.constant 0 : i32
    return %c0_i32, %c0_i32_0 : i32, i32
  }
  func.func @transform_6(%arg0: i32) -> (i32, i32) {
    %c0_i32 = arith.constant 0 : i32
    %c0_i32_0 = arith.constant 0 : i32
    return %arg0, %c0_i32 : i32, i32
  }
}

</mosaic_0001>

<sc_bundles>
// kernel: kernel.5.cloned.1.call-start
scs
__scs_entry_jumppad:
0x0: {  	(pc) =	sbr.rel $0x88, $3  }
0x1: {  	(tag) =	ssettag $0x0;
	lr =	simm.s32 $0x1  }
0x2: {  	[smem:$0x3F97] =	sst lr;
	_ =	strace $0xD0000000  }
0x3: {  	_ = 	snop  }
0x4: {  	_ = 	snop  }
0x5: {  	_ = 	snop  }
0x6: {  	_ = 	snop  }
0x7: {  	_ = 	snop  }
__scs_overlays_trampoline_lowered:
0x8: {  	[smem:$0x3FA6] =	sst s0  }
0x9: {  	[smem:$0x3FA7] =	sst s1  }
0xa: {  	[smem:$0x3FA8] =	sst s2  }
0xb: {  	[smem:$0x3FA9] =	sst s3  }
0xc: {  	[smem:$0x3FAA] =	sst s4  }
0xd: {  	[smem:$0x3FAB] =	sst s5  }
0xe: {  	[smem:$0x3FAC] =	sst s6  }
0xf: {  	[smem:$0x3FAD] =	sst s7  }
0x10: {  	[smem:$0x3FAE] =	sst s8  }
0x11: {  	[smem:$0x3FAF] =	sst s9;
	s0 =	simm.s32 @!p0 $0x0  }
0x12: {  	s1 =	sld [smem:$0x3F95];
	s0 =	simm.s32 @p0 $0x1  }
0x13: {  	[smem:$0x3FB0] =	sst s0;
	s0 =	simm.s32 @!p1 $0x0  }
0x14: {  	s2 =	sld [smem:$0x3F94];
	s0 =	simm.s32 @p1 $0x1  }
0x15: {  	[smem:$0x3FB1] =	sst s0;
	s0 =	simm.s32 @!p2 $0x0  }
0x16: {  	s3 =	sld [smem:$0x3FDB];
	s0 =	simm.s32 @p2 $0x1  }
0x17: {  	s4 =	simm.s32 $0x1BF5;
	[smem:$0x3FB3] =	sst s0  }
0x18: {  	s0 =	sld [smem:$0x3F96];
	_ =	swait.ge [sflag:s4], $0x0  }
0x19: {  	s7 =	sld [smem:$0x3F97]  }
0x1a: {  	s8 =	sadd.s32 $0xFFFFE003, lr  }
0x1b: {  	s9 =	sadd.s32 $0xFFFFFEF7, lr;
	s5 =	simm.s32 $0xFFFFFFFF;
	p2 =	slt.u32 s8, $0xFFFFF086  }
0x1c: {  	p1 =	slt.u32 s9, $0xF7A;
	s5 =	simm.s32 @!p2 $0x0  }
0x1d: {  	s5 =	simm.s32 @p1 $0x1;
	p0 =	seq.s32 s7, s2  }
0x1e: {  	s7 =	smul.u32 @!p0 $0xF7A, s2;
	p2 =	seq.s32 @!p0 s5, $0x0  }
0x1f: {  	s9 =	smul.u32 $0xF7A, s1;
	s8 =	simm.s32 @!p0 $0x1BF5;
	p2 =	por !p2, p0  }
0x20: {  	[sflag:s8] =	ssyncset.s32 @!p0 $0xFFFFF086;
	s6 =	sadd.s32 @!p0 s3, s7;
	s7 =	simm.s32 @!p0 $0x108  }
0x21: {  	s3 =	sadd.s32 s3, s9;
	s6 =	sadd.s32 @!p0 $0x88, s6;
	s7 =	simm.s32 @p2 $0x1082  }
0x22: {  	[simem:s7], [sflag:s8] =	dma.local @!p0 [hbm:s6], $0xF7A  }
0x23: {  	s9 =	sor.u32 $0xD0000000, s2;
	s6 =	simm.s32 $0x108;
	_ =	swait.ge @!p0 [sflag:s8], $0x0  }
0x24: {  	s3 =	sadd.s32 $0x88, s3;
	s6 =	simm.s32 @!p1 $0x1082;
	[sflag:s4] =	ssyncset.s32 $0xFFFFF086  }
0x25: {  	[simem:s6], [sflag:s4] =	dma.local [hbm:s3], $0xF7A  }
0x26: {  	[smem:$0x3F97] =	sst s1;
	(tag) =	ssettag s2;
	_ =	strace s9  }
0x27: {  	s1 =	sld [smem:$0x3FA7]  }
0x28: {  	s2 =	sld [smem:$0x3FA8]  }
0x29: {  	s4 =	sld [smem:$0x3FAA]  }
0x2a: {  	p0 =	seq.s32 s5, $0x0;
	s5 =	sld [smem:$0x3FAB]  }
0x2b: {  	s6 =	sld [smem:$0x3FAC]  }
0x2c: {  	s7 =	sld [smem:$0x3FAD]  }
0x2d: {  	s3 =	simm.s32 $0x108;
	s8 =	sld [smem:$0x3FAE]  }
0x2e: {  	s3 =	simm.s32 @!p0 $0x1082;
	s9 =	sld [smem:$0x3FAF]  }
0x2f: {  	lr =	sadd.s32 s0, s3;
	s0 =	sld [smem:$0x3FA6]  }
0x30: {  	s3 =	sld [smem:$0x3FA9]  }
0x31: {  	[smem:$0x3FB2] =	sst s10  }
0x32: {  	s10 =	sld [smem:$0x3FB0];
	_ =	sdelay $0x3  }
0x33: {  	p0 =	seq.s32 s10, $0x1;
	s10 =	sld [smem:$0x3FB2];
	_ =	sdelay $0x3  }
0x34: {  	[smem:$0x3FB2] =	sst s10  }
0x35: {  	s10 =	sld [smem:$0x3FB1];
	_ =	sdelay $0x3  }
0x36: {  	p1 =	seq.s32 s10, $0x1;
	s10 =	sld [smem:$0x3FB2];
	_ =	sdelay $0x3  }
0x37: {  	[smem:$0x3FB2] =	sst s10  }
0x38: {  	s10 =	sld [smem:$0x3FB3]  }
0x39: {  	_ = 	snop;
	(pc) =	sbr.ind lr, $3  }
0x3a: {  	_ = 	snop  }
0x3b: {  	_ = 	snop  }
0x3c: {  	p2 =	seq.s32 s10, $0x1;
	s10 =	sld [smem:$0x3FB2]  }
0x3d: {  	_ =	shalt  }
0x3e: {  	_ =	shalt  }
0x3f: {  	_ =	shalt  }
0x40: {  	_ =	shalt  }
0x41: {  	_ =	shalt  }
0x42: {  	_ =	shalt  }
0x43: {  	_ =	shalt  }
0x44: {  	_ =	shalt  }
0x45: {  	_ =	shalt  }
0x46: {  	_ =	shalt  }
0x47: {  	_ =	shalt  }
0x48: {  	_ =	shalt  }
0x49: {  	_ =	shalt  }
0x4a: {  	_ =	shalt  }
0x4b: {  	_ =	shalt  }
0x4c: {  	_ =	shalt  }
0x4d: {  	_ =	shalt  }
0x4e: {  	_ =	shalt  }
0x4f: {  	_ =	shalt  }
0x50: {  	_ =	shalt  }
0x51: {  	_ =	shalt  }
0x52: {  	_ =	shalt  }
0x53: {  	_ =	shalt  }
0x54: {  	_ =	shalt  }
0x55: {  	_ =	shalt  }
0x56: {  	_ =	shalt  }
0x57: {  	_ =	shalt  }
0x58: {  	_ =	shalt  }
0x59: {  	_ =	shalt  }
0x5a: {  	_ =	shalt  }
0x5b: {  	_ =	shalt  }
0x5c: {  	_ =	shalt  }
0x5d: {  	_ =	shalt  }
0x5e: {  	_ =	shalt  }
0x5f: {  	_ =	shalt  }
0x60: {  	_ =	shalt  }
0x61: {  	_ =	shalt  }
0x62: {  	_ =	shalt  }
0x63: {  	_ =	shalt  }
0x64: {  	_ =	shalt  }
0x65: {  	_ =	shalt  }
0x66: {  	_ =	shalt  }
0x67: {  	_ =	shalt  }
0x68: {  	_ =	shalt  }
0x69: {  	_ =	shalt  }
0x6a: {  	_ =	shalt  }
0x6b: {  	_ =	shalt  }
0x6c: {  	_ =	shalt  }
0x6d: {  	_ =	shalt  }
0x6e: {  	_ =	shalt  }
0x6f: {  	_ =	shalt  }
0x70: {  	_ =	shalt  }
0x71: {  	_ =	shalt  }
0x72: {  	_ =	shalt  }
0x73: {  	_ =	shalt  }
0x74: {  	_ =	shalt  }
0x75: {  	_ =	shalt  }
0x76: {  	_ =	shalt  }
0x77: {  	_ =	shalt  }
0x78: {  	_ =	shalt  }
0x79: {  	_ =	shalt  }
0x7a: {  	_ =	shalt  }
0x7b: {  	_ =	shalt  }
0x7c: {  	_ =	shalt  }
0x7d: {  	_ =	shalt  }
0x7e: {  	_ =	shalt  }
0x7f: {  	_ =	shalt  }
0x80: {  	_ =	shalt  }
0x81: {  	_ =	shalt  }
0x82: {  	_ =	shalt  }
0x83: {  	_ =	shalt  }
0x84: {  	_ =	shalt  }
0x85: {  	_ =	shalt  }
0x86: {  	_ =	shalt  }
0x87: {  	_ =	shalt  }
.Lfunc_end0:
.L_simem_size_0:
called_computation_lowered:
.L_overlay_start_0:
0x88: {  	s2 =	sld [smem:$0x3FD9]  }
0x89: {  	s3 =	sld [smem:$0x3FFE];
	_ =	sdelay $0x1  }
0x8a: {  	s1 =	srdreg.scid  }
0x8b: {  	s0 =	sand.u32 $0x1, s1  }
0x8c: {  	s17 =	sshll.u32 s0, $0xA;
	s2 =	sadd.s32 s3, s2  }
0x8d: {  	s2 =	sadd.s32 s2, s17  }
0x8e: {  	[smem:$0x3FBE] =	sst s2  }
0x8f: {  	_ = 	snop  }
0x90: {  	s2 =	sld [smem:$0x3FD0];
	(tm) =	ssettm $0x1  }
0x91: {  	s18 =	sld [smem:$0x3FFB];
	_ =	sdelay $0x3  }
0x92: {  	_ =	strace s18  }
0x93: {  	s3 =	sld [smem:$0x3FFC];
	_ =	sdelay $0x3  }
0x94: {  	_ =	strace s3  }
0x95: {  	s3 =	sld [smem:$0x3FFD];
	_ =	sdelay $0x3  }
0x96: {  	_ =	strace s3  }
0x97: {  	_ =	strace $0x8FFFFFFF  }
0x98: {  	s19 =	sld [smem:$0x3FDB];
	_ =	sdelay $0x1  }
0x99: {  	s4 =	simm.s32 $_scs_section_size  }
0x9a: {  	s5 =	simm.s32 $_size__tile_overlayer_lowered;
	s6 =	simm.s32 $_tile_overlayer_lowered  }
0x9b: {  	s22 =	simm.s32 $0x1BFF;
	s21 =	sshll.u32 s6, $0x1;
	s3 =	sadd.s32 s4, s19  }
0x9c: {  	s7 =	simm.s32 $0x0;
	s20 =	sshll.u32 s5, $0x1;
	s5 =	sadd.s32 s21, s3  }
0x9d: {  	[timem:s7], [sflag:s22] =	dma.local [hbm:s5], s20  }
0x9e: {  	_ =	swait.ge [sflag:s22], s20  }
0x9f: {  	s4 =	ssub.s32 $0x0, s20;
	[sflag:s22] =	ssyncset.done $0x0  }
0xa0: {  	[sflag:s22] =	ssyncadd.s32 s4;
	_ =	sdelay $0x1  }
0xa1: {  	s23 =	simm.s32 $0x1B8B  }
0xa2: {  	_ =	swait.ge [sflag:s23], $0x1  }
0xa3: {  	[sflag:s23] =	ssyncset.done $0x0  }
0xa4: {  	s25 =	simm.s32 $0x1B8E;
	s24 =	sld [smem:$0x3FFE];
	[sflag:s23] =	ssyncadd.s32 $0xFFFFFFFF  }
0xa5: {  	s26 =	simm.s32 $execute0_lowered;
	[smem:$0x3FD2] =	sst s25  }
0xa6: {  	s5 =	sshll.u32 s26, $0x1;
	_ =	strace $0x80000046;
	[dreg:$0x1] =	wrdreg $0xFFFFFFFF  }
0xa7: {  	s28 =	simm.s32 $_size_execute0_lowered;
	s3 =	sadd.s32 s3, s5;
	[dreg:$0x0] =	wrdreg $0x0  }
0xa8: {  	s5 =	sshll.u32 s28, $0x1;
	[dreg:$0x2] =	wrdreg s3  }
0xa9: {  	[dreg:$0x3] =	wrdreg s5  }
0xaa: {  	[dreg:$0x4] =	wrdreg $0xC0  }
0xab: {  	_ =	task [dreg:s7], $0x5FFFF  }
0xac: {  	[dreg:$0x1] =	wrdreg $0xFFFFFFFF  }
0xad: {  	[dreg:$0x0] =	wrdreg $0x60  }
0xae: {  	[dreg:$0x2] =	wrdreg s24  }
0xaf: {  	[dreg:$0x3] =	wrdreg s2  }
0xb0: {  	[dreg:$0x4] =	wrdreg $0x66800  }
0xb1: {  	[dreg:$0x5] =	wrdreg $0x1A6800  }
0xb2: {  	[dreg:$0x6] =	wrdreg $0x9  }
0xb3: {  	_ =	task.clear_ibuf [dreg:s7], $0x7FFFF;
	_ =	strace $0x90000046  }
0xb4: {  	s29 =	simm.s32 $0x9;
	_ =	strace $0x80000048  }
0xb5: {  	_ =	swait.ge [sflag:s29], $0x1  }
0xb6: {  	[sflag:s29] =	ssyncadd.s32 $0xFFFFFFFF  }
0xb7: {  	_ =	strace $0x90000048  }
0xb8: {  	_ =	sfence  }
0xb9: {  	s30 =	sld [smem:$0x0];
	_ =	sdelay $0x2  }
0xba: {  	s31 =	sshll.u32 s1, $0xD;
	s1 =	sshrl.u32 s1, $0x2  }
0xbb: {  	s3 =	sand.u32 $0x4000, s31;
	s1 =	sadd.s32 s1, s30  }
0xbc: {  	s0 =	sor.u32 s3, s0;
	s1 =	sshll.u32 s1, $0x11  }
0xbd: {  	s0 =	sor.u32 s1, s0  }
0xbe: {  	s0 =	sadd.s32 $0x8F2B, s0  }
0xbf: {  	[sflag:s0] =	ssyncadd.remote.s32 $0x1  }
0xc0: {  	_ =	sfence.sel $0xFFFF  }
0xc1: {  	[dreg:$0x0] =	wrdreg $0xFFFFFFFF;
	(pc) =	sbr.abs _section_cstart, $3  }
0xc2: {  	[dreg:$0x1] =	wrdreg $0xFFFFFFFF  }
0xc3: {  	_ =	task.clear_ibuf [dreg:s7], $0x2FFFF;
	_ =	strace $0x9FFFFFFF  }
0xc4: {  	(tm) =	ssettm $0x7FFFFFFF  }
0xc5: {  	_ =	shalt  }
tec
execute0_lowered:
.L_overlay_start_1:
0x0: {  	(tag) =	ssettag $0x1  }
0x1: {  	s0 =	rddreg [dreg:$0x0]  }
0x2: {  	s13 =	rddreg [dreg:$0x1]  }
0x3: {  	s2 =	rddreg [dreg:$0x2]  }
0x4: {  	s3 =	rddreg [dreg:$0x3]  }
0x5: {  	s1 =	srdreg.scid;
	s5 =	simm.s32 $0x0;
	s14 =	stileid.u32  }
0x6: {  	s29 =	simm.s32 $0x4;
	s30 =	simm.s32 $0x6;
	s15 =	smul.u32 $0x14000, s14  }
0x7: {  	s31 =	simm.s32 $0x2;
	s1 =	sand.u32 $0x1, s1;
	s16 =	smul.u32 $0x2800, s14  }
0x8: {  	[smem:$0x7FF] =	sst s5;
	s6 =	sadd.s32 $0x1D000, s0;
	s18 =	smul.u32 $0x50000, s14  }
0x9: {  	s7 =	sadd.s32 $0x45000, s0;
	s8 =	sadd.s32 $0x2000, s0;
	s12 =	smul.u32 $0xA000, s14  }
0xa: {  	s10 =	sadd.s32 $0x1E00, s0;
	s4 =	smul.u32 $0x140000, s1;
	_ =	strace $0x80000047  }
0xb: {  	s9 =	smul.u32 $0x28000, s1;
	[dreg:$0x5] =	wrdreg s10;
	s17 =	ssub.s32 $0x2, s1  }
0xc: {  	s1 =	sshll.u32 s1, $0x4;
	s11 =	sshrl.u32 s17, $0x1;
	s20 =	sshrl.u32 s18, $0x2  }
0xd: {  	s21 =	sshrl.u32 s12, $0x2;
	s5 =	sadd.s32 s16, s9;
	s9 =	sadd.s32 s20, s2  }
0xe: {  	s1 =	sor.u32 s14, s1;
	s16 =	sadd.s32 s21, s3;
	[dreg:$0x6] =	wrdreg s9  }
0xf: {  	s4 =	sadd.s32 s15, s4;
	s23 =	sadd.s32 $0x13800, s9;
	[dreg:$0x7] =	wrdreg s16  }
0x10: {  	s19 =	ssub.s32 s17, s11;
	s24 =	sadd.s32 $0x1800, s16;
	[dreg:$0x8] =	wrdreg s23  }
0x11: {  	s22 =	smul.u32 $0xD80, s1;
	s14 =	smax.u32 s19, $0x1;
	[dreg:$0x9] =	wrdreg s24  }
0x12: {  	s10 =	smul.u32 $0xD8, s1;
	s15 =	sadd.s32 $0x1800, s9;
	[dreg:$0x10] =	wrdreg s14  }
0x13: {  	s11 =	simm.s32 $0xA;
	s17 =	sadd.s32 $0x3000, s9;
	[dreg:$0x11] =	wrdreg s15  }
0x14: {  	s4 =	sshrl.u32 s4, $0x3;
	s18 =	sadd.s32 $0x4800, s9;
	[dreg:$0x12] =	wrdreg s17  }
0x15: {  	s5 =	sshrl.u32 s5, $0x3;
	s19 =	sadd.s32 $0x6000, s9;
	[dreg:$0x13] =	wrdreg s18  }
0x16: {  	s20 =	sadd.s32 $0x7800, s9;
	s21 =	sadd.s32 $0x9000, s9;
	[dreg:$0x14] =	wrdreg s19  }
0x17: {  	s4 =	sadd.s32 s4, s0;
	s0 =	sadd.s32 s5, s0;
	[dreg:$0x15] =	wrdreg s20  }
0x18: {  	s25 =	sor.u32 $0x20, s22;
	s26 =	sadd.s32 s13, s22;
	[dreg:$0x16] =	wrdreg s21  }
0x19: {  	s28 =	sadd.s32 s8, s22;
	s22 =	sadd.s32 $0xA800, s9;
	[dreg:$0xa] =	wrdreg s26  }
0x1a: {  	s23 =	sadd.s32 $0xC000, s9;
	s24 =	sadd.s32 $0xD800, s9;
	[dreg:$0xb] =	wrdreg s28  }
0x1b: {  	s18 =	simm.s32 $0xB;
	s14 =	simm.s32 $0x600;
	[dreg:$0x17] =	wrdreg s22  }
0x1c: {  	s15 =	simm.s32 $0x200;
	s17 =	simm.s32 $0x300;
	[dreg:$0x18] =	wrdreg s23  }
0x1d: {  	s19 =	simm.s32 $0x30;
	s12 =	sadd.s32 s13, s25;
	[dreg:$0x19] =	wrdreg s24  }
0x1e: {  	s20 =	simm.s32 $0x3600;
	s1 =	sadd.s32 s8, s25;
	[dreg:$0xc] =	wrdreg s12  }
0x1f: {  	s21 =	simm.s32 $0x3;
	s13 =	sadd.s32 $0x77000, s4;
	[dreg:$0xd] =	wrdreg s1  }
0x20: {  	s5 =	simm.s32 $0x0;
	s0 =	sadd.s32 $0x6D000, s0;
	[dreg:$0xe] =	wrdreg s13  }
.Ltmp0:
0x21: {  	s25 =	sadd.s32 $0xF000, s9;
	[dreg:$0xf] =	wrdreg s0;
	(pc) =	sbr.rel .LBB2_1-.Ltmp0, $4  }
0x22: {  	s26 =	sadd.s32 $0x10800, s9;
	s28 =	sadd.s32 $0x12000, s9;
	[dreg:$0x1a] =	wrdreg s25  }
0x23: {  	v0 =	vimm.f32 $0.0e+00;
	vm0 =	vcmask $0x300;
	vm15 =	vcmask $0x704;
	s23 =	simm.s32 $0x100;
	s22 =	simm.s32 $0x5;
	[dreg:$0x1b] =	wrdreg s26  }
0x24: {  	vm1 =	vcmask $0xB08;
	vm2 =	vcmask $0xF0C;
	v1 =	vsel vm0, $0x3F800000, v0;
	s24 =	simm.s32 $0x1E00;
	s4 =	simm.s32 $0x9;
	[dreg:$0x1c] =	wrdreg s28  }
0x25: {  	v2 =	vsel vm15, $0x3F800000, v0;
	v3 =	vsel vm1, $0x3F800000, v0;
	v4 =	vsel vm2, $0x3F800000, v0;
	s26 =	simm.s32 $0x4E00;
	s0 =	simm.s32 $0x7;
	s12 =	simm.s32 $0x8  }
.LBB2_14:
0x26: {  	_ =	swait.ge [sflag:s0], $0x1800  }
0x27: {  	[sflag:s0] =	ssyncset.done $0x0  }
0x28: {  	[sflag:s0] =	ssyncadd.s32 $0xFFFFE800  }
0x29: {  	_ =	swait.ge [sflag:s4], $0x1800  }
0x2a: {  	[sflag:s4] =	ssyncset.done $0x0  }
0x2b: {  	[sflag:s4] =	ssyncadd.s32 $0xFFFFE800  }
0x2c: {  	_ =	swait.ge [sflag:s12], $0x1800  }
0x2d: {  	[sflag:s12] =	ssyncset.done $0x0  }
0x2e: {  	[sflag:s12] =	ssyncadd.s32 $0xFFFFE800  }
0x2f: {  	_ =	swait.ge [sflag:s11], $0x1800  }
0x30: {  	[sflag:s11] =	ssyncset.done $0x0  }
0x31: {  	[sflag:s11] =	ssyncadd.s32 $0xFFFFE800  }
0x32: {  	s1 =	stileid.u32;
	[bflag:$0x0] =	sbarrier.arrive $0xFFFF  }
0x33: {  	s18 =	simm.s32 $0xB;
	s1 =	sshll.u32 s1, $0x6;
	s9 =	rddreg [dreg:$0x6]  }
0x34: {  	s1 =	sor.u32 $0x1C0B, s1;
	s13 =	rddreg [dreg:$0xe];
	s5 =	sshrl.u32 s9, $0x3  }
0x35: {  	[hbm:s13], [sflag:s1] =	dma.local [spmem:s5], $0x2800  }
0x36: {  	_ =	swait.ge [sflag:s18], $0x2800  }
0x37: {  	[sflag:s18] =	ssyncset.done $0x0;
	s16 =	rddreg [dreg:$0x7]  }
0x38: {  	s23 =	rddreg [dreg:$0xf];
	[sflag:s18] =	ssyncadd.s32 $0xFFFFD800;
	s13 =	sshrl.u32 s16, $0x3  }
0x39: {  	[hbm:s23], [sflag:s1] =	dma.local [spmem:s13], $0x500  }
0x3a: {  	_ =	swait.ge [sflag:s18], $0x500  }
0x3b: {  	s25 =	rddreg [dreg:$0x1d]  }
0x3c: {  	s28 =	rddreg [dreg:$0x10];
	s5 =	sadd.s32 $0x1, s25  }
0x3d: {  	p0 =	sne.s32 s5, s28  }
.Ltmp1:
0x3e: {  	_ = 	snop;
	(pc) =	sbr.rel @!p0 .LBB2_15-.Ltmp1, $3  }
0x3f: {  	_ =	sdelay $0x1  }
0x40: {  	[sflag:s18] =	ssyncset.done $0x0  }
0x41: {  	s23 =	simm.s32 $0x100;
	[sflag:s18] =	ssyncadd.s32 $0xFFFFFB00  }
.LBB2_1:
0x42: {  	[dreg:$0x1d] =	wrdreg s5  }
0x43: {  	s1 =	simm.s32 $0x0;
	s28 =	rddreg [dreg:$0x5];
	s13 =	simm.s32 $0x6600  }
0x44: {  	[tilespmem:s13], [sflag:$0xB] =	stream.linear.gather [hbm4b:s28+s1], $0x80, $0x38;
	[tilespmem:$0x1CE80] =	vst v63  }
0x45: {  	_ =	swait.ge [sflag:s18], $0x80  }
0x46: {  	[sflag:s18] =	ssyncset.done $0x0  }
0x47: {  	s5 =	simm.s32 $0x200;
	s1 =	simm.s32 $0x0;
	[sflag:s18] =	ssyncadd.s32 $0xFFFFFF80  }
.LBB2_2:
0x48: {  	p0 =	sne.s32 s5, $0x5E00;
	[tilespmem:s1+$0x670] =	vst v0  }
0x49: {  	[tilespmem:s1+$0x600] =	vst v0  }
0x4a: {  	[tilespmem:s1+$0x610] =	vst v0  }
.Ltmp2:
0x4b: {  	[tilespmem:s1+$0x620] =	vst v0;
	(pc) =	sbr.rel @p0 .LBB2_2-.Ltmp2, $4  }
0x4c: {  	[tilespmem:s1+$0x630] =	vst v0  }
0x4d: {  	[tilespmem:s1+$0x640] =	vst v0  }
0x4e: {  	[tilespmem:s1+$0x650] =	vst v0  }
0x4f: {  	[tilespmem:s1+$0x660] =	vst v0;
	s1 =	sshra.s32 s5, $0x2;
	s5 =	sadd.s32 $0x200, s5  }
0x50: {  	[tilespmem:s1+$0x670] =	vst v0  }
0x51: {  	[tilespmem:s1+$0x600] =	vst v0  }
0x52: {  	[tilespmem:s1+$0x610] =	vst v0  }
0x53: {  	[tilespmem:s1+$0x620] =	vst v0  }
0x54: {  	[tilespmem:s1+$0x630] =	vst v0  }
0x55: {  	[tilespmem:s1+$0x640] =	vst v0  }
0x56: {  	[tilespmem:s1+$0x650] =	vst v0  }
0x57: {  	[tilespmem:s1+$0x660] =	vst v0  }
0x58: {  	[spmem:s9] =	stream.linear.scatter [tilespmem:s14], [sflag:$0xB], $0x1800, $0x38;
	[tilespmem:$0x1CE80] =	vst v63  }
0x59: {  	_ =	swait.ge [sflag:s18], $0x1800  }
0x5a: {  	[sflag:s18] =	ssyncset.done $0x0  }
0x5b: {  	s25 =	rddreg [dreg:$0x11];
	[sflag:s18] =	ssyncadd.s32 $0xFFFFE800  }
0x5c: {  	[spmem:s25] =	stream.linear.scatter [tilespmem:s14], [sflag:$0xB], $0x1800, $0x38;
	[tilespmem:$0x1CE80] =	vst v63  }
0x5d: {  	_ =	swait.ge [sflag:s18], $0x1800  }
0x5e: {  	[sflag:s18] =	ssyncset.done $0x0  }
0x5f: {  	s5 =	rddreg [dreg:$0x12];
	[sflag:s18] =	ssyncadd.s32 $0xFFFFE800  }
0x60: {  	[spmem:s5] =	stream.linear.scatter [tilespmem:s14], [sflag:$0xB], $0x1800, $0x38;
	[tilespmem:$0x1CE80] =	vst v63  }
0x61: {  	_ =	swait.ge [sflag:s18], $0x1800  }
0x62: {  	[sflag:s18] =	ssyncset.done $0x0  }
0x63: {  	s9 =	rddreg [dreg:$0x13];
	[sflag:s18] =	ssyncadd.s32 $0xFFFFE800  }
0x64: {  	[spmem:s9] =	stream.linear.scatter [tilespmem:s14], [sflag:$0xB], $0x1800, $0x38;
	[tilespmem:$0x1CE80] =	vst v63  }
0x65: {  	_ =	swait.ge [sflag:s18], $0x1800  }
0x66: {  	[sflag:s18] =	ssyncset.done $0x0  }
0x67: {  	s13 =	rddreg [dreg:$0x14];
	[sflag:s18] =	ssyncadd.s32 $0xFFFFE800  }
0x68: {  	[spmem:s13] =	stream.linear.scatter [tilespmem:s14], [sflag:$0xB], $0x1800, $0x38;
	[tilespmem:$0x1CE80] =	vst v63  }
0x69: {  	_ =	swait.ge [sflag:s18], $0x1800  }
0x6a: {  	[sflag:s18] =	ssyncset.done $0x0  }
0x6b: {  	s25 =	rddreg [dreg:$0x15];
	[sflag:s18] =	ssyncadd.s32 $0xFFFFE800  }
0x6c: {  	[spmem:s25] =	stream.linear.scatter [tilespmem:s14], [sflag:$0xB], $0x1800, $0x38;
	[tilespmem:$0x1CE80] =	vst v63  }
0x6d: {  	_ =	swait.ge [sflag:s18], $0x1800  }
0x6e: {  	[sflag:s18] =	ssyncset.done $0x0  }
0x6f: {  	s5 =	rddreg [dreg:$0x16];
	[sflag:s18] =	ssyncadd.s32 $0xFFFFE800  }
0x70: {  	[spmem:s5] =	stream.linear.scatter [tilespmem:s14], [sflag:$0xB], $0x1800, $0x38;
	[tilespmem:$0x1CE80] =	vst v63  }
0x71: {  	_ =	swait.ge [sflag:s18], $0x1800  }
0x72: {  	[sflag:s18] =	ssyncset.done $0x0  }
0x73: {  	s9 =	rddreg [dreg:$0x17];
	[sflag:s18] =	ssyncadd.s32 $0xFFFFE800  }
0x74: {  	[spmem:s9] =	stream.linear.scatter [tilespmem:s14], [sflag:$0xB], $0x1800, $0x38;
	[tilespmem:$0x1CE80] =	vst v63  }
0x75: {  	_ =	swait.ge [sflag:s18], $0x1800  }
0x76: {  	[sflag:s18] =	ssyncset.done $0x0  }
0x77: {  	s13 =	rddreg [dreg:$0x18];
	[sflag:s18] =	ssyncadd.s32 $0xFFFFE800  }
0x78: {  	[spmem:s13] =	stream.linear.scatter [tilespmem:s14], [sflag:$0xB], $0x1800, $0x38;
	[tilespmem:$0x1CE80] =	vst v63  }
0x79: {  	_ =	swait.ge [sflag:s18], $0x1800  }
0x7a: {  	[sflag:s18] =	ssyncset.done $0x0  }
0x7b: {  	s25 =	rddreg [dreg:$0x19];
	[sflag:s18] =	ssyncadd.s32 $0xFFFFE800  }
0x7c: {  	[spmem:s25] =	stream.linear.scatter [tilespmem:s14], [sflag:$0xB], $0x1800, $0x38;
	[tilespmem:$0x1CE80] =	vst v63  }
0x7d: {  	_ =	swait.ge [sflag:s18], $0x1800  }
0x7e: {  	[sflag:s18] =	ssyncset.done $0x0  }
0x7f: {  	s5 =	rddreg [dreg:$0x1a];
	[sflag:s18] =	ssyncadd.s32 $0xFFFFE800  }
0x80: {  	[spmem:s5] =	stream.linear.scatter [tilespmem:s14], [sflag:$0xB], $0x1800, $0x38;
	[tilespmem:$0x1CE80] =	vst v63  }
0x81: {  	_ =	swait.ge [sflag:s18], $0x1800  }
0x82: {  	[sflag:s18] =	ssyncset.done $0x0  }
0x83: {  	s9 =	rddreg [dreg:$0x1b];
	[sflag:s18] =	ssyncadd.s32 $0xFFFFE800  }
0x84: {  	[spmem:s9] =	stream.linear.scatter [tilespmem:s14], [sflag:$0xB], $0x1800, $0x38;
	[tilespmem:$0x1CE80] =	vst v63  }
0x85: {  	_ =	swait.ge [sflag:s18], $0x1800  }
0x86: {  	[sflag:s18] =	ssyncset.done $0x0  }
0x87: {  	s13 =	rddreg [dreg:$0x1c];
	[sflag:s18] =	ssyncadd.s32 $0xFFFFE800  }
0x88: {  	[spmem:s13] =	stream.linear.scatter [tilespmem:s14], [sflag:$0xB], $0x1800, $0x38;
	[tilespmem:$0x1CE80] =	vst v63  }
0x89: {  	_ =	swait.ge [sflag:s18], $0x1800  }
0x8a: {  	[sflag:s18] =	ssyncset.done $0x0  }
0x8b: {  	s25 =	rddreg [dreg:$0x8];
	[sflag:s18] =	ssyncadd.s32 $0xFFFFE800  }
0x8c: {  	[spmem:s25] =	stream.linear.scatter [tilespmem:s14], [sflag:$0xB], $0x800, $0x38;
	[tilespmem:$0x1CE80] =	vst v63  }
0x8d: {  	_ =	swait.ge [sflag:s18], $0x800  }
0x8e: {  	[sflag:s18] =	ssyncset.done $0x0  }
0x8f: {  	[sflag:s18] =	ssyncadd.s32 $0xFFFFF800  }
0x90: {  	[spmem:s16] =	stream.linear.scatter [tilespmem:s14], [sflag:$0xB], $0x1800, $0x38;
	[tilespmem:$0x1CE80] =	vst v63  }
0x91: {  	_ =	swait.ge [sflag:s18], $0x1800  }
0x92: {  	[sflag:s18] =	ssyncset.done $0x0  }
0x93: {  	s5 =	rddreg [dreg:$0x9];
	[sflag:s18] =	ssyncadd.s32 $0xFFFFE800  }
0x94: {  	[spmem:s5] =	stream.linear.scatter [tilespmem:s14], [sflag:$0xB], $0x1000, $0x38;
	[tilespmem:$0x1CE80] =	vst v63  }
0x95: {  	_ =	swait.ge [sflag:s18], $0x1000  }
0x96: {  	[sflag:s18] =	ssyncset.done $0x0  }
0x97: {  	[sflag:s18] =	ssyncadd.s32 $0xFFFFF000  }
0x98: {  	[bflag:$0x0] =	sbarrier.arrive $0xFFFF  }
0x99: {  	s5 =	simm.s32 $0x0;
	s9 =	rddreg [dreg:$0xa]  }
0x9a: {  	[tilespmem:s5], [sflag:$0x1] =	stream.linear.gather [hbm4b:s9+s5], $0x100, $0x38;
	[tilespmem:$0x1CE80] =	vst v63  }
0x9b: {  	s13 =	rddreg [dreg:$0xb]  }
0x9c: {  	[tilespmem:s15], [sflag:$0x1] =	stream.linear.gather [hbm4b:s13+s5], $0x100, $0x38;
	[tilespmem:$0x1CE80] =	vst v63  }
0x9d: {  	s16 =	rddreg [dreg:$0xc]  }
0x9e: {  	[tilespmem:s23], [sflag:$0x2] =	stream.linear.gather [hbm4b:s16+s5], $0x100, $0x38;
	[tilespmem:$0x1CE80] =	vst v63  }
0x9f: {  	s25 =	simm.s32 $0x1;
	s18 =	rddreg [dreg:$0xd]  }
0xa0: {  	[tilespmem:s17], [sflag:$0x2] =	stream.linear.gather [hbm4b:s18+s5], $0x100, $0x38;
	[tilespmem:$0x1CE80] =	vst v63  }
0xa1: {  	_ =	swait.ge [sflag:s25], $0x100  }
0xa2: {  	[sflag:s25] =	ssyncset.done $0x0  }
0xa3: {  	[sflag:s25] =	ssyncadd.s32 $0xFFFFFF00  }
0xa4: {  	_ =	swait.ge [sflag:s25], $0x100  }
0xa5: {  	[sflag:s25] =	ssyncset.done $0x0  }
0xa6: {  	[sflag:s25] =	ssyncadd.s32 $0xFFFFFF00  }
0xa7: {  	v5 =	vld [tilespmem:$0x200]  }
0xa8: {  	v6 =	vld [tilespmem:$0x210]  }
0xa9: {  	v7 =	vld [tilespmem:$0x220]  }
0xaa: {  	v8 =	vld [tilespmem:$0x280]  }
0xab: {  	v9 =	vld [tilespmem:$0x290]  }
0xac: {  	v10 =	vld [tilespmem:$0x2A0];
	v5 =	vshrl.u32 v5, $0x3  }
0xad: {  	[tilespmem:$0x400] =	vst v5;
	v5 =	vshrl.u32 v6, $0x3  }
0xae: {  	[tilespmem:$0x410] =	vst v5;
	v5 =	vshrl.u32 v7, $0x3  }
0xaf: {  	[tilespmem:$0x420] =	vst v5;
	v5 =	vshrl.u32 v8, $0x3  }
0xb0: {  	[tilespmem:$0x480] =	vst v5;
	v5 =	vshrl.u32 v9, $0x3  }
0xb1: {  	[tilespmem:$0x490] =	vst v5;
	v5 =	vshrl.u32 v10, $0x3  }
0xb2: {  	[tilespmem:$0x4A0] =	vst v5  }
0xb3: {  	[tilespmem:s14], [sflag:$0x3] =	stream.indirect.gather [hbm4b:s6+s19], $0x80, s5, s19, $0xb8;
	[tilespmem:$0x1CE80] =	vst v63  }
0xb4: {  	s28 =	simm.s32 $0x0  }
0xb5: {  	[tilespmem:s20], [sflag:$0x5] =	stream.indirect.gather [hbm4b:s7+s19], $0x80, s15, s19, $0xb8;
	[tilespmem:$0x1CE80] =	vst v63  }
.LBB2_4:
0xb6: {  	_ =	swait.ge [sflag:s21], $0x1800  }
0xb7: {  	[sflag:s21] =	ssyncset.done $0x0  }
0xb8: {  	[sflag:s21] =	ssyncadd.s32 $0xFFFFE800  }
0xb9: {  	_ =	swait.ge [sflag:s22], $0x1800  }
0xba: {  	p0 =	seq.s32 s28, $0x0;
	[sflag:s22] =	ssyncset.done $0x0  }
0xbb: {  	s1 =	simm.s32 @!p0 $0x8;
	[sflag:s22] =	ssyncadd.s32 $0xFFFFE800  }
0xbc: {  	_ =	swait.ge @!p0 [sflag:s1], $0x1800  }
0xbd: {  	[sflag:s1] =	ssyncset.done @!p0 $0x0  }
0xbe: {  	[sflag:s1] =	ssyncadd.s32 @!p0 $0xFFFFE800;
	s1 =	simm.s32 @!p0 $0xA  }
0xbf: {  	_ =	swait.ge @!p0 [sflag:s1], $0x1800  }
0xc0: {  	[sflag:s1] =	ssyncset.done @!p0 $0x0  }
0xc1: {  	s16 =	simm.s32 $0x80;
	[sflag:s1] =	ssyncadd.s32 @!p0 $0xFFFFE800  }
0xc2: {  	[tilespmem:s24], [sflag:$0x4] =	stream.indirect.gather [hbm4b:s6+s19], $0x80, s16, s19, $0xb8;
	[tilespmem:$0x1CE80] =	vst v63  }
0xc3: {  	s18 =	simm.s32 $0x280  }
0xc4: {  	[tilespmem:s26], [sflag:$0x6] =	stream.indirect.gather [hbm4b:s7+s19], $0x80, s18, s19, $0xb8;
	[tilespmem:$0x1CE80] =	vst v63  }
0xc5: {  	s18 =	simm.s32 $0x3640  }
0xc6: {  	v5 =	vld [tilespmem:s18+$0xFFFFFFF0]  }
0xc7: {  	v6 =	vld [tilespmem:s18+$0x10]  }
0xc8: {  	v7 =	vld [tilespmem:s18+$0xFFFFFFD0]  }
0xc9: {  	v8 =	vld [tilespmem:s18+$0x0]  }
0xca: {  	v9 =	vld [tilespmem:s18+$0x20]  }
0xcb: {  	s13 =	simm.s32 $0x640;
	v10 =	vld [tilespmem:s18+$0xFFFFFFE0]  }
0xcc: {  	v11 =	vld [tilespmem:s13+$0xFFFFFFF0]  }
0xcd: {  	v12 =	vld [tilespmem:s13+$0x0]  }
0xce: {  	v13 =	vld [tilespmem:$0x6650]  }
0xcf: {  	v14 =	vld [tilespmem:s18+$0x30]  }
0xd0: {  	v15 =	vld [tilespmem:s13+$0x10]  }
0xd1: {  	v17 =	vld [tilespmem:s13+$0xFFFFFFC0]  }
0xd2: {  	v18 =	vld [tilespmem:s13+$0xFFFFFFD0]  }
0xd3: {  	v19 =	vld [tilespmem:s18+$0xFFFFFFC0]  }
0xd4: {  	v16 =	vld [tilespmem:$0x6640]  }
0xd5: {  	v20 =	vld [tilespmem:s13+$0xFFFFFFE0]  }
0xd6: {  	v21 =	vld [tilespmem:s13+$0x30];
	v8 =	vadd.f32 v8, v12  }
0xd7: {  	v24 =	vld [tilespmem:$0x6610];
	v6 =	vadd.f32 v6, v15;
	v7 =	vadd.f32 v7, v18  }
0xd8: {  	v49 =	vld [tilespmem:$0x6600];
	v19 =	vadd.f32 v19, v17;
	v22 =	vmul.f32 $2.000000030e-01, v8  }
0xd9: {  	v23 =	vld [tilespmem:s13+$0x20];
	v25 =	vmul.f32 $2.000000030e-01, v6;
	v50 =	vmul.f32 $2.000000030e-01, v7  }
0xda: {  	v5 =	vadd.f32 v5, v11;
	v10 =	vadd.f32 v10, v20;
	v51 =	vmul.f32 $2.000000030e-01, v19  }
0xdb: {  	v8 =	vmax.f32 v8, v22;
	v6 =	vmax.f32 v6, v25;
	v7 =	vmax.f32 v7, v50  }
0xdc: {  	v26 =	vld [tilespmem:$0x6630];
	v19 =	vmax.f32 v19, v51;
	v8 =	vmul.f32 v8, v16;
	v6 =	vmul.f32 v6, v13  }
0xdd: {  	v52 =	vld [tilespmem:$0x6620];
	v14 =	vadd.f32 v14, v21;
	v19 =	vmul.f32 v19, v49;
	v7 =	vmul.f32 v7, v24  }
0xde: {  	v54 =	vld [tilespmem:$0x6670];
	v9 =	vadd.f32 v9, v23;
	v6 =	vadd.f32 v6, v8  }
0xdf: {  	v55 =	vld [tilespmem:$0x6660];
	v27 =	vmul.f32 $2.000000030e-01, v5;
	v53 =	vmul.f32 $2.000000030e-01, v10;
	v7 =	vadd.f32 v7, v19  }
0xe0: {  	v56 =	vmul.f32 $2.000000030e-01, v14;
	(xrf2) =	vadd.scan.msk.f32 $0xffff, v6  }
0xe1: {  	v57 =	vmul.f32 $2.000000030e-01, v9;
	v5 =	vmax.f32 v5, v27;
	v8 =	vmax.f32 v10, v53;
	(xrf2) =	vadd.scan.msk.f32 $0xffff, v7  }
0xe2: {  	v5 =	vmul.f32 v5, v26;
	v8 =	vmul.f32 v8, v52  }
0xe3: {  	v9 =	vmax.f32 v9, v57;
	v6 =	vmax.f32 v14, v56  }
0xe4: {  	v5 =	vadd.f32 v5, v8;
	v7 =	vmul.f32 v9, v55;
	v6 =	vmul.f32 v6, v54;
	_ =	sdelay $0x1  }
0xe5: {  	v6 =	vadd.f32 v6, v7;
	(xrf2) =	vadd.scan.msk.f32 $0xffff, v5;
	_ =	sdelay $0x1  }
0xe6: {  	(xrf2) =	vadd.scan.msk.f32 $0xffff, v6;
	_ =	sdelay $0x1  }
0xe7: {  	v5, _, _ =	vpop (xrf2)  }
0xe8: {  	v6, _, _ =	vpop (xrf2)  }
0xe9: {  	v5 =	vmul.f32 $1.442695020e+00, v5;
	v6 =	vmul.f32 $1.442695020e+00, v6;
	_ =	sdelay $0x1  }
0xea: {  	v5 =	vbroadcast v5, $0xF;
	v6 =	vbroadcast v6, $0xF;
	_ =	sdelay $0x1  }
0xeb: {  	v7, _, _ =	vpop (xrf2);
	(erf) = vpow2.f32 v5  }
0xec: {  	v5 =	vmul.f32 $1.442695020e+00, v7  }
0xed: {  	(erf) = vpow2.f32 v6;
	v6, _, _ =	vpop (xrf2)  }
0xee: {  	v5 =	vbroadcast v5, $0xF;
	v6 =	vmul.f32 $1.442695020e+00, v6;
	_ =	sdelay $0x1  }
0xef: {  	(erf) = vpow2.f32 v5;
	v5 =	vbroadcast v6, $0xF;
	_ =	sdelay $0x1  }
0xf0: {  	(erf) = vpow2.f32 v5;
	_ =	sdelay $0x1  }
0xf1: {  	v6 =	vpop (erf)  }
0xf2: {  	v5 =	vmul.f32 v6, v12;
	v7 =	vmul.f32 v6, v15  }
0xf3: {  	v8 =	vpop (erf)  }
0xf4: {  	[tilespmem:s13+$0x0] =	vst v5;
	v5 =	vmul.f32 v8, v17  }
0xf5: {  	v58 =	vmul.f32 v8, v18  }
0xf6: {  	[tilespmem:s13+$0x10] =	vst v7;
	v7 =	vpop (erf)  }
0xf7: {  	s25 =	simm.s32 $0x0;
	[tilespmem:s13+$0xFFFFFFD0] =	vst v58;
	v59 =	vmul.f32 v7, v20  }
0xf8: {  	v61 =	vmov s25;
	v8 =	vmul.f32 v1, v8;
	[tilespmem:s13+$0xFFFFFFC0] =	vst v5;
	v60 =	vmul.f32 v7, v11;
	v5 =	vpop (erf)  }
0xf9: {  	v7 =	vmul.f32 v2, v7;
	[tilespmem:s13+$0xFFFFFFE0] =	vst v59;
	v62 =	vmul.f32 v5, v23  }
0xfa: {  	[tilespmem:s13+$0xFFFFFFF0] =	vst v60;
	v63 =	vmul.f32 v5, v21  }
0xfb: {  	v6 =	vmul.f32 v3, v6;
	v7 =	vadd.f32 v7, v8;
	[tilespmem:s13+$0x20] =	vst v62  }
0xfc: {  	[tilespmem:s13+$0x30] =	vst v63  }
0xfd: {  	s9 =	sshll.u32 s28, $0x2;
	s5 =	simm.s32 $0x1;
	s1 =	simm.s32 $0x3640;
	v6 =	vadd.f32 v6, v7;
	v7 =	vld.idx.msk [tilespmem:v61+s15+$0x0], $0xffff  }
.LBB2_5:
0xfe: {  	p0 =	sne.s32 s5, $0x2F;
	s13 =	sadd.s32 $0x80, s13;
	s18 =	sadd.s32 $0x80, s18  }
0xff: {  	s16 =	smov.u32 s5;
	s5 =	sadd.s32 $0x1, s5  }
0x100: {  	v5 =	vmul.f32 v4, v5;
	_ =	sdelay $0x1  }
0x101: {  	v5 =	vadd.f32 v5, v6;
	v6 =	vand.u32 $0x7, v7  }
0x102: {  	vm0 =	veq.s32 v6, $0x4;
	vm1 =	veq.s32 v6, $0x5;
	vm2 =	veq.s32 v6, $0x6  }
0x103: {  	v7 =	vnsel vm0, $0x0, v5;
	v8 =	vnsel vm1, $0x0, v5;
	v9 =	vnsel vm2, $0x0, v5  }
0x104: {  	vm0 =	veq.s32 v6, $0x0;
	vm1 =	veq.s32 v6, $0x1;
	vm2 =	veq.s32 v6, $0x2;
	[tilespmem:s1+$0x10] =	vst v8  }
0x105: {  	v8 =	vnsel vm0, $0x0, v5;
	v10 =	vnsel vm1, $0x0, v5;
	vm0 =	veq.s32 v6, $0x3;
	[tilespmem:s1+$0x0] =	vst v7  }
0x106: {  	v11 =	vnsel vm2, $0x0, v5;
	v12 =	vnsel vm0, $0x0, v5;
	vm0 =	veq.s32 v6, $0x7;
	v7 =	vld [tilespmem:s18+$0xFFFFFFF0];
	[tilespmem:s1+$0x20] =	vst v9  }
0x107: {  	v5 =	vnsel vm0, $0x0, v5;
	v6 =	vld [tilespmem:s18+$0x10];
	[tilespmem:s1+$0xFFFFFFD0] =	vst v10  }
0x108: {  	v9 =	vld [tilespmem:s18+$0xFFFFFFD0];
	[tilespmem:s1+$0xFFFFFFC0] =	vst v8  }
0x109: {  	v8 =	vld [tilespmem:s18+$0x0];
	[tilespmem:s1+$0xFFFFFFF0] =	vst v12  }
0x10a: {  	v10 =	vld [tilespmem:s18+$0x20];
	[tilespmem:s1+$0xFFFFFFE0] =	vst v11  }
0x10b: {  	v11 =	vld [tilespmem:s18+$0xFFFFFFE0];
	[tilespmem:s1+$0x30] =	vst v5;
	s1 =	smov.u32 s18  }
0x10c: {  	v5 =	vld [tilespmem:s13+$0xFFFFFFF0]  }
0x10d: {  	v12 =	vld [tilespmem:s13+$0x0]  }
0x10e: {  	v13 =	vld [tilespmem:$0x6630]  }
0x10f: {  	v14 =	vld [tilespmem:$0x6650]  }
0x110: {  	v15 =	vld [tilespmem:s18+$0x30]  }
0x111: {  	v16 =	vld [tilespmem:s13+$0x10]  }
0x112: {  	v17 =	vld [tilespmem:$0x6640]  }
0x113: {  	v18 =	vld [tilespmem:s13+$0xFFFFFFC0]  }
0x114: {  	v19 =	vld [tilespmem:s13+$0xFFFFFFD0]  }
0x115: {  	v8 =	vadd.f32 v8, v12;
	v20 =	vld [tilespmem:s18+$0xFFFFFFC0]  }
0x116: {  	v7 =	vadd.f32 v7, v5;
	v21 =	vld [tilespmem:s13+$0xFFFFFFE0];
	v6 =	vadd.f32 v6, v16  }
0x117: {  	v22 =	vmul.f32 $2.000000030e-01, v8;
	v23 =	vld [tilespmem:s13+$0x30]  }
0x118: {  	v24 =	vmul.f32 $2.000000030e-01, v7;
	v25 =	vmul.f32 $2.000000030e-01, v6;
	v26 =	vld [tilespmem:s13+$0x20]  }
0x119: {  	v8 =	vmax.f32 v8, v22;
	v9 =	vadd.f32 v9, v19;
	v27 =	vld [tilespmem:$0x6610]  }
0x11a: {  	v7 =	vmax.f32 v7, v24;
	v8 =	vmul.f32 v8, v17;
	v20 =	vadd.f32 v20, v18;
	v22 =	vld [tilespmem:$0x6600]  }
0x11b: {  	v6 =	vmax.f32 v6, v25;
	v17 =	vmul.f32 $2.000000030e-01, v9;
	v11 =	vadd.f32 v11, v21;
	v24 =	vld [tilespmem:$0x6620]  }
0x11c: {  	v6 =	vmul.f32 v6, v14;
	v25 =	vmul.f32 $2.000000030e-01, v20;
	v14 =	vadd.f32 v15, v23  }
0x11d: {  	v9 =	vmax.f32 v9, v17;
	v15 =	vmul.f32 $2.000000030e-01, v11;
	v10 =	vadd.f32 v10, v26  }
0x11e: {  	v6 =	vadd.f32 v6, v8;
	v17 =	vmax.f32 v20, v25;
	v20 =	vmul.f32 $2.000000030e-01, v14;
	v25 =	vld [tilespmem:$0x6670]  }
0x11f: {  	v9 =	vmul.f32 v9, v27;
	v8 =	vmul.f32 v17, v22;
	v11 =	vmax.f32 v11, v15;
	v15 =	vld [tilespmem:$0x6660]  }
0x120: {  	v7 =	vmul.f32 v7, v13;
	v11 =	vmul.f32 v11, v24;
	v13 =	vmax.f32 v14, v20;
	(xrf2) =	vadd.scan.msk.f32 $0xffff, v6  }
0x121: {  	v6 =	vmul.f32 $2.000000030e-01, v10;
	v8 =	vadd.f32 v9, v8  }
0x122: {  	v7 =	vadd.f32 v7, v11  }
0x123: {  	v6 =	vmax.f32 v10, v6;
	(xrf2) =	vadd.scan.msk.f32 $0xffff, v8  }
0x124: {  	v8 =	vmul.f32 v13, v25;
	v6 =	vmul.f32 v6, v15;
	_ =	sdelay $0x1  }
0x125: {  	v6 =	vadd.f32 v8, v6;
	(xrf2) =	vadd.scan.msk.f32 $0xffff, v7;
	_ =	sdelay $0x2  }
0x126: {  	(xrf2) =	vadd.scan.msk.f32 $0xffff, v6  }
0x127: {  	v6, _, _ =	vpop (xrf2)  }
0x128: {  	v6 =	vmul.f32 $1.442695020e+00, v6;
	_ =	sdelay $0x1  }
0x129: {  	v6 =	vbroadcast v6, $0xF;
	v7, _, _ =	vpop (xrf2)  }
0x12a: {  	v8 =	vmul.f32 $1.442695020e+00, v7  }
0x12b: {  	(erf) = vpow2.f32 v6  }
0x12c: {  	v6 =	vbroadcast v8, $0xF;
	v7, _, _ =	vpop (xrf2)  }
0x12d: {  	v8 =	vmul.f32 $1.442695020e+00, v7  }
0x12e: {  	(erf) = vpow2.f32 v6  }
0x12f: {  	v6 =	vbroadcast v8, $0xF;
	v7, _, _ =	vpop (xrf2)  }
0x130: {  	v7 =	vmul.f32 $1.442695020e+00, v7  }
0x131: {  	(erf) = vpow2.f32 v6  }
0x132: {  	v6 =	vbroadcast v7, $0xF;
	_ =	sdelay $0x1  }
0x133: {  	v7 =	vpop (erf);
	(erf) = vpow2.f32 v6  }
0x134: {  	v9 =	vmul.f32 v7, v12;
	v8 =	vmul.f32 v7, v16;
	_ =	sdelay $0x1  }
0x135: {  	[tilespmem:s13+$0x0] =	vst v9;
	v6 =	vpop (erf)  }
0x136: {  	v9 =	vmul.f32 v6, v18;
	v10 =	vmul.f32 v6, v19;
	[tilespmem:s13+$0x10] =	vst v8;
	_ =	sdelay $0x1  }
0x137: {  	[tilespmem:s13+$0xFFFFFFC0] =	vst v9;
	v8 =	vpop (erf)  }
0x138: {  	[tilespmem:s13+$0xFFFFFFD0] =	vst v10;
	v9 =	vmul.f32 v8, v21;
	v10 =	vmul.f32 v8, v5  }
0x139: {  	v6 =	vmul.f32 v1, v6;
	v8 =	vmul.f32 v2, v8  }
0x13a: {  	v7 =	vmul.f32 v3, v7;
	[tilespmem:s13+$0xFFFFFFE0] =	vst v9;
	v9 =	vmov s16;
	v5 =	vpop (erf)  }
.Ltmp3:
0x13b: {  	v6 =	vadd.f32 v8, v6;
	[tilespmem:s13+$0xFFFFFFF0] =	vst v10;
	v10 =	vmul.f32 v5, v26;
	v11 =	vmul.f32 v5, v23;
	(pc) =	sbr.rel @p0 .LBB2_5-.Ltmp3, $4  }
0x13c: {  	_ = 	snop  }
0x13d: {  	v6 =	vadd.f32 v7, v6;
	[tilespmem:s13+$0x20] =	vst v10  }
0x13e: {  	[tilespmem:s13+$0x30] =	vst v11  }
0x13f: {  	v7 =	vld.idx.msk [tilespmem:v9+s15+$0x0], $0xffff  }
0x140: {  	_ =	sdelay $0x1  }
0x141: {  	v5 =	vmul.f32 v4, v5;
	_ =	sdelay $0x1  }
0x142: {  	v5 =	vadd.f32 v5, v6;
	v6 =	vand.u32 $0x7, v7  }
0x143: {  	vm0 =	veq.s32 v6, $0x5  }
0x144: {  	vm1 =	veq.s32 v6, $0x4;
	v7 =	vnsel vm0, $0x0, v5  }
0x145: {  	vm10 =	veq.s32 v6, $0x6;
	v8 =	vnsel vm1, $0x0, v5;
	[tilespmem:s1+$0x10] =	vst v7  }
0x146: {  	vm11 =	veq.s32 v6, $0x1;
	v7 =	vnsel vm10, $0x0, v5;
	[tilespmem:s1+$0x0] =	vst v8  }
0x147: {  	vm12 =	veq.s32 v6, $0x0;
	v8 =	vnsel vm11, $0x0, v5;
	[tilespmem:s1+$0x20] =	vst v7  }
0x148: {  	vm13 =	veq.s32 v6, $0x3;
	v7 =	vnsel vm12, $0x0, v5;
	[tilespmem:s1+$0xFFFFFFD0] =	vst v8  }
0x149: {  	vm14 =	veq.s32 v6, $0x2;
	v8 =	vnsel vm13, $0x0, v5;
	[tilespmem:s1+$0xFFFFFFC0] =	vst v7  }
0x14a: {  	vm15 =	veq.s32 v6, $0x7;
	v7 =	vnsel vm14, $0x0, v5;
	[tilespmem:s1+$0xFFFFFFF0] =	vst v8  }
0x14b: {  	v5 =	vnsel vm15, $0x0, v5;
	[tilespmem:s1+$0xFFFFFFE0] =	vst v7  }
0x14c: {  	[tilespmem:s1+$0x30] =	vst v5  }
0x14d: {  	[spmem:s2] =	stream.indirect.scatter.add.f32 [tilespmem:s14], [sflag:$0x7], $0x80, s15, s19, $0xb8;
	[tilespmem:$0x1CE80] =	vst v63  }
0x14e: {  	s25 =	simm.s32 $0x400  }
0x14f: {  	[spmem:s3] =	stream.indirect.scatter.add.f32 [tilespmem:s20], [sflag:$0x9], $0x80, s25, s19, $0xb8;
	[tilespmem:$0x1CE80] =	vst v63  }
0x150: {  	_ =	swait.ge [sflag:s29], $0x1800  }
0x151: {  	[sflag:s29] =	ssyncset.done $0x0  }
0x152: {  	[sflag:s29] =	ssyncadd.s32 $0xFFFFE800  }
0x153: {  	_ =	swait.ge [sflag:s30], $0x1800  }
0x154: {  	[sflag:s30] =	ssyncset.done $0x0  }
0x155: {  	[sflag:s30] =	ssyncadd.s32 $0xFFFFE800  }
0x156: {  	_ =	swait.ge [sflag:s31], $0x100  }
0x157: {  	[sflag:s31] =	ssyncset.done $0x0  }
0x158: {  	[sflag:s31] =	ssyncadd.s32 $0xFFFFFF00  }
0x159: {  	_ =	swait.ge [sflag:s31], $0x100  }
0x15a: {  	[sflag:s31] =	ssyncset.done $0x0  }
0x15b: {  	[sflag:s31] =	ssyncadd.s32 $0xFFFFFF00  }
0x15c: {  	v5 =	vld [tilespmem:$0x300]  }
0x15d: {  	v6 =	vld [tilespmem:$0x310]  }
0x15e: {  	v7 =	vld [tilespmem:$0x320]  }
0x15f: {  	v8 =	vld [tilespmem:$0x380]  }
0x160: {  	v9 =	vld [tilespmem:$0x390]  }
0x161: {  	v10 =	vld [tilespmem:$0x3A0];
	v5 =	vshrl.u32 v5, $0x3  }
0x162: {  	[tilespmem:$0x500] =	vst v5;
	v5 =	vshrl.u32 v6, $0x3  }
0x163: {  	[tilespmem:$0x510] =	vst v5;
	v5 =	vshrl.u32 v7, $0x3  }
0x164: {  	[tilespmem:$0x520] =	vst v5;
	v5 =	vshrl.u32 v8, $0x3  }
0x165: {  	[tilespmem:$0x580] =	vst v5;
	v5 =	vshrl.u32 v9, $0x3  }
0x166: {  	[tilespmem:$0x590] =	vst v5;
	v5 =	vshrl.u32 v10, $0x3  }
0x167: {  	[tilespmem:$0x5A0] =	vst v5  }
0x168: {  	_ =	swait.ge [sflag:s0], $0x1800  }
0x169: {  	[sflag:s0] =	ssyncset.done $0x0  }
0x16a: {  	[sflag:s0] =	ssyncadd.s32 $0xFFFFE800  }
0x16b: {  	_ =	swait.ge [sflag:s4], $0x1800  }
0x16c: {  	[sflag:s4] =	ssyncset.done $0x0  }
0x16d: {  	[sflag:s4] =	ssyncadd.s32 $0xFFFFE800  }
0x16e: {  	[tilespmem:s14], [sflag:$0x3] =	stream.indirect.gather [hbm4b:s6+s19], $0x80, s23, s19, $0xb8;
	[tilespmem:$0x1CE80] =	vst v63  }
0x16f: {  	s13 =	simm.s32 $0x4E40  }
0x170: {  	[tilespmem:s20], [sflag:$0x5] =	stream.indirect.gather [hbm4b:s7+s19], $0x80, s17, s19, $0xb8;
	[tilespmem:$0x1CE80] =	vst v63  }
0x171: {  	v13 =	vld [tilespmem:s13+$0x30]  }
0x172: {  	v8 =	vld [tilespmem:s13+$0xFFFFFFD0]  }
0x173: {  	v11 =	vld [tilespmem:s13+$0x10]  }
0x174: {  	v14 =	vld [tilespmem:s13+$0xFFFFFFF0]  }
0x175: {  	v9 =	vld [tilespmem:s13+$0x0]  }
0x176: {  	v15 =	vld [tilespmem:s13+$0xFFFFFFC0]  }
0x177: {  	s18 =	simm.s32 $0x1E40;
	v16 =	vld [tilespmem:s13+$0xFFFFFFE0]  }
0x178: {  	v5 =	vld [tilespmem:s18+$0x0]  }
0x179: {  	v10 =	vld [tilespmem:s18+$0xFFFFFFC0]  }
0x17a: {  	v7 =	vld [tilespmem:s18+$0x10]  }
0x17b: {  	v12 =	vld [tilespmem:s18+$0xFFFFFFD0]  }
0x17c: {  	v17 =	vld [tilespmem:$0x6640]  }
0x17d: {  	v18 =	vld [tilespmem:$0x6610]  }
0x17e: {  	v6 =	vld [tilespmem:s18+$0xFFFFFFF0]  }
0x17f: {  	v20 =	vld [tilespmem:$0x6600]  }
0x180: {  	v22 =	vld [tilespmem:s13+$0x20]  }
0x181: {  	v25 =	vld [tilespmem:$0x6650];
	v15 =	vadd.f32 v15, v10;
	v23 =	vadd.f32 v8, v12  }
0x182: {  	v19 =	vadd.f32 v9, v5;
	v9 =	vld [tilespmem:s18+$0xFFFFFFE0];
	v24 =	vadd.f32 v11, v7  }
0x183: {  	v11 =	vld [tilespmem:s18+$0x20];
	v14 =	vadd.f32 v14, v6;
	v53 =	vmul.f32 $2.000000030e-01, v15;
	v26 =	vmul.f32 $2.000000030e-01, v23  }
0x184: {  	v8 =	vld [tilespmem:s18+$0x30];
	v21 =	vmul.f32 $2.000000030e-01, v19;
	v27 =	vmul.f32 $2.000000030e-01, v24  }
0x185: {  	v60 =	vmul.f32 $2.000000030e-01, v14;
	v15 =	vmax.f32 v15, v53;
	v55 =	vmax.f32 v23, v26  }
0x186: {  	v54 =	vld [tilespmem:$0x6630];
	v15 =	vmul.f32 v15, v20;
	v18 =	vmul.f32 v55, v18  }
0x187: {  	v56 =	vld [tilespmem:$0x6620];
	v19 =	vmax.f32 v19, v21;
	v57 =	vmax.f32 v24, v27;
	v16 =	vadd.f32 v16, v9  }
0x188: {  	v59 =	vld [tilespmem:$0x6670];
	v17 =	vmul.f32 v19, v17;
	v22 =	vadd.f32 v22, v11;
	v15 =	vadd.f32 v18, v15  }
0x189: {  	v61 =	vld [tilespmem:$0x6660];
	v13 =	vadd.f32 v13, v8;
	v20 =	vmul.f32 v57, v25;
	v58 =	vmul.f32 $2.000000030e-01, v16  }
0x18a: {  	v14 =	vmax.f32 v14, v60;
	v62 =	vmul.f32 $2.000000030e-01, v22;
	(xrf2) =	vadd.scan.msk.f32 $0xffff, v15  }
0x18b: {  	v63 =	vmul.f32 $2.000000030e-01, v13;
	v17 =	vadd.f32 v20, v17;
	v16 =	vmax.f32 v16, v58  }
0x18c: {  	v14 =	vmul.f32 v14, v54;
	v16 =	vmul.f32 v16, v56  }
0x18d: {  	v15 =	vmax.f32 v22, v62;
	v13 =	vmax.f32 v13, v63;
	(xrf2) =	vadd.scan.msk.f32 $0xffff, v17  }
0x18e: {  	v15 =	vmul.f32 v15, v61;
	v13 =	vmul.f32 v13, v59;
	v14 =	vadd.f32 v14, v16;
	_ =	sdelay $0x1  }
0x18f: {  	v13 =	vadd.f32 v13, v15;
	(xrf2) =	vadd.scan.msk.f32 $0xffff, v14;
	_ =	sdelay $0x2  }
0x190: {  	(xrf2) =	vadd.scan.msk.f32 $0xffff, v13  }
0x191: {  	v13, _, _ =	vpop (xrf2)  }
0x192: {  	v13 =	vmul.f32 $1.442695020e+00, v13;
	_ =	sdelay $0x1  }
0x193: {  	v14, _, _ =	vpop (xrf2);
	v13 =	vbroadcast v13, $0xF  }
0x194: {  	v14 =	vmul.f32 $1.442695020e+00, v14  }
0x195: {  	(erf) = vpow2.f32 v13  }
0x196: {  	v15, _, _ =	vpop (xrf2);
	v13 =	vbroadcast v14, $0xF  }
0x197: {  	v15 =	vmul.f32 $1.442695020e+00, v15  }
0x198: {  	(erf) = vpow2.f32 v13  }
0x199: {  	v14, _, _ =	vpop (xrf2);
	v15 =	vbroadcast v15, $0xF  }
0x19a: {  	v14 =	vmul.f32 $1.442695020e+00, v14  }
0x19b: {  	s16 =	simm.s32 $0x0;
	(erf) = vpow2.f32 v15  }
0x19c: {  	s5 =	simm.s32 $0x1E40;
	s1 =	simm.s32 $0x4E40;
	s25 =	simm.s32 $0x1;
	v13 =	vbroadcast v14, $0xF  }
.LBB2_7:
0x19d: {  	p0 =	sne.s32 s25, $0x2F;
	s18 =	sadd.s32 $0x80, s18;
	s13 =	sadd.s32 $0x80, s13  }
0x19e: {  	s23 =	smov.u32 s25;
	s25 =	sadd.s32 $0x1, s25;
	v14 =	vpop (erf);
	(erf) = vpow2.f32 v13  }
0x19f: {  	v13 =	vmul.f32 v14, v10;
	v12 =	vmul.f32 v14, v12;
	_ =	sdelay $0x1  }
0x1a0: {  	[tilespmem:s5+$0xFFFFFFC0] =	vst v13;
	v10 =	vpop (erf)  }
0x1a1: {  	[tilespmem:s5+$0xFFFFFFD0] =	vst v12;
	v5 =	vmul.f32 v10, v5;
	v7 =	vmul.f32 v10, v7  }
0x1a2: {  	v12 =	vmov s16;
	s16 =	smov.u32 s23  }
0x1a3: {  	v12 =	vand.u32 $0x7F, v12;
	[tilespmem:s5+$0x0] =	vst v5;
	v5 =	vmul.f32 v1, v14;
	v13 =	vpop (erf)  }
0x1a4: {  	v9 =	vmul.f32 v13, v9;
	v6 =	vmul.f32 v13, v6;
	[tilespmem:s5+$0x10] =	vst v7;
	v7 =	vor.u32 $0x80, v12  }
0x1a5: {  	v12 =	vmul.f32 v2, v13;
	v7 =	vbroadcast v7, $0x0  }
0x1a6: {  	[tilespmem:s5+$0xFFFFFFE0] =	vst v9;
	v9 =	vmul.f32 v3, v10;
	v10 =	vpop (erf)  }
0x1a7: {  	v5 =	vadd.f32 v12, v5;
	[tilespmem:s5+$0xFFFFFFF0] =	vst v6;
	v6 =	vmul.f32 v10, v11;
	v8 =	vmul.f32 v10, v8;
	_ =	sdelay $0x1  }
0x1a8: {  	v5 =	vadd.f32 v9, v5;
	[tilespmem:s5+$0x20] =	vst v6  }
0x1a9: {  	[tilespmem:s5+$0x30] =	vst v8;
	s5 =	smov.u32 s18  }
0x1aa: {  	v6 =	vld.idx.msk [tilespmem:v7+s15+$0x0], $0xffff;
	_ =	sdelay $0x3  }
0x1ab: {  	v7 =	vmul.f32 v4, v10;
	_ =	sdelay $0x1  }
0x1ac: {  	v5 =	vadd.f32 v7, v5;
	v6 =	vand.u32 $0x7, v6  }
0x1ad: {  	vm0 =	veq.s32 v6, $0x1;
	vm1 =	veq.s32 v6, $0x5;
	vm2 =	veq.s32 v6, $0x7  }
0x1ae: {  	v7 =	vnsel vm0, $0x0, v5;
	v8 =	vnsel vm1, $0x0, v5;
	v9 =	vnsel vm2, $0x0, v5  }
0x1af: {  	vm0 =	veq.s32 v6, $0x0;
	vm1 =	veq.s32 v6, $0x2;
	vm2 =	veq.s32 v6, $0x4;
	[tilespmem:s1+$0x30] =	vst v9  }
0x1b0: {  	v10 =	vnsel vm2, $0x0, v5;
	v9 =	vnsel vm0, $0x0, v5;
	v13 =	vld [tilespmem:s13+$0x30];
	[tilespmem:s1+$0xFFFFFFD0] =	vst v7;
	v7 =	vnsel vm1, $0x0, v5  }
0x1b1: {  	vm0 =	veq.s32 v6, $0x3;
	vm1 =	veq.s32 v6, $0x6;
	v11 =	vld [tilespmem:s13+$0xFFFFFFD0];
	[tilespmem:s1+$0x10] =	vst v8  }
0x1b2: {  	v6 =	vnsel vm0, $0x0, v5;
	v5 =	vnsel vm1, $0x0, v5;
	v8 =	vld [tilespmem:s13+$0x10];
	[tilespmem:s1+$0x0] =	vst v10  }
0x1b3: {  	v14 =	vld [tilespmem:s13+$0xFFFFFFF0];
	[tilespmem:s1+$0xFFFFFFC0] =	vst v9  }
0x1b4: {  	v9 =	vld [tilespmem:s13+$0x0];
	[tilespmem:s1+$0xFFFFFFE0] =	vst v7  }
0x1b5: {  	v15 =	vld [tilespmem:s13+$0xFFFFFFC0];
	[tilespmem:s1+$0xFFFFFFF0] =	vst v6  }
0x1b6: {  	v16 =	vld [tilespmem:s13+$0xFFFFFFE0];
	[tilespmem:s1+$0x20] =	vst v5;
	s1 =	smov.u32 s13  }
0x1b7: {  	v17 =	vld [tilespmem:$0x6630]  }
0x1b8: {  	v5 =	vld [tilespmem:s18+$0x0]  }
0x1b9: {  	v18 =	vld [tilespmem:$0x6650]  }
0x1ba: {  	v10 =	vld [tilespmem:s18+$0xFFFFFFC0]  }
0x1bb: {  	v7 =	vld [tilespmem:s18+$0x10]  }
0x1bc: {  	v12 =	vld [tilespmem:s18+$0xFFFFFFD0]  }
0x1bd: {  	v19 =	vadd.f32 v9, v5;
	v20 =	vld [tilespmem:$0x6640]  }
0x1be: {  	v21 =	vld [tilespmem:$0x6610]  }
0x1bf: {  	v6 =	vld [tilespmem:s18+$0xFFFFFFF0];
	v22 =	vmul.f32 $2.000000030e-01, v19  }
0x1c0: {  	v15 =	vadd.f32 v15, v10;
	v9 =	vld [tilespmem:s18+$0xFFFFFFE0];
	v23 =	vadd.f32 v8, v7  }
0x1c1: {  	v24 =	vld [tilespmem:$0x6600];
	v25 =	vadd.f32 v11, v12;
	v8 =	vmax.f32 v19, v22  }
0x1c2: {  	v11 =	vmul.f32 $2.000000030e-01, v15;
	v19 =	vmul.f32 $2.000000030e-01, v23;
	v22 =	vld [tilespmem:s13+$0x20]  }
0x1c3: {  	v20 =	vmul.f32 v8, v20;
	v26 =	vmul.f32 $2.000000030e-01, v25;
	v8 =	vld [tilespmem:s18+$0x30]  }
0x1c4: {  	v15 =	vmax.f32 v15, v11;
	v14 =	vadd.f32 v14, v6;
	v19 =	vmax.f32 v23, v19;
	v11 =	vld [tilespmem:s18+$0x20]  }
0x1c5: {  	v23 =	vmax.f32 v25, v26;
	v16 =	vadd.f32 v16, v9;
	v25 =	vld [tilespmem:$0x6620];
	v18 =	vmul.f32 v19, v18  }
0x1c6: {  	v15 =	vmul.f32 v15, v24;
	v19 =	vmul.f32 v23, v21  }
0x1c7: {  	v23 =	vmul.f32 $2.000000030e-01, v14;
	v21 =	vmul.f32 $2.000000030e-01, v16;
	v18 =	vadd.f32 v18, v20  }
0x1c8: {  	v13 =	vadd.f32 v13, v8;
	v20 =	vld [tilespmem:$0x6670];
	v15 =	vadd.f32 v19, v15  }
0x1c9: {  	v14 =	vmax.f32 v14, v23;
	v16 =	vmax.f32 v16, v21;
	v19 =	vadd.f32 v22, v11;
	v21 =	vld [tilespmem:$0x6660]  }
0x1ca: {  	v14 =	vmul.f32 v14, v17;
	v16 =	vmul.f32 v16, v25;
	(xrf2) =	vadd.scan.msk.f32 $0xffff, v15  }
0x1cb: {  	v17 =	vmul.f32 $2.000000030e-01, v13;
	v15 =	vmul.f32 $2.000000030e-01, v19  }
0x1cc: {  	v14 =	vadd.f32 v14, v16  }
0x1cd: {  	v13 =	vmax.f32 v13, v17;
	v15 =	vmax.f32 v19, v15;
	(xrf2) =	vadd.scan.msk.f32 $0xffff, v18  }
0x1ce: {  	v13 =	vmul.f32 v13, v20;
	v15 =	vmul.f32 v15, v21;
	_ =	sdelay $0x1  }
0x1cf: {  	v13 =	vadd.f32 v13, v15;
	(xrf2) =	vadd.scan.msk.f32 $0xffff, v14;
	_ =	sdelay $0x2  }
0x1d0: {  	(xrf2) =	vadd.scan.msk.f32 $0xffff, v13  }
0x1d1: {  	v13, _, _ =	vpop (xrf2)  }
0x1d2: {  	v13 =	vmul.f32 $1.442695020e+00, v13;
	_ =	sdelay $0x1  }
0x1d3: {  	v13 =	vbroadcast v13, $0xF;
	v14, _, _ =	vpop (xrf2)  }
0x1d4: {  	v15 =	vmul.f32 $1.442695020e+00, v14  }
0x1d5: {  	(erf) = vpow2.f32 v13  }
0x1d6: {  	v13 =	vbroadcast v15, $0xF;
	v14, _, _ =	vpop (xrf2)  }
0x1d7: {  	v15 =	vmul.f32 $1.442695020e+00, v14  }
.Ltmp4:
0x1d8: {  	(erf) = vpow2.f32 v13;
	(pc) =	sbr.rel @p0 .LBB2_7-.Ltmp4, $4  }
0x1d9: {  	v13 =	vbroadcast v15, $0xF;
	v14, _, _ =	vpop (xrf2)  }
0x1da: {  	v14 =	vmul.f32 $1.442695020e+00, v14  }
0x1db: {  	(erf) = vpow2.f32 v13  }
0x1dc: {  	v13 =	vbroadcast v14, $0xF  }
0x1dd: {  	_ = 	snop  }
0x1de: {  	(erf) = vpow2.f32 v13;
	_ =	sdelay $0x2  }
0x1df: {  	v37 =	vpop (erf)  }
0x1e0: {  	v10 =	vmul.f32 v37, v10;
	v14 =	vpop (erf)  }
0x1e1: {  	v15 =	vmov s16;
	v12 =	vmul.f32 v37, v12;
	v7 =	vmul.f32 v14, v7  }
0x1e2: {  	v38 =	vand.u32 $0x7F, v15;
	[tilespmem:s5+$0xFFFFFFC0] =	vst v10;
	v5 =	vmul.f32 v14, v5  }
0x1e3: {  	[tilespmem:s5+$0xFFFFFFD0] =	vst v12;
	v10 =	vor.u32 $0x80, v38;
	v39 =	vpop (erf)  }
0x1e4: {  	v40 =	vbroadcast v10, $0x0;
	[tilespmem:s5+$0x0] =	vst v5;
	v5 =	vmul.f32 v39, v9  }
0x1e5: {  	[tilespmem:s5+$0x10] =	vst v7;
	v6 =	vmul.f32 v39, v6;
	v7 =	vpop (erf)  }
0x1e6: {  	[tilespmem:s5+$0xFFFFFFE0] =	vst v5;
	v5 =	vmul.f32 v7, v11  }
0x1e7: {  	[tilespmem:s5+$0xFFFFFFF0] =	vst v6;
	v6 =	vmul.f32 v7, v8  }
0x1e8: {  	[tilespmem:s5+$0x20] =	vst v5  }
0x1e9: {  	v8 =	vmul.f32 v2, v39;
	v5 =	vmul.f32 v1, v37;
	[tilespmem:s5+$0x30] =	vst v6  }
0x1ea: {  	v6 =	vld.idx.msk [tilespmem:v40+s15+$0x0], $0xffff  }
0x1eb: {  	v41 =	vmul.f32 v3, v14;
	v5 =	vadd.f32 v8, v5;
	_ =	sdelay $0x1  }
0x1ec: {  	v7 =	vmul.f32 v4, v7;
	v5 =	vadd.f32 v41, v5;
	_ =	sdelay $0x1  }
0x1ed: {  	v5 =	vadd.f32 v7, v5;
	v6 =	vand.u32 $0x7, v6  }
0x1ee: {  	vm0 =	veq.s32 v6, $0x7;
	vm1 =	veq.s32 v6, $0x1  }
0x1ef: {  	vm10 =	veq.s32 v6, $0x5;
	vm11 =	veq.s32 v6, $0x4;
	v7 =	vnsel vm0, $0x0, v5  }
0x1f0: {  	vm12 =	veq.s32 v6, $0x0;
	vm14 =	veq.s32 v6, $0x3;
	v8 =	vnsel vm1, $0x0, v5;
	[tilespmem:s1+$0x30] =	vst v7  }
0x1f1: {  	vm13 =	veq.s32 v6, $0x2;
	vm15 =	veq.s32 v6, $0x6;
	v6 =	vnsel vm14, $0x0, v5;
	[tilespmem:s1+$0xFFFFFFD0] =	vst v8  }
0x1f2: {  	v7 =	vnsel vm10, $0x0, v5;
	[tilespmem:s1+$0xFFFFFFF0] =	vst v6  }
0x1f3: {  	v8 =	vnsel vm11, $0x0, v5;
	[tilespmem:s1+$0x10] =	vst v7  }
0x1f4: {  	v7 =	vnsel vm12, $0x0, v5;
	[tilespmem:s1+$0x0] =	vst v8  }
0x1f5: {  	v8 =	vnsel vm13, $0x0, v5;
	[tilespmem:s1+$0xFFFFFFC0] =	vst v7  }
0x1f6: {  	p0 =	seq.s32 s28, $0x35;
	v5 =	vnsel vm15, $0x0, v5;
	[tilespmem:s1+$0xFFFFFFE0] =	vst v8  }
0x1f7: {  	s13 =	simm.s32 $0x280;
	[tilespmem:s1+$0x20] =	vst v5;
	s1 =	sadd.s32 @!p0 $0x4, s9  }
0x1f8: {  	[spmem:s2] =	stream.indirect.scatter.add.f32 [tilespmem:s24], [sflag:$0x8], $0x80, s13, s19, $0xb8;
	[tilespmem:$0x1CE80] =	vst v63  }
0x1f9: {  	s5 =	sadd.s32 @!p0 s10, s1  }
0x1fa: {  	s16 =	simm.s32 $0x480;
	s1 =	sshll.u32 @!p0 s1, $0x4;
	s5 =	sshll.u32 @!p0 s5, $0x4  }
0x1fb: {  	[spmem:s3] =	stream.indirect.scatter.add.f32 [tilespmem:s26], [sflag:$0xA], $0x80, s16, s19, $0xb8;
	[tilespmem:$0x1CE80] =	vst v63  }
0x1fc: {  	s1 =	sand.u32 @!p0 $0x40, s1;
	s5 =	sand.u32 @!p0 $0xFFFFF80, s5  }
0x1fd: {  	s1 =	sor.u32 @!p0 s1, s5;
	s5 =	rddreg [dreg:$0x1]  }
0x1fe: {  	s13 =	simm.s32 @!p0 $0x0;
	s5 =	sadd.s32 @!p0 s5, s1  }
0x1ff: {  	[tilespmem:s13], [sflag:$0x1] =	stream.linear.gather @!p0 [hbm4b:s5+s13], $0x100, $0x38;
	[tilespmem:$0x1CE80] =	vst v63  }
0x200: {  	s1 =	sadd.s32 @!p0 s8, s1;
	s5 =	simm.s32 @!p0 $0x200  }
0x201: {  	[tilespmem:s5], [sflag:$0x1] =	stream.linear.gather @!p0 [hbm4b:s1+s13], $0x100, $0x38;
	[tilespmem:$0x1CE80] =	vst v63  }
0x202: {  	_ =	swait.ge [sflag:s21], $0x1800  }
0x203: {  	[sflag:s21] =	ssyncset.done $0x0  }
0x204: {  	[sflag:s21] =	ssyncadd.s32 $0xFFFFE800  }
0x205: {  	_ =	swait.ge [sflag:s22], $0x1800  }
0x206: {  	[sflag:s22] =	ssyncset.done $0x0  }
0x207: {  	[sflag:s22] =	ssyncadd.s32 $0xFFFFE800  }
0x208: {  	_ =	swait.ge [sflag:s12], $0x1800  }
0x209: {  	[sflag:s12] =	ssyncset.done $0x0  }
0x20a: {  	[sflag:s12] =	ssyncadd.s32 $0xFFFFE800  }
0x20b: {  	_ =	swait.ge [sflag:s11], $0x1800  }
0x20c: {  	[sflag:s11] =	ssyncset.done $0x0  }
0x20d: {  	s18 =	simm.s32 $0x180;
	[sflag:s11] =	ssyncadd.s32 $0xFFFFE800  }
0x20e: {  	[tilespmem:s24], [sflag:$0x4] =	stream.indirect.gather [hbm4b:s6+s19], $0x80, s18, s19, $0xb8;
	[tilespmem:$0x1CE80] =	vst v63  }
0x20f: {  	s23 =	simm.s32 $0x380;
	s18 =	simm.s32 $0x3640  }
0x210: {  	[tilespmem:s26], [sflag:$0x6] =	stream.indirect.gather [hbm4b:s7+s19], $0x80, s23, s19, $0xb8;
	[tilespmem:$0x1CE80] =	vst v63  }
0x211: {  	v5 =	vld [tilespmem:s18+$0xFFFFFFF0]  }
0x212: {  	v6 =	vld [tilespmem:s18+$0x10]  }
0x213: {  	v7 =	vld [tilespmem:s18+$0xFFFFFFD0]  }
0x214: {  	v8 =	vld [tilespmem:s18+$0x0]  }
0x215: {  	v42 =	vld [tilespmem:s18+$0x20]  }
0x216: {  	s13 =	simm.s32 $0x640;
	v43 =	vld [tilespmem:s18+$0xFFFFFFE0]  }
0x217: {  	v44 =	vld [tilespmem:s13+$0xFFFFFFF0]  }
0x218: {  	v45 =	vld [tilespmem:s13+$0x0]  }
0x219: {  	v46 =	vld [tilespmem:$0x6650]  }
0x21a: {  	v47 =	vld [tilespmem:s18+$0x30]  }
0x21b: {  	v48 =	vld [tilespmem:s13+$0x10]  }
0x21c: {  	v17 =	vld [tilespmem:s13+$0xFFFFFFC0]  }
0x21d: {  	v18 =	vld [tilespmem:s13+$0xFFFFFFD0]  }
0x21e: {  	v19 =	vld [tilespmem:s18+$0xFFFFFFC0]  }
0x21f: {  	v16 =	vld [tilespmem:$0x6640]  }
0x220: {  	v20 =	vld [tilespmem:s13+$0xFFFFFFE0]  }
0x221: {  	v21 =	vld [tilespmem:s13+$0x30];
	v8 =	vadd.f32 v8, v45  }
0x222: {  	v24 =	vld [tilespmem:$0x6610];
	v6 =	vadd.f32 v6, v48;
	v7 =	vadd.f32 v7, v18  }
0x223: {  	v49 =	vld [tilespmem:$0x6600];
	v19 =	vadd.f32 v19, v17;
	v22 =	vmul.f32 $2.000000030e-01, v8  }
0x224: {  	v23 =	vld [tilespmem:s13+$0x20];
	v25 =	vmul.f32 $2.000000030e-01, v6;
	v50 =	vmul.f32 $2.000000030e-01, v7  }
0x225: {  	v5 =	vadd.f32 v5, v44;
	v10 =	vadd.f32 v43, v20;
	v51 =	vmul.f32 $2.000000030e-01, v19  }
0x226: {  	v8 =	vmax.f32 v8, v22;
	v6 =	vmax.f32 v6, v25;
	v7 =	vmax.f32 v7, v50  }
0x227: {  	v26 =	vld [tilespmem:$0x6630];
	v19 =	vmax.f32 v19, v51;
	v8 =	vmul.f32 v8, v16;
	v6 =	vmul.f32 v6, v46  }
0x228: {  	v52 =	vld [tilespmem:$0x6620];
	v14 =	vadd.f32 v47, v21;
	v19 =	vmul.f32 v19, v49;
	v7 =	vmul.f32 v7, v24  }
0x229: {  	v54 =	vld [tilespmem:$0x6670];
	v9 =	vadd.f32 v42, v23;
	v6 =	vadd.f32 v6, v8  }
0x22a: {  	v55 =	vld [tilespmem:$0x6660];
	v27 =	vmul.f32 $2.000000030e-01, v5;
	v53 =	vmul.f32 $2.000000030e-01, v10;
	v7 =	vadd.f32 v7, v19  }
0x22b: {  	v56 =	vmul.f32 $2.000000030e-01, v14;
	(xrf2) =	vadd.scan.msk.f32 $0xffff, v6  }
0x22c: {  	v57 =	vmul.f32 $2.000000030e-01, v9;
	v5 =	vmax.f32 v5, v27;
	v8 =	vmax.f32 v10, v53;
	(xrf2) =	vadd.scan.msk.f32 $0xffff, v7  }
0x22d: {  	v5 =	vmul.f32 v5, v26;
	v8 =	vmul.f32 v8, v52  }
0x22e: {  	v9 =	vmax.f32 v9, v57;
	v6 =	vmax.f32 v14, v56  }
0x22f: {  	v5 =	vadd.f32 v5, v8;
	v7 =	vmul.f32 v9, v55;
	v6 =	vmul.f32 v6, v54;
	_ =	sdelay $0x1  }
0x230: {  	v6 =	vadd.f32 v6, v7;
	(xrf2) =	vadd.scan.msk.f32 $0xffff, v5;
	_ =	sdelay $0x1  }
0x231: {  	(xrf2) =	vadd.scan.msk.f32 $0xffff, v6;
	_ =	sdelay $0x1  }
0x232: {  	v5, _, _ =	vpop (xrf2)  }
0x233: {  	v6, _, _ =	vpop (xrf2)  }
0x234: {  	v5 =	vmul.f32 $1.442695020e+00, v5;
	v6 =	vmul.f32 $1.442695020e+00, v6;
	_ =	sdelay $0x1  }
0x235: {  	v5 =	vbroadcast v5, $0xF;
	v6 =	vbroadcast v6, $0xF;
	_ =	sdelay $0x1  }
0x236: {  	v7, _, _ =	vpop (xrf2);
	(erf) = vpow2.f32 v5  }
0x237: {  	v5 =	vmul.f32 $1.442695020e+00, v7  }
0x238: {  	(erf) = vpow2.f32 v6;
	v6, _, _ =	vpop (xrf2)  }
0x239: {  	v5 =	vbroadcast v5, $0xF;
	v6 =	vmul.f32 $1.442695020e+00, v6;
	_ =	sdelay $0x1  }
0x23a: {  	(erf) = vpow2.f32 v5;
	v5 =	vbroadcast v6, $0xF;
	_ =	sdelay $0x1  }
0x23b: {  	(erf) = vpow2.f32 v5;
	_ =	sdelay $0x1  }
0x23c: {  	v6 =	vpop (erf)  }
0x23d: {  	v5 =	vmul.f32 v6, v45;
	v7 =	vmul.f32 v6, v48  }
0x23e: {  	v8 =	vpop (erf)  }
0x23f: {  	[tilespmem:s13+$0x0] =	vst v5;
	v5 =	vmul.f32 v8, v17  }
0x240: {  	v58 =	vmul.f32 v8, v18  }
0x241: {  	[tilespmem:s13+$0x10] =	vst v7;
	v7 =	vpop (erf)  }
0x242: {  	s25 =	simm.s32 $0x0;
	[tilespmem:s13+$0xFFFFFFD0] =	vst v58;
	v59 =	vmul.f32 v7, v20  }
0x243: {  	v61 =	vmov s25;
	v8 =	vmul.f32 v1, v8;
	[tilespmem:s13+$0xFFFFFFC0] =	vst v5;
	v60 =	vmul.f32 v7, v44;
	v5 =	vpop (erf)  }
0x244: {  	v7 =	vmul.f32 v2, v7;
	[tilespmem:s13+$0xFFFFFFE0] =	vst v59;
	v62 =	vmul.f32 v5, v23  }
0x245: {  	[tilespmem:s13+$0xFFFFFFF0] =	vst v60;
	v63 =	vmul.f32 v5, v21  }
0x246: {  	v6 =	vmul.f32 v3, v6;
	v7 =	vadd.f32 v7, v8;
	[tilespmem:s13+$0x20] =	vst v62  }
0x247: {  	[tilespmem:s13+$0x30] =	vst v63  }
0x248: {  	s5 =	simm.s32 $0x1;
	s1 =	simm.s32 $0x3640;
	v6 =	vadd.f32 v6, v7;
	v7 =	vld.idx.msk [tilespmem:v61+s17+$0x0], $0xffff  }
.LBB2_9:
0x249: {  	p1 =	sne.s32 s5, $0x2F;
	s13 =	sadd.s32 $0x80, s13;
	s18 =	sadd.s32 $0x80, s18  }
0x24a: {  	s16 =	smov.u32 s5;
	s5 =	sadd.s32 $0x1, s5  }
0x24b: {  	v5 =	vmul.f32 v4, v5;
	_ =	sdelay $0x1  }
0x24c: {  	v5 =	vadd.f32 v5, v6;
	v6 =	vand.u32 $0x7, v7  }
0x24d: {  	vm0 =	veq.s32 v6, $0x4;
	vm1 =	veq.s32 v6, $0x5;
	vm2 =	veq.s32 v6, $0x6  }
0x24e: {  	v7 =	vnsel vm0, $0x0, v5;
	v8 =	vnsel vm1, $0x0, v5;
	v9 =	vnsel vm2, $0x0, v5  }
0x24f: {  	vm0 =	veq.s32 v6, $0x0;
	vm1 =	veq.s32 v6, $0x1;
	vm2 =	veq.s32 v6, $0x2;
	[tilespmem:s1+$0x10] =	vst v8  }
0x250: {  	v8 =	vnsel vm0, $0x0, v5;
	v10 =	vnsel vm1, $0x0, v5;
	vm0 =	veq.s32 v6, $0x3;
	[tilespmem:s1+$0x0] =	vst v7  }
0x251: {  	v11 =	vnsel vm2, $0x0, v5;
	v12 =	vnsel vm0, $0x0, v5;
	vm0 =	veq.s32 v6, $0x7;
	v7 =	vld [tilespmem:s18+$0xFFFFFFF0];
	[tilespmem:s1+$0x20] =	vst v9  }
0x252: {  	v5 =	vnsel vm0, $0x0, v5;
	v6 =	vld [tilespmem:s18+$0x10];
	[tilespmem:s1+$0xFFFFFFD0] =	vst v10  }
0x253: {  	v9 =	vld [tilespmem:s18+$0xFFFFFFD0];
	[tilespmem:s1+$0xFFFFFFC0] =	vst v8  }
0x254: {  	v8 =	vld [tilespmem:s18+$0x0];
	[tilespmem:s1+$0xFFFFFFF0] =	vst v12  }
0x255: {  	v10 =	vld [tilespmem:s18+$0x20];
	[tilespmem:s1+$0xFFFFFFE0] =	vst v11  }
0x256: {  	v11 =	vld [tilespmem:s18+$0xFFFFFFE0];
	[tilespmem:s1+$0x30] =	vst v5;
	s1 =	smov.u32 s18  }
0x257: {  	v5 =	vld [tilespmem:s13+$0xFFFFFFF0]  }
0x258: {  	v12 =	vld [tilespmem:s13+$0x0]  }
0x259: {  	v13 =	vld [tilespmem:$0x6630]  }
0x25a: {  	v14 =	vld [tilespmem:$0x6650]  }
0x25b: {  	v15 =	vld [tilespmem:s18+$0x30]  }
0x25c: {  	v16 =	vld [tilespmem:s13+$0x10]  }
0x25d: {  	v17 =	vld [tilespmem:$0x6640]  }
0x25e: {  	v18 =	vld [tilespmem:s13+$0xFFFFFFC0]  }
0x25f: {  	v19 =	vld [tilespmem:s13+$0xFFFFFFD0]  }
0x260: {  	v8 =	vadd.f32 v8, v12;
	v20 =	vld [tilespmem:s18+$0xFFFFFFC0]  }
0x261: {  	v7 =	vadd.f32 v7, v5;
	v21 =	vld [tilespmem:s13+$0xFFFFFFE0];
	v6 =	vadd.f32 v6, v16  }
0x262: {  	v22 =	vmul.f32 $2.000000030e-01, v8;
	v23 =	vld [tilespmem:s13+$0x30]  }
0x263: {  	v24 =	vmul.f32 $2.000000030e-01, v7;
	v25 =	vmul.f32 $2.000000030e-01, v6;
	v26 =	vld [tilespmem:s13+$0x20]  }
0x264: {  	v8 =	vmax.f32 v8, v22;
	v9 =	vadd.f32 v9, v19;
	v27 =	vld [tilespmem:$0x6610]  }
0x265: {  	v7 =	vmax.f32 v7, v24;
	v8 =	vmul.f32 v8, v17;
	v20 =	vadd.f32 v20, v18;
	v22 =	vld [tilespmem:$0x6600]  }
0x266: {  	v6 =	vmax.f32 v6, v25;
	v17 =	vmul.f32 $2.000000030e-01, v9;
	v11 =	vadd.f32 v11, v21;
	v24 =	vld [tilespmem:$0x6620]  }
0x267: {  	v6 =	vmul.f32 v6, v14;
	v25 =	vmul.f32 $2.000000030e-01, v20;
	v14 =	vadd.f32 v15, v23  }
0x268: {  	v9 =	vmax.f32 v9, v17;
	v15 =	vmul.f32 $2.000000030e-01, v11;
	v10 =	vadd.f32 v10, v26  }
0x269: {  	v6 =	vadd.f32 v6, v8;
	v17 =	vmax.f32 v20, v25;
	v20 =	vmul.f32 $2.000000030e-01, v14;
	v25 =	vld [tilespmem:$0x6670]  }
0x26a: {  	v9 =	vmul.f32 v9, v27;
	v8 =	vmul.f32 v17, v22;
	v11 =	vmax.f32 v11, v15;
	v15 =	vld [tilespmem:$0x6660]  }
0x26b: {  	v7 =	vmul.f32 v7, v13;
	v11 =	vmul.f32 v11, v24;
	v13 =	vmax.f32 v14, v20;
	(xrf2) =	vadd.scan.msk.f32 $0xffff, v6  }
0x26c: {  	v6 =	vmul.f32 $2.000000030e-01, v10;
	v8 =	vadd.f32 v9, v8  }
0x26d: {  	v7 =	vadd.f32 v7, v11  }
0x26e: {  	v6 =	vmax.f32 v10, v6;
	(xrf2) =	vadd.scan.msk.f32 $0xffff, v8  }
0x26f: {  	v8 =	vmul.f32 v13, v25;
	v6 =	vmul.f32 v6, v15;
	_ =	sdelay $0x1  }
0x270: {  	v6 =	vadd.f32 v8, v6;
	(xrf2) =	vadd.scan.msk.f32 $0xffff, v7;
	_ =	sdelay $0x2  }
0x271: {  	(xrf2) =	vadd.scan.msk.f32 $0xffff, v6  }
0x272: {  	v6, _, _ =	vpop (xrf2)  }
0x273: {  	v6 =	vmul.f32 $1.442695020e+00, v6;
	_ =	sdelay $0x1  }
0x274: {  	v6 =	vbroadcast v6, $0xF;
	v7, _, _ =	vpop (xrf2)  }
0x275: {  	v8 =	vmul.f32 $1.442695020e+00, v7  }
0x276: {  	(erf) = vpow2.f32 v6  }
0x277: {  	v6 =	vbroadcast v8, $0xF;
	v7, _, _ =	vpop (xrf2)  }
0x278: {  	v8 =	vmul.f32 $1.442695020e+00, v7  }
0x279: {  	(erf) = vpow2.f32 v6  }
0x27a: {  	v6 =	vbroadcast v8, $0xF;
	v7, _, _ =	vpop (xrf2)  }
0x27b: {  	v7 =	vmul.f32 $1.442695020e+00, v7  }
0x27c: {  	(erf) = vpow2.f32 v6  }
0x27d: {  	v6 =	vbroadcast v7, $0xF;
	_ =	sdelay $0x1  }
0x27e: {  	v7 =	vpop (erf);
	(erf) = vpow2.f32 v6  }
0x27f: {  	v9 =	vmul.f32 v7, v12;
	v8 =	vmul.f32 v7, v16;
	_ =	sdelay $0x1  }
0x280: {  	[tilespmem:s13+$0x0] =	vst v9;
	v6 =	vpop (erf)  }
0x281: {  	v9 =	vmul.f32 v6, v18;
	v10 =	vmul.f32 v6, v19;
	[tilespmem:s13+$0x10] =	vst v8;
	_ =	sdelay $0x1  }
0x282: {  	[tilespmem:s13+$0xFFFFFFC0] =	vst v9;
	v8 =	vpop (erf)  }
0x283: {  	[tilespmem:s13+$0xFFFFFFD0] =	vst v10;
	v9 =	vmul.f32 v8, v21;
	v10 =	vmul.f32 v8, v5  }
0x284: {  	v6 =	vmul.f32 v1, v6;
	v8 =	vmul.f32 v2, v8  }
0x285: {  	v7 =	vmul.f32 v3, v7;
	[tilespmem:s13+$0xFFFFFFE0] =	vst v9;
	v9 =	vmov s16;
	v5 =	vpop (erf)  }
.Ltmp5:
0x286: {  	v6 =	vadd.f32 v8, v6;
	[tilespmem:s13+$0xFFFFFFF0] =	vst v10;
	v10 =	vmul.f32 v5, v26;
	v11 =	vmul.f32 v5, v23;
	(pc) =	sbr.rel @p1 .LBB2_9-.Ltmp5, $4  }
0x287: {  	_ = 	snop  }
0x288: {  	v6 =	vadd.f32 v7, v6;
	[tilespmem:s13+$0x20] =	vst v10  }
0x289: {  	[tilespmem:s13+$0x30] =	vst v11  }
0x28a: {  	v7 =	vld.idx.msk [tilespmem:v9+s17+$0x0], $0xffff  }
0x28b: {  	_ =	sdelay $0x1  }
0x28c: {  	v5 =	vmul.f32 v4, v5;
	_ =	sdelay $0x1  }
0x28d: {  	v5 =	vadd.f32 v5, v6;
	v6 =	vand.u32 $0x7, v7  }
0x28e: {  	vm0 =	veq.s32 v6, $0x5  }
0x28f: {  	vm1 =	veq.s32 v6, $0x4;
	v7 =	vnsel vm0, $0x0, v5  }
0x290: {  	vm10 =	veq.s32 v6, $0x6;
	v8 =	vnsel vm1, $0x0, v5;
	[tilespmem:s1+$0x10] =	vst v7  }
0x291: {  	vm11 =	veq.s32 v6, $0x1;
	v7 =	vnsel vm10, $0x0, v5;
	[tilespmem:s1+$0x0] =	vst v8  }
0x292: {  	vm12 =	veq.s32 v6, $0x0;
	v8 =	vnsel vm11, $0x0, v5;
	[tilespmem:s1+$0x20] =	vst v7  }
0x293: {  	vm13 =	veq.s32 v6, $0x3;
	v7 =	vnsel vm12, $0x0, v5;
	[tilespmem:s1+$0xFFFFFFD0] =	vst v8  }
0x294: {  	vm14 =	veq.s32 v6, $0x2;
	v8 =	vnsel vm13, $0x0, v5;
	[tilespmem:s1+$0xFFFFFFC0] =	vst v7  }
0x295: {  	vm15 =	veq.s32 v6, $0x7;
	v7 =	vnsel vm14, $0x0, v5;
	[tilespmem:s1+$0xFFFFFFF0] =	vst v8  }
0x296: {  	v5 =	vnsel vm15, $0x0, v5;
	[tilespmem:s1+$0xFFFFFFE0] =	vst v7  }
0x297: {  	[tilespmem:s1+$0x30] =	vst v5  }
0x298: {  	[spmem:s2] =	stream.indirect.scatter.add.f32 [tilespmem:s14], [sflag:$0x7], $0x80, s17, s19, $0xb8;
	[tilespmem:$0x1CE80] =	vst v63  }
0x299: {  	s25 =	simm.s32 $0x500  }
0x29a: {  	[spmem:s3] =	stream.indirect.scatter.add.f32 [tilespmem:s20], [sflag:$0x9], $0x80, s25, s19, $0xb8;
	[tilespmem:$0x1CE80] =	vst v63  }
0x29b: {  	_ =	swait.ge [sflag:s29], $0x1800  }
0x29c: {  	[sflag:s29] =	ssyncset.done $0x0  }
0x29d: {  	[sflag:s29] =	ssyncadd.s32 $0xFFFFE800  }
0x29e: {  	_ =	swait.ge [sflag:s30], $0x1800  }
0x29f: {  	[sflag:s30] =	ssyncset.done $0x0  }
0x2a0: {  	s1 =	simm.s32 @!p0 $0x1;
	[sflag:s30] =	ssyncadd.s32 $0xFFFFE800  }
0x2a1: {  	_ =	swait.ge @!p0 [sflag:s1], $0x100  }
0x2a2: {  	[sflag:s1] =	ssyncset.done @!p0 $0x0  }
0x2a3: {  	[sflag:s1] =	ssyncadd.s32 @!p0 $0xFFFFFF00  }
0x2a4: {  	_ =	swait.ge @!p0 [sflag:s1], $0x100  }
0x2a5: {  	[sflag:s1] =	ssyncset.done @!p0 $0x0  }
0x2a6: {  	[sflag:s1] =	ssyncadd.s32 @!p0 $0xFFFFFF00  }
0x2a7: {  	v5 =	vld @!p0 [tilespmem:$0x200]  }
0x2a8: {  	v6 =	vld @!p0 [tilespmem:$0x210]  }
0x2a9: {  	v7 =	vld @!p0 [tilespmem:$0x220]  }
0x2aa: {  	v8 =	vld @!p0 [tilespmem:$0x280]  }
0x2ab: {  	v9 =	vld @!p0 [tilespmem:$0x290]  }
0x2ac: {  	v10 =	vld @!p0 [tilespmem:$0x2A0];
	v5 =	vshrl.u32 @!p0 v5, $0x3  }
0x2ad: {  	[tilespmem:$0x400] =	vst @!p0 v5;
	v5 =	vshrl.u32 @!p0 v6, $0x3  }
0x2ae: {  	[tilespmem:$0x410] =	vst @!p0 v5;
	v5 =	vshrl.u32 @!p0 v7, $0x3  }
0x2af: {  	[tilespmem:$0x420] =	vst @!p0 v5;
	v5 =	vshrl.u32 @!p0 v8, $0x3  }
0x2b0: {  	[tilespmem:$0x480] =	vst @!p0 v5;
	v5 =	vshrl.u32 @!p0 v9, $0x3  }
0x2b1: {  	[tilespmem:$0x490] =	vst @!p0 v5;
	v5 =	vshrl.u32 @!p0 v10, $0x3  }
0x2b2: {  	s1 =	simm.s32 @!p0 $0x7;
	[tilespmem:$0x4A0] =	vst @!p0 v5  }
0x2b3: {  	_ =	swait.ge @!p0 [sflag:s1], $0x1800  }
0x2b4: {  	[sflag:s1] =	ssyncset.done @!p0 $0x0  }
0x2b5: {  	[sflag:s1] =	ssyncadd.s32 @!p0 $0xFFFFE800;
	s1 =	simm.s32 @!p0 $0x9  }
0x2b6: {  	_ =	swait.ge @!p0 [sflag:s1], $0x1800  }
0x2b7: {  	s5 =	simm.s32 @!p0 $0x0;
	[sflag:s1] =	ssyncset.done @!p0 $0x0  }
0x2b8: {  	s13 =	simm.s32 @!p0 $0x600;
	[sflag:s1] =	ssyncadd.s32 @!p0 $0xFFFFE800;
	s1 =	simm.s32 @!p0 $0x30  }
0x2b9: {  	[tilespmem:s13], [sflag:$0x3] =	stream.indirect.gather @!p0 [hbm4b:s6+s1], $0x80, s5, s1, $0xb8;
	[tilespmem:$0x1CE80] =	vst v63  }
0x2ba: {  	s5 =	simm.s32 @!p0 $0x200;
	s13 =	simm.s32 @!p0 $0x3600  }
0x2bb: {  	[tilespmem:s13], [sflag:$0x5] =	stream.indirect.gather @!p0 [hbm4b:s7+s1], $0x80, s5, s1, $0xb8;
	[tilespmem:$0x1CE80] =	vst v63  }
0x2bc: {  	s13 =	simm.s32 $0x4E40  }
0x2bd: {  	v13 =	vld [tilespmem:s13+$0x30]  }
0x2be: {  	v8 =	vld [tilespmem:s13+$0xFFFFFFD0]  }
0x2bf: {  	v11 =	vld [tilespmem:s13+$0x10]  }
0x2c0: {  	v14 =	vld [tilespmem:s13+$0xFFFFFFF0]  }
0x2c1: {  	v9 =	vld [tilespmem:s13+$0x0]  }
0x2c2: {  	v15 =	vld [tilespmem:s13+$0xFFFFFFC0]  }
0x2c3: {  	s18 =	simm.s32 $0x1E40;
	v16 =	vld [tilespmem:s13+$0xFFFFFFE0]  }
0x2c4: {  	v5 =	vld [tilespmem:s18+$0x0]  }
0x2c5: {  	v10 =	vld [tilespmem:s18+$0xFFFFFFC0]  }
0x2c6: {  	v7 =	vld [tilespmem:s18+$0x10]  }
0x2c7: {  	v12 =	vld [tilespmem:s18+$0xFFFFFFD0]  }
0x2c8: {  	v17 =	vld [tilespmem:$0x6640]  }
0x2c9: {  	v18 =	vld [tilespmem:$0x6610]  }
0x2ca: {  	v6 =	vld [tilespmem:s18+$0xFFFFFFF0]  }
0x2cb: {  	v20 =	vld [tilespmem:$0x6600]  }
0x2cc: {  	v22 =	vld [tilespmem:s13+$0x20]  }
0x2cd: {  	v25 =	vld [tilespmem:$0x6650];
	v15 =	vadd.f32 v15, v10;
	v23 =	vadd.f32 v8, v12  }
0x2ce: {  	v19 =	vadd.f32 v9, v5;
	v9 =	vld [tilespmem:s18+$0xFFFFFFE0];
	v24 =	vadd.f32 v11, v7  }
0x2cf: {  	v11 =	vld [tilespmem:s18+$0x20];
	v14 =	vadd.f32 v14, v6;
	v53 =	vmul.f32 $2.000000030e-01, v15;
	v26 =	vmul.f32 $2.000000030e-01, v23  }
0x2d0: {  	v8 =	vld [tilespmem:s18+$0x30];
	v21 =	vmul.f32 $2.000000030e-01, v19;
	v27 =	vmul.f32 $2.000000030e-01, v24  }
0x2d1: {  	v60 =	vmul.f32 $2.000000030e-01, v14;
	v15 =	vmax.f32 v15, v53;
	v55 =	vmax.f32 v23, v26  }
0x2d2: {  	v54 =	vld [tilespmem:$0x6630];
	v15 =	vmul.f32 v15, v20;
	v18 =	vmul.f32 v55, v18  }
0x2d3: {  	v56 =	vld [tilespmem:$0x6620];
	v19 =	vmax.f32 v19, v21;
	v57 =	vmax.f32 v24, v27;
	v16 =	vadd.f32 v16, v9  }
0x2d4: {  	v59 =	vld [tilespmem:$0x6670];
	v17 =	vmul.f32 v19, v17;
	v22 =	vadd.f32 v22, v11;
	v15 =	vadd.f32 v18, v15  }
0x2d5: {  	v61 =	vld [tilespmem:$0x6660];
	v13 =	vadd.f32 v13, v8;
	v20 =	vmul.f32 v57, v25;
	v58 =	vmul.f32 $2.000000030e-01, v16  }
0x2d6: {  	v14 =	vmax.f32 v14, v60;
	v62 =	vmul.f32 $2.000000030e-01, v22;
	(xrf2) =	vadd.scan.msk.f32 $0xffff, v15  }
0x2d7: {  	v63 =	vmul.f32 $2.000000030e-01, v13;
	v17 =	vadd.f32 v20, v17;
	v16 =	vmax.f32 v16, v58  }
0x2d8: {  	v14 =	vmul.f32 v14, v54;
	v16 =	vmul.f32 v16, v56  }
0x2d9: {  	v15 =	vmax.f32 v22, v62;
	v13 =	vmax.f32 v13, v63;
	(xrf2) =	vadd.scan.msk.f32 $0xffff, v17  }
0x2da: {  	v15 =	vmul.f32 v15, v61;
	v13 =	vmul.f32 v13, v59;
	v14 =	vadd.f32 v14, v16;
	_ =	sdelay $0x1  }
0x2db: {  	v13 =	vadd.f32 v13, v15;
	(xrf2) =	vadd.scan.msk.f32 $0xffff, v14;
	_ =	sdelay $0x2  }
0x2dc: {  	(xrf2) =	vadd.scan.msk.f32 $0xffff, v13  }
0x2dd: {  	v13, _, _ =	vpop (xrf2)  }
0x2de: {  	v13 =	vmul.f32 $1.442695020e+00, v13;
	_ =	sdelay $0x1  }
0x2df: {  	v14, _, _ =	vpop (xrf2);
	v13 =	vbroadcast v13, $0xF  }
0x2e0: {  	v14 =	vmul.f32 $1.442695020e+00, v14  }
0x2e1: {  	(erf) = vpow2.f32 v13  }
0x2e2: {  	v15, _, _ =	vpop (xrf2);
	v13 =	vbroadcast v14, $0xF  }
0x2e3: {  	v15 =	vmul.f32 $1.442695020e+00, v15  }
0x2e4: {  	(erf) = vpow2.f32 v13  }
0x2e5: {  	v14, _, _ =	vpop (xrf2);
	v15 =	vbroadcast v15, $0xF  }
0x2e6: {  	v14 =	vmul.f32 $1.442695020e+00, v14  }
0x2e7: {  	s16 =	simm.s32 $0x0;
	(erf) = vpow2.f32 v15  }
0x2e8: {  	s25 =	simm.s32 $0x1;
	s5 =	simm.s32 $0x1E40;
	s1 =	simm.s32 $0x4E40;
	v13 =	vbroadcast v14, $0xF  }
.LBB2_11:
0x2e9: {  	p1 =	sne.s32 s25, $0x2F;
	s18 =	sadd.s32 $0x80, s18;
	s13 =	sadd.s32 $0x80, s13  }
0x2ea: {  	s23 =	smov.u32 s25;
	s25 =	sadd.s32 $0x1, s25;
	v14 =	vpop (erf);
	(erf) = vpow2.f32 v13  }
0x2eb: {  	v13 =	vmul.f32 v14, v10;
	v12 =	vmul.f32 v14, v12;
	_ =	sdelay $0x1  }
0x2ec: {  	[tilespmem:s5+$0xFFFFFFC0] =	vst v13;
	v10 =	vpop (erf)  }
0x2ed: {  	[tilespmem:s5+$0xFFFFFFD0] =	vst v12;
	v5 =	vmul.f32 v10, v5;
	v7 =	vmul.f32 v10, v7  }
0x2ee: {  	v12 =	vmov s16;
	s16 =	smov.u32 s23  }
0x2ef: {  	v12 =	vand.u32 $0x7F, v12;
	[tilespmem:s5+$0x0] =	vst v5;
	v5 =	vmul.f32 v1, v14;
	v13 =	vpop (erf)  }
0x2f0: {  	v9 =	vmul.f32 v13, v9;
	v6 =	vmul.f32 v13, v6;
	[tilespmem:s5+$0x10] =	vst v7;
	v7 =	vor.u32 $0x80, v12  }
0x2f1: {  	v12 =	vmul.f32 v2, v13;
	v7 =	vbroadcast v7, $0x0  }
0x2f2: {  	[tilespmem:s5+$0xFFFFFFE0] =	vst v9;
	v9 =	vmul.f32 v3, v10;
	v10 =	vpop (erf)  }
0x2f3: {  	v5 =	vadd.f32 v12, v5;
	[tilespmem:s5+$0xFFFFFFF0] =	vst v6;
	v6 =	vmul.f32 v10, v11;
	v8 =	vmul.f32 v10, v8;
	_ =	sdelay $0x1  }
0x2f4: {  	v5 =	vadd.f32 v9, v5;
	[tilespmem:s5+$0x20] =	vst v6  }
0x2f5: {  	[tilespmem:s5+$0x30] =	vst v8;
	s5 =	smov.u32 s18  }
0x2f6: {  	v6 =	vld.idx.msk [tilespmem:v7+s17+$0x0], $0xffff;
	_ =	sdelay $0x3  }
0x2f7: {  	v7 =	vmul.f32 v4, v10;
	_ =	sdelay $0x1  }
0x2f8: {  	v5 =	vadd.f32 v7, v5;
	v6 =	vand.u32 $0x7, v6  }
0x2f9: {  	vm0 =	veq.s32 v6, $0x1;
	vm1 =	veq.s32 v6, $0x5;
	vm2 =	veq.s32 v6, $0x7  }
0x2fa: {  	v7 =	vnsel vm0, $0x0, v5;
	v8 =	vnsel vm1, $0x0, v5;
	v9 =	vnsel vm2, $0x0, v5  }
0x2fb: {  	vm0 =	veq.s32 v6, $0x0;
	vm1 =	veq.s32 v6, $0x2;
	vm2 =	veq.s32 v6, $0x4;
	[tilespmem:s1+$0x30] =	vst v9  }
0x2fc: {  	v10 =	vnsel vm2, $0x0, v5;
	v9 =	vnsel vm0, $0x0, v5;
	v13 =	vld [tilespmem:s13+$0x30];
	[tilespmem:s1+$0xFFFFFFD0] =	vst v7;
	v7 =	vnsel vm1, $0x0, v5  }
0x2fd: {  	vm0 =	veq.s32 v6, $0x3;
	vm1 =	veq.s32 v6, $0x6;
	v11 =	vld [tilespmem:s13+$0xFFFFFFD0];
	[tilespmem:s1+$0x10] =	vst v8  }
0x2fe: {  	v6 =	vnsel vm0, $0x0, v5;
	v5 =	vnsel vm1, $0x0, v5;
	v8 =	vld [tilespmem:s13+$0x10];
	[tilespmem:s1+$0x0] =	vst v10  }
0x2ff: {  	v14 =	vld [tilespmem:s13+$0xFFFFFFF0];
	[tilespmem:s1+$0xFFFFFFC0] =	vst v9  }
0x300: {  	v9 =	vld [tilespmem:s13+$0x0];
	[tilespmem:s1+$0xFFFFFFE0] =	vst v7  }
0x301: {  	v15 =	vld [tilespmem:s13+$0xFFFFFFC0];
	[tilespmem:s1+$0xFFFFFFF0] =	vst v6  }
0x302: {  	v16 =	vld [tilespmem:s13+$0xFFFFFFE0];
	[tilespmem:s1+$0x20] =	vst v5;
	s1 =	smov.u32 s13  }
0x303: {  	v17 =	vld [tilespmem:$0x6630]  }
0x304: {  	v5 =	vld [tilespmem:s18+$0x0]  }
0x305: {  	v18 =	vld [tilespmem:$0x6650]  }
0x306: {  	v10 =	vld [tilespmem:s18+$0xFFFFFFC0]  }
0x307: {  	v7 =	vld [tilespmem:s18+$0x10]  }
0x308: {  	v12 =	vld [tilespmem:s18+$0xFFFFFFD0]  }
0x309: {  	v19 =	vadd.f32 v9, v5;
	v20 =	vld [tilespmem:$0x6640]  }
0x30a: {  	v21 =	vld [tilespmem:$0x6610]  }
0x30b: {  	v6 =	vld [tilespmem:s18+$0xFFFFFFF0];
	v22 =	vmul.f32 $2.000000030e-01, v19  }
0x30c: {  	v15 =	vadd.f32 v15, v10;
	v9 =	vld [tilespmem:s18+$0xFFFFFFE0];
	v23 =	vadd.f32 v8, v7  }
0x30d: {  	v24 =	vld [tilespmem:$0x6600];
	v25 =	vadd.f32 v11, v12;
	v8 =	vmax.f32 v19, v22  }
0x30e: {  	v11 =	vmul.f32 $2.000000030e-01, v15;
	v19 =	vmul.f32 $2.000000030e-01, v23;
	v22 =	vld [tilespmem:s13+$0x20]  }
0x30f: {  	v20 =	vmul.f32 v8, v20;
	v26 =	vmul.f32 $2.000000030e-01, v25;
	v8 =	vld [tilespmem:s18+$0x30]  }
0x310: {  	v15 =	vmax.f32 v15, v11;
	v14 =	vadd.f32 v14, v6;
	v19 =	vmax.f32 v23, v19;
	v11 =	vld [tilespmem:s18+$0x20]  }
0x311: {  	v23 =	vmax.f32 v25, v26;
	v16 =	vadd.f32 v16, v9;
	v25 =	vld [tilespmem:$0x6620];
	v18 =	vmul.f32 v19, v18  }
0x312: {  	v15 =	vmul.f32 v15, v24;
	v19 =	vmul.f32 v23, v21  }
0x313: {  	v23 =	vmul.f32 $2.000000030e-01, v14;
	v21 =	vmul.f32 $2.000000030e-01, v16;
	v18 =	vadd.f32 v18, v20  }
0x314: {  	v13 =	vadd.f32 v13, v8;
	v20 =	vld [tilespmem:$0x6670];
	v15 =	vadd.f32 v19, v15  }
0x315: {  	v14 =	vmax.f32 v14, v23;
	v16 =	vmax.f32 v16, v21;
	v19 =	vadd.f32 v22, v11;
	v21 =	vld [tilespmem:$0x6660]  }
0x316: {  	v14 =	vmul.f32 v14, v17;
	v16 =	vmul.f32 v16, v25;
	(xrf2) =	vadd.scan.msk.f32 $0xffff, v15  }
0x317: {  	v17 =	vmul.f32 $2.000000030e-01, v13;
	v15 =	vmul.f32 $2.000000030e-01, v19  }
0x318: {  	v14 =	vadd.f32 v14, v16  }
0x319: {  	v13 =	vmax.f32 v13, v17;
	v15 =	vmax.f32 v19, v15;
	(xrf2) =	vadd.scan.msk.f32 $0xffff, v18  }
0x31a: {  	v13 =	vmul.f32 v13, v20;
	v15 =	vmul.f32 v15, v21;
	_ =	sdelay $0x1  }
0x31b: {  	v13 =	vadd.f32 v13, v15;
	(xrf2) =	vadd.scan.msk.f32 $0xffff, v14;
	_ =	sdelay $0x2  }
0x31c: {  	(xrf2) =	vadd.scan.msk.f32 $0xffff, v13  }
0x31d: {  	v13, _, _ =	vpop (xrf2)  }
0x31e: {  	v13 =	vmul.f32 $1.442695020e+00, v13;
	_ =	sdelay $0x1  }
0x31f: {  	v13 =	vbroadcast v13, $0xF;
	v14, _, _ =	vpop (xrf2)  }
0x320: {  	v15 =	vmul.f32 $1.442695020e+00, v14  }
0x321: {  	(erf) = vpow2.f32 v13  }
0x322: {  	v13 =	vbroadcast v15, $0xF;
	v14, _, _ =	vpop (xrf2)  }
0x323: {  	v15 =	vmul.f32 $1.442695020e+00, v14  }
.Ltmp6:
0x324: {  	(erf) = vpow2.f32 v13;
	(pc) =	sbr.rel @p1 .LBB2_11-.Ltmp6, $4  }
0x325: {  	v13 =	vbroadcast v15, $0xF;
	v14, _, _ =	vpop (xrf2)  }
0x326: {  	v14 =	vmul.f32 $1.442695020e+00, v14  }
0x327: {  	(erf) = vpow2.f32 v13  }
0x328: {  	v13 =	vbroadcast v14, $0xF  }
0x329: {  	_ = 	snop  }
0x32a: {  	(erf) = vpow2.f32 v13;
	_ =	sdelay $0x2  }
0x32b: {  	v55 =	vpop (erf)  }
0x32c: {  	v10 =	vmul.f32 v55, v10;
	v14 =	vpop (erf)  }
0x32d: {  	v15 =	vmov s16;
	v12 =	vmul.f32 v55, v12;
	v7 =	vmul.f32 v14, v7  }
0x32e: {  	v56 =	vand.u32 $0x7F, v15;
	[tilespmem:s5+$0xFFFFFFC0] =	vst v10;
	v5 =	vmul.f32 v14, v5  }
0x32f: {  	[tilespmem:s5+$0xFFFFFFD0] =	vst v12;
	v10 =	vor.u32 $0x80, v56;
	v57 =	vpop (erf)  }
0x330: {  	v58 =	vbroadcast v10, $0x0;
	[tilespmem:s5+$0x0] =	vst v5;
	v5 =	vmul.f32 v57, v9  }
0x331: {  	[tilespmem:s5+$0x10] =	vst v7;
	v6 =	vmul.f32 v57, v6;
	v7 =	vpop (erf)  }
0x332: {  	[tilespmem:s5+$0xFFFFFFE0] =	vst v5;
	v5 =	vmul.f32 v7, v11  }
0x333: {  	[tilespmem:s5+$0xFFFFFFF0] =	vst v6;
	v6 =	vmul.f32 v7, v8  }
0x334: {  	[tilespmem:s5+$0x20] =	vst v5  }
0x335: {  	v59 =	vmul.f32 v2, v57;
	v5 =	vmul.f32 v1, v55;
	[tilespmem:s5+$0x30] =	vst v6  }
0x336: {  	v6 =	vld.idx.msk [tilespmem:v58+s17+$0x0], $0xffff  }
0x337: {  	v60 =	vmul.f32 v3, v14;
	v5 =	vadd.f32 v59, v5;
	_ =	sdelay $0x1  }
0x338: {  	v7 =	vmul.f32 v4, v7;
	v5 =	vadd.f32 v60, v5;
	_ =	sdelay $0x1  }
0x339: {  	v5 =	vadd.f32 v7, v5;
	v6 =	vand.u32 $0x7, v6  }
0x33a: {  	vm0 =	veq.s32 v6, $0x7  }
0x33b: {  	vm1 =	veq.s32 v6, $0x1;
	v7 =	vnsel vm0, $0x0, v5  }
0x33c: {  	vm11 =	veq.s32 v6, $0x4;
	v61 =	vnsel vm1, $0x0, v5;
	[tilespmem:s1+$0x30] =	vst v7  }
0x33d: {  	vm13 =	veq.s32 v6, $0x2;
	v62 =	vnsel vm11, $0x0, v5;
	[tilespmem:s1+$0xFFFFFFD0] =	vst v61  }
0x33e: {  	vm10 =	veq.s32 v6, $0x5;
	vm14 =	veq.s32 v6, $0x3;
	v63 =	vnsel vm13, $0x0, v5;
	[tilespmem:s1+$0x0] =	vst v62  }
0x33f: {  	vm12 =	veq.s32 v6, $0x0;
	vm15 =	veq.s32 v6, $0x6;
	v6 =	vnsel vm14, $0x0, v5;
	[tilespmem:s1+$0xFFFFFFE0] =	vst v63  }
0x340: {  	v7 =	vnsel vm10, $0x0, v5;
	[tilespmem:s1+$0xFFFFFFF0] =	vst v6  }
0x341: {  	[tilespmem:s1+$0x10] =	vst v7;
	v7 =	vnsel vm12, $0x0, v5  }
.Ltmp7:
0x342: {  	v5 =	vnsel vm15, $0x0, v5;
	[tilespmem:s1+$0xFFFFFFC0] =	vst v7;
	(pc) =	sbr.rel @p0 .LBB2_14-.Ltmp7, $4  }
0x343: {  	s23 =	simm.s32 $0x380;
	[tilespmem:s1+$0x20] =	vst v5  }
0x344: {  	[spmem:s2] =	stream.indirect.scatter.add.f32 [tilespmem:s24], [sflag:$0x8], $0x80, s23, s19, $0xb8;
	[tilespmem:$0x1CE80] =	vst v63  }
0x345: {  	s25 =	simm.s32 $0x580  }
0x346: {  	[spmem:s3] =	stream.indirect.scatter.add.f32 [tilespmem:s26], [sflag:$0xA], $0x80, s25, s19, $0xb8;
	[tilespmem:$0x1CE80] =	vst v63  }
0x347: {  	s1 =	sadd.s32 $0x6, s9  }
0x348: {  	s5 =	sadd.s32 s10, s1  }
0x349: {  	s1 =	sshll.u32 s1, $0x4;
	s5 =	sshll.u32 s5, $0x4  }
0x34a: {  	s1 =	sand.u32 $0x60, s1;
	s5 =	sand.u32 $0xFFFFF80, s5  }
.Ltmp8:
0x34b: {  	s23 =	rddreg [dreg:$0x1];
	s1 =	sor.u32 s1, s5;
	(pc) =	sbr.rel .LBB2_4-.Ltmp8, $4  }
0x34c: {  	s25 =	simm.s32 $0x0;
	s5 =	sadd.s32 s23, s1;
	s23 =	simm.s32 $0x100  }
0x34d: {  	[tilespmem:s23], [sflag:$0x2] =	stream.linear.gather [hbm4b:s5+s25], $0x100, $0x38;
	[tilespmem:$0x1CE80] =	vst v63  }
0x34e: {  	s28 =	sadd.s32 $0x1, s28;
	s1 =	sadd.s32 s8, s1  }
0x34f: {  	[tilespmem:s17], [sflag:$0x2] =	stream.linear.gather [hbm4b:s1+s25], $0x100, $0x38;
	[tilespmem:$0x1CE80] =	vst v63  }
.LBB2_15:
0x350: {  	_ =	sfence.sel $0x180000  }
0x351: {  	[bflag:$0x0] =	sbarrier.arrive $0xFFFF  }
0x352: {  	_ =	strace $0x90000047  }
0x353: {  	s0 =	stileid.u32;
	[bflag:$0x2] =	sbarrier.arrive $0xFFFF  }
0x354: {  	p0 =	sne.s32 s0, $0x0;
	s0 =	rddreg [dreg:$0x4]  }
0x355: {  	s0 =	sadd.s32 @!p0 $0x100000, s0  }
0x356: {  	[sflag:s0] =	ssyncadd.tile.s32 @!p0 $0x1;
	_ =	shalt  }
.Lfunc_end2:
_tile_overlayer_lowered:
.L_overlay_start_2:
0x357: {  	(tag) =	ssettag $0x2  }
0x358: {  	s0 =	rddreg [dreg:$0x0];
	s2 =	stileid.u32  }
0x359: {  	s1 =	rddreg [dreg:$0x1];
	p0 =	sne.s32 s2, $0x0  }
0x35a: {  	s3 =	rddreg [dreg:$0x2];
	[bflag:$0x3] =	sbarrier.arrive $0xFFFF;
	s2 =	simm.s32 @!p0 $0x1C0B  }
0x35b: {  	[timem:s3], [sflag:s2] =	dma.local @!p0 [hbm:s0], s1  }
0x35c: {  	s0 =	simm.s32 @!p0 $0xB  }
0x35d: {  	_ =	swait.ge @!p0 [sflag:s0], s1  }
0x35e: {  	s1 =	ssub.s32 @!p0 $0x0, s1;
	[sflag:s0] =	ssyncset.done @!p0 $0x0  }
0x35f: {  	[sflag:s0] =	ssyncadd.s32 @!p0 s1  }
0x360: {  	[bflag:$0x3] =	sbarrier.arrive $0xFFFF  }
0x361: {  	_ =	shalt  }

</sc_bundles>
